<compile_context>
chip_gen: v7x
topology: tpu7x:2x2x1
jax: 0.10.2.dev20260603
libtpu: 0.0.44.dev20260713+nightly
codegen_flags: <defaults>
</compile_context>

<pallas_src>
import jax
import jax.numpy as jnp
from jax import lax
from jax.experimental import pallas as pl
from jax.experimental.pallas import tpu as pltpu
from jax.experimental.pallas import tpu_sc as plsc

DIM = 3
PP1 = 4
B = 4096
NCP = 1024
OUT = 512
L = 16

NC = 2
NS = 16
NW = NC * NS
B_PER_W = B // NW
NB = 8
NCHUNK = B_PER_W // NB
NG = OUT // L

ROW = NCP * PP1
OBLK = PP1 * NB * 128


def _body(ctrl_hbm, nut_hbm, us_hbm, out_hbm,
          cp0, cp1, ob0, ob1, nut_v, us_v, si0, si1, so0, so1):
    wid = lax.axis_index("s") * NC + lax.axis_index("c")
    base = wid * B_PER_W

    pltpu.sync_copy(nut_hbm, nut_v)
    pltpu.sync_copy(us_hbm, us_v)

    def in_copy(c, buf, sem):
        return pltpu.make_async_copy(
            ctrl_hbm.at[pl.ds((base + c * NB) * ROW, NB * ROW)], buf, sem)

    def out_copy(c, buf, sem):
        bg = wid * NCHUNK + c
        return [pltpu.make_async_copy(
            buf.at[pl.ds(d * OBLK, OBLK)],
            out_hbm.at[pl.ds(d * (512 * OBLK) + bg * OBLK, OBLK)], sem)
            for d in range(DIM)]

    in_copy(0, cp0, si0).start()
    in_copy(1, cp1, si1).start()

    def compute(cp, ob):
        def g_body(g, carry):
            off = g * L
            s16 = us_v[pl.ds(off, L)]
            nus = [nut_v[pl.ds(off + k * OUT, L)] for k in range(PP1)]
            fidx = []
            for k in range(PP1):
                row = s16 + (k - 3)
                bk = ((row >> 7) << 9) + (row & 127)
                fidx.append([bk + d * 128 for d in range(PP1)])
            odst = ((off >> 7) << 10) + (off & 127)
            for b in range(NB):
                cpb = cp.at[pl.ds(b * ROW, ROW)]
                acc = [None] * PP1
                for d in range(PP1):
                    a = None
                    for k in range(PP1):
                        v = plsc.load_gather(cpb, [fidx[k][d]])
                        a = nus[k] * v if a is None else a + nus[k] * v
                    acc[d] = a
                rw = 1.0 / acc[PP1 - 1]
                for d in range(DIM):
                    ob[pl.ds(odst + (d * OBLK + b * 128), L)] = acc[d] * rw
            return carry

        lax.fori_loop(0, NG, g_body, 0)

    def pair_body(p, carry):
        for (i, cp, ob, si, so) in ((p * 2, cp0, ob0, si0, so0),
                                    (p * 2 + 1, cp1, ob1, si1, so1)):
            in_copy(i, cp, si).wait()

            @pl.when(p >= 1)
            def _():
                for cpy in out_copy(i - 2, ob, so):
                    cpy.wait()

            compute(cp, ob)
            for cpy in out_copy(i, ob, so):
                cpy.start()

            @pl.when(p < NCHUNK // 2 - 1)
            def _():
                in_copy(i + 2, cp, si).start()
        return carry

    lax.fori_loop(0, NCHUNK // 2, pair_body, 0)

    for cpy in out_copy(NCHUNK - 2, ob0, so0):
        cpy.wait()
    for cpy in out_copy(NCHUNK - 1, ob1, so1):
        cpy.wait()


def kernel(ctrl_pts, Nu, uspan):
    ctrl_flat = ctrl_pts.reshape(B, 8, 128, PP1).transpose(0, 1, 3, 2).reshape(
        B * ROW)
    nut = Nu.T.reshape(PP1 * OUT)
    us = uspan.astype(jnp.int32)
    run = pl.kernel(
        _body,
        mesh=plsc.VectorSubcoreMesh(core_axis_name="c", subcore_axis_name="s"),
        compiler_params=pltpu.CompilerParams(needs_layout_passes=False),
        out_type=jax.ShapeDtypeStruct((B * OUT * DIM,), jnp.float32),
        scratch_types=[
            pltpu.VMEM((NB * ROW,), jnp.float32),
            pltpu.VMEM((NB * ROW,), jnp.float32),
            pltpu.VMEM((DIM * OBLK,), jnp.float32),
            pltpu.VMEM((DIM * OBLK,), jnp.float32),
            pltpu.VMEM((PP1 * OUT,), jnp.float32),
            pltpu.VMEM((OUT,), jnp.int32),
            pltpu.SemaphoreType.DMA,
            pltpu.SemaphoreType.DMA,
            pltpu.SemaphoreType.DMA,
            pltpu.SemaphoreType.DMA,
        ],
    )
    out = run(ctrl_flat, nut, us)
    return out.reshape(DIM, 512, PP1, NB, 128).transpose(1, 3, 2, 4, 0).reshape(
        B, OUT, DIM)

# --- scband reference (transcript-rebuilt; emitter-appended) ---
"""Pipeline reference for scband-curve-eval-16415365005743 (READ-ONLY COPY).

The authoritative reference and input builder live on the scoring server;
editing this copy changes nothing except your own understanding.
"""

import jax, jax.numpy as jnp
import numpy as np

DELTA = 1e-08
M = 1023
P = 3
OUT_DIM = 512
DIM = 3
BATCH = 4096


def gen_knot_vector(p, m):
    # Clamped uniform knot vector, length m + p + 2
    n_internal = m - p
    internal = [i / (n_internal + 1.0) for i in range(1, n_internal + 1)]
    return np.array([0.0] * (p + 1) + internal + [1.0] * (p + 1), dtype=np.float64)


def find_span(m, p, u, U):
    # NURBS Book algorithm A2.1
    if u >= U[m + 1]:
        return m
    if u <= U[p]:
        return p
    low, high = p, m + 1
    mid = (low + high) // 2
    while u < U[mid] or u >= U[mid + 1]:
        if u < U[mid]:
            high = mid
        else:
            low = mid
        mid = (low + high) // 2
    return mid


def basis_funs(span, u, p, U):
    # NURBS Book algorithm A2.2 (the p+1 nonzero basis functions)
    N = np.zeros(p + 1, dtype=np.float64)
    N[0] = 1.0
    left = np.zeros(p + 1, dtype=np.float64)
    right = np.zeros(p + 1, dtype=np.float64)
    for j in range(1, p + 1):
        left[j] = u - U[span + 1 - j]
        right[j] = U[span + j] - u
        saved = 0.0
        for r in range(j):
            temp = N[r] / (right[r + 1] + left[j - r])
            N[r] = saved + right[r + 1] * temp
            saved = left[j - r] * temp
        N[j] = saved
    return N


def setup_inputs(seed: int = 0) -> dict:
    key = jax.random.key(seed)
    k1, k2 = jax.random.split(key)
    coords = jax.random.normal(k1, (BATCH, M + 1, DIM), dtype=jnp.float32)
    # weights (last channel) kept positive and bounded away from zero to avoid blowup in the rational division
    weights = jax.random.uniform(k2, (BATCH, M + 1, 1), dtype=jnp.float32) + 0.5
    ctrl_pts = jnp.concatenate([coords, weights], axis=-1)  # [B, m+1, dim+1]

    # Precompute basis (mirrors CurveEval.__init__ / _precompute_basis)
    U = gen_knot_vector(P, M)
    u = np.linspace(0.0 + DELTA, 1.0 - DELTA, OUT_DIM)
    uspan = np.array([find_span(M, P, ui, U) for ui in u], dtype=np.int32)
    Nu = np.stack([basis_funs(int(uspan[i]), u[i], P, U) for i in range(OUT_DIM)]).astype(np.float32)
    return {
        "ctrl_pts": ctrl_pts,
        "Nu": jnp.asarray(Nu),      # [out_dim, p+1] float32
        "uspan": jnp.asarray(uspan)  # [out_dim] int32
    }


def reference(ctrl_pts, Nu, uspan):
    # u_indices: [out_dim, p+1] control-point indices per parameter value
    u_indices = uspan[:, None] - P + jnp.arange(P + 1, dtype=uspan.dtype)
    # gather: [B, out_dim, p+1, dim+1]
    ctrl_u = ctrl_pts[:, u_indices]
    # einsum 'batch u p dim, u p -> batch u dim'
    curves_w = jnp.einsum('bupd,up->bud', ctrl_u, Nu)
    curves = curves_w[..., :DIM] / curves_w[..., DIM:DIM + 1]
    return curves

if __name__ == "__main__":
    import jax
    _d = setup_inputs()
    print(jax.jit(kernel)(*tuple(_d.values())))

</pallas_src>

<mosaic_0001>
#map = affine_map<(d0, d1) -> (0)>
module attributes {stable_mosaic.version = 14 : i64} {
  func.func @_body(%arg0: i32, %arg1: i32, %arg2: memref<16777216xf32, #tpu.memory_space<hbm>>, %arg3: memref<2048xf32, #tpu.memory_space<hbm>>, %arg4: memref<512xi32, #tpu.memory_space<hbm>>, %arg5: memref<6291456xf32, #tpu.memory_space<hbm>>, %arg6: memref<32768xf32, #tpu.memory_space<vmem>>, %arg7: memref<32768xf32, #tpu.memory_space<vmem>>, %arg8: memref<12288xf32, #tpu.memory_space<vmem>>, %arg9: memref<12288xf32, #tpu.memory_space<vmem>>, %arg10: memref<2048xf32, #tpu.memory_space<vmem>>, %arg11: memref<512xi32, #tpu.memory_space<vmem>>, %arg12: memref<!tpu.dma_semaphore, #tpu.memory_space<semaphore_mem>>, %arg13: memref<!tpu.dma_semaphore, #tpu.memory_space<semaphore_mem>>, %arg14: memref<!tpu.dma_semaphore, #tpu.memory_space<semaphore_mem>>, %arg15: memref<!tpu.dma_semaphore, #tpu.memory_space<semaphore_mem>>) attributes {dimension_semantics = [#tpu.dimension_semantics<core_parallel>, #tpu.dimension_semantics<subcore_parallel>], iteration_bounds = array<i64: 2, 16>, scalar_prefetch = 0 : i64, scratch_operands = 10 : i64, tpu.core_type = #tpu.core_type<sc_vector_subcore>, window_params = [{transform_indices = #map}, {transform_indices = #map}, {transform_indices = #map}, {transform_indices = #map}]} {
    %mul3A = arith.constant 2 : i32
    %mul3A_0 = arith.muli %arg1, %mul3A : i32
    %add3A = arith.addi %mul3A_0, %arg0 : i32
    %mul3A_1 = arith.constant 128 : i32
    %mul3A_2 = arith.muli %add3A, %mul3A_1 : i32
    "tpu.region"() ({
      %run_scoped3A = tpu.sem_alloc : memref<!tpu.dma_semaphore, #tpu.memory_space<semaphore_mem>>
      tpu.enqueue_dma source(%arg3 : memref<2048xf32, #tpu.memory_space<hbm>>) target(%arg10 : memref<2048xf32, #tpu.memory_space<vmem>>) target_semaphore(%run_scoped3A : memref<!tpu.dma_semaphore, #tpu.memory_space<semaphore_mem>>)
      tpu.wait_dma2 semaphore(%run_scoped3A : memref<!tpu.dma_semaphore, #tpu.memory_space<semaphore_mem>>) src(%arg3 : memref<2048xf32, #tpu.memory_space<hbm>>) dst(%arg10 : memref<2048xf32, #tpu.memory_space<vmem>>)
      tpu.yield
    }) : () -> ()
    "tpu.region"() ({
      %run_scoped3A = tpu.sem_alloc : memref<!tpu.dma_semaphore, #tpu.memory_space<semaphore_mem>>
      tpu.enqueue_dma source(%arg4 : memref<512xi32, #tpu.memory_space<hbm>>) target(%arg11 : memref<512xi32, #tpu.memory_space<vmem>>) target_semaphore(%run_scoped3A : memref<!tpu.dma_semaphore, #tpu.memory_space<semaphore_mem>>)
      tpu.wait_dma2 semaphore(%run_scoped3A : memref<!tpu.dma_semaphore, #tpu.memory_space<semaphore_mem>>) src(%arg4 : memref<512xi32, #tpu.memory_space<hbm>>) dst(%arg11 : memref<512xi32, #tpu.memory_space<vmem>>)
      tpu.yield
    }) : () -> ()
    %add3A_3 = arith.constant 0 : i32
    %add3A_4 = arith.addi %mul3A_2, %add3A_3 : i32
    %mul3A_5 = arith.constant 4096 : i32
    %mul3A_6 = arith.muli %add3A_4, %mul3A_5 : i32
    %dma_start3A = tpu.memref_slice %arg2[%mul3A_6] : memref<16777216xf32, #tpu.memory_space<hbm>> -> memref<32768xf32, #tpu.memory_space<hbm>>
    %dma_start3A_7 = tpu.memref_slice %arg2[%mul3A_6] : memref<16777216xf32, #tpu.memory_space<hbm>> -> memref<32768xf32, #tpu.memory_space<hbm>>
    tpu.enqueue_dma source(%dma_start3A_7 : memref<32768xf32, #tpu.memory_space<hbm>>) target(%arg6 : memref<32768xf32, #tpu.memory_space<vmem>>) target_semaphore(%arg12 : memref<!tpu.dma_semaphore, #tpu.memory_space<semaphore_mem>>)
    %add3A_8 = arith.constant 8 : i32
    %add3A_9 = arith.addi %mul3A_2, %add3A_8 : i32
    %mul3A_10 = arith.constant 4096 : i32
    %mul3A_11 = arith.muli %add3A_9, %mul3A_10 : i32
    %dma_start3A_12 = tpu.memref_slice %arg2[%mul3A_11] : memref<16777216xf32, #tpu.memory_space<hbm>> -> memref<32768xf32, #tpu.memory_space<hbm>>
    %dma_start3A_13 = tpu.memref_slice %arg2[%mul3A_11] : memref<16777216xf32, #tpu.memory_space<hbm>> -> memref<32768xf32, #tpu.memory_space<hbm>>
    tpu.enqueue_dma source(%dma_start3A_13 : memref<32768xf32, #tpu.memory_space<hbm>>) target(%arg7 : memref<32768xf32, #tpu.memory_space<vmem>>) target_semaphore(%arg13 : memref<!tpu.dma_semaphore, #tpu.memory_space<semaphore_mem>>)
    %scan3A = arith.constant 0 : i32
    %scan3A_14 = arith.constant 0 : i32
    %scan3A_15 = arith.constant 8 : i32
    %scan3A_16 = arith.addi %scan3A_14, %scan3A_15 : i32
    %scan3A_17 = arith.constant 1 : i32
    scf.for %scan3A_86 = %scan3A_14 to %scan3A_16 step %scan3A_17  : i32 {
      %mul3A_87 = arith.constant 2 : i32
      %mul3A_88 = arith.muli %scan3A_86, %mul3A_87 : i32
      %mul3A_89 = arith.constant 2 : i32
      %mul3A_90 = arith.muli %scan3A_86, %mul3A_89 : i32
      %add3A_91 = arith.constant 1 : i32
      %add3A_92 = arith.addi %mul3A_90, %add3A_91 : i32
      %mul3A_93 = arith.constant 8 : i32
      %mul3A_94 = arith.muli %mul3A_88, %mul3A_93 : i32
      %add3A_95 = arith.addi %mul3A_2, %mul3A_94 : i32
      %mul3A_96 = arith.constant 4096 : i32
      %mul3A_97 = arith.muli %add3A_95, %mul3A_96 : i32
      %dma_wait3A_98 = tpu.memref_slice %arg2[%mul3A_97] : memref<16777216xf32, #tpu.memory_space<hbm>> -> memref<32768xf32, #tpu.memory_space<hbm>>
      %dma_wait3A_99 = tpu.memref_slice %arg2[%mul3A_97] : memref<16777216xf32, #tpu.memory_space<hbm>> -> memref<32768xf32, #tpu.memory_space<hbm>>
      tpu.wait_dma2 semaphore(%arg12 : memref<!tpu.dma_semaphore, #tpu.memory_space<semaphore_mem>>) src(%dma_wait3A_99 : memref<32768xf32, #tpu.memory_space<hbm>>) dst(%arg6 : memref<32768xf32, #tpu.memory_space<vmem>>)
      %ge3A = arith.constant 1 : i32
      %ge3A_100 = arith.cmpi sge, %scan3A_86, %ge3A : i32
      %convert_element_type3A = arith.extui %ge3A_100 : i1 to i32
      %cond3A = arith.constant 0 : i32
      %cond3A_101 = arith.cmpi ne, %convert_element_type3A, %cond3A : i32
      scf.if %cond3A_101 {
        %sub3A = arith.constant 2 : i32
        %sub3A_201 = arith.subi %mul3A_88, %sub3A : i32
        %mul3A_202 = arith.constant 16 : i32
        %mul3A_203 = arith.muli %add3A, %mul3A_202 : i32
        %add3A_204 = arith.addi %mul3A_203, %sub3A_201 : i32
        %mul3A_205 = arith.constant 4096 : i32
        %mul3A_206 = arith.muli %add3A_204, %mul3A_205 : i32
        %add3A_207 = arith.constant 0 : i32
        %add3A_208 = arith.addi %add3A_207, %mul3A_206 : i32
        %mul3A_209 = arith.constant 4096 : i32
        %mul3A_210 = arith.muli %add3A_204, %mul3A_209 : i32
        %add3A_211 = arith.constant 2097152 : i32
        %add3A_212 = arith.addi %add3A_211, %mul3A_210 : i32
        %mul3A_213 = arith.constant 4096 : i32
        %mul3A_214 = arith.muli %add3A_204, %mul3A_213 : i32
        %add3A_215 = arith.constant 4194304 : i32
        %add3A_216 = arith.addi %add3A_215, %mul3A_214 : i32
        %dma_wait3A_217 = arith.constant 0 : i32
        %dma_wait3A_218 = tpu.memref_slice %arg8[%dma_wait3A_217] : memref<12288xf32, #tpu.memory_space<vmem>> -> memref<4096xf32, #tpu.memory_space<vmem>>
        %dma_wait3A_219 = tpu.memref_slice %arg5[%add3A_208] : memref<6291456xf32, #tpu.memory_space<hbm>> -> memref<4096xf32, #tpu.memory_space<hbm>>
        %dma_wait3A_220 = tpu.memref_slice %arg5[%add3A_208] : memref<6291456xf32, #tpu.memory_space<hbm>> -> memref<4096xf32, #tpu.memory_space<hbm>>
        %dma_wait3A_221 = arith.constant 0 : i32
        %dma_wait3A_222 = tpu.memref_slice %arg8[%dma_wait3A_221] : memref<12288xf32, #tpu.memory_space<vmem>> -> memref<4096xf32, #tpu.memory_space<vmem>>
        tpu.wait_dma2 semaphore(%arg14 : memref<!tpu.dma_semaphore, #tpu.memory_space<semaphore_mem>>) src(%dma_wait3A_222 : memref<4096xf32, #tpu.memory_space<vmem>>) dst(%dma_wait3A_220 : memref<4096xf32, #tpu.memory_space<hbm>>)
        %dma_wait3A_223 = arith.constant 4096 : i32
        %dma_wait3A_224 = tpu.memref_slice %arg8[%dma_wait3A_223] : memref<12288xf32, #tpu.memory_space<vmem>> -> memref<4096xf32, #tpu.memory_space<vmem>>
        %dma_wait3A_225 = tpu.memref_slice %arg5[%add3A_212] : memref<6291456xf32, #tpu.memory_space<hbm>> -> memref<4096xf32, #tpu.memory_space<hbm>>
        %dma_wait3A_226 = tpu.memref_slice %arg5[%add3A_212] : memref<6291456xf32, #tpu.memory_space<hbm>> -> memref<4096xf32, #tpu.memory_space<hbm>>
        %dma_wait3A_227 = arith.constant 4096 : i32
        %dma_wait3A_228 = tpu.memref_slice %arg8[%dma_wait3A_227] : memref<12288xf32, #tpu.memory_space<vmem>> -> memref<4096xf32, #tpu.memory_space<vmem>>
        tpu.wait_dma2 semaphore(%arg14 : memref<!tpu.dma_semaphore, #tpu.memory_space<semaphore_mem>>) src(%dma_wait3A_228 : memref<4096xf32, #tpu.memory_space<vmem>>) dst(%dma_wait3A_226 : memref<4096xf32, #tpu.memory_space<hbm>>)
        %dma_wait3A_229 = arith.constant 8192 : i32
        %dma_wait3A_230 = tpu.memref_slice %arg8[%dma_wait3A_229] : memref<12288xf32, #tpu.memory_space<vmem>> -> memref<4096xf32, #tpu.memory_space<vmem>>
        %dma_wait3A_231 = tpu.memref_slice %arg5[%add3A_216] : memref<6291456xf32, #tpu.memory_space<hbm>> -> memref<4096xf32, #tpu.memory_space<hbm>>
        %dma_wait3A_232 = tpu.memref_slice %arg5[%add3A_216] : memref<6291456xf32, #tpu.memory_space<hbm>> -> memref<4096xf32, #tpu.memory_space<hbm>>
        %dma_wait3A_233 = arith.constant 8192 : i32
        %dma_wait3A_234 = tpu.memref_slice %arg8[%dma_wait3A_233] : memref<12288xf32, #tpu.memory_space<vmem>> -> memref<4096xf32, #tpu.memory_space<vmem>>
        tpu.wait_dma2 semaphore(%arg14 : memref<!tpu.dma_semaphore, #tpu.memory_space<semaphore_mem>>) src(%dma_wait3A_234 : memref<4096xf32, #tpu.memory_space<vmem>>) dst(%dma_wait3A_232 : memref<4096xf32, #tpu.memory_space<hbm>>)
      } else {
      }
      %scan3A_102 = arith.constant 0 : i32
      %scan3A_103 = arith.constant 0 : i32
      %scan3A_104 = arith.constant 32 : i32
      %scan3A_105 = arith.addi %scan3A_103, %scan3A_104 : i32
      %scan3A_106 = arith.constant 1 : i32
      scf.for %scan3A_201 = %scan3A_103 to %scan3A_105 step %scan3A_106  : i32 {
        %mul3A_202 = arith.constant 16 : i32
        %mul3A_203 = arith.muli %scan3A_201, %mul3A_202 : i32
        %get3A = arith.index_cast %mul3A_203 : i32 to index
        %get3A_204 = tpu.vector_load %arg11[%get3A] {strides = array<i32>} : memref<512xi32, #tpu.memory_space<vmem>>, vector<16xi32>,
        %add3A_205 = arith.constant 0 : i32
        %add3A_206 = arith.addi %mul3A_203, %add3A_205 : i32
        %get3A_207 = arith.index_cast %add3A_206 : i32 to index
        %get3A_208 = tpu.vector_load %arg10[%get3A_207] {strides = array<i32>} : memref<2048xf32, #tpu.memory_space<vmem>>, vector<16xf32>,
        %add3A_209 = arith.constant 512 : i32
        %add3A_210 = arith.addi %mul3A_203, %add3A_209 : i32
        %get3A_211 = arith.index_cast %add3A_210 : i32 to index
        %get3A_212 = tpu.vector_load %arg10[%get3A_211] {strides = array<i32>} : memref<2048xf32, #tpu.memory_space<vmem>>, vector<16xf32>,
        %add3A_213 = arith.constant 1024 : i32
        %add3A_214 = arith.addi %mul3A_203, %add3A_213 : i32
        %get3A_215 = arith.index_cast %add3A_214 : i32 to index
        %get3A_216 = tpu.vector_load %arg10[%get3A_215] {strides = array<i32>} : memref<2048xf32, #tpu.memory_space<vmem>>, vector<16xf32>,
        %add3A_217 = arith.constant 1536 : i32
        %add3A_218 = arith.addi %mul3A_203, %add3A_217 : i32
        %get3A_219 = arith.index_cast %add3A_218 : i32 to index
        %get3A_220 = tpu.vector_load %arg10[%get3A_219] {strides = array<i32>} : memref<2048xf32, #tpu.memory_space<vmem>>, vector<16xf32>,
        %add3A_221 = arith.constant -3 : i32
        %add3A_222 = vector.broadcast %add3A_221 : i32 to vector<16xi32>
        %add3A_223 = arith.addi %get3A_204, %add3A_222 : vector<16xi32>
        %shift_right_arithmetic3A = arith.constant 7 : i32
        %shift_right_arithmetic3A_224 = vector.broadcast %shift_right_arithmetic3A : i32 to vector<16xi32>
        %shift_right_arithmetic3A_225 = arith.shrsi %add3A_223, %shift_right_arithmetic3A_224 : vector<16xi32>
        %shift_left3A = arith.constant 9 : i32
        %shift_left3A_226 = vector.broadcast %shift_left3A : i32 to vector<16xi32>
        %shift_left3A_227 = arith.shli %shift_right_arithmetic3A_225, %shift_left3A_226 : vector<16xi32>
        %and3A = arith.constant 127 : i32
        %and3A_228 = vector.broadcast %and3A : i32 to vector<16xi32>
        %and3A_229 = arith.andi %add3A_223, %and3A_228 : vector<16xi32>
        %add3A_230 = arith.addi %shift_left3A_227, %and3A_229 : vector<16xi32>
        %add3A_231 = arith.constant 0 : i32
        %add3A_232 = vector.broadcast %add3A_231 : i32 to vector<16xi32>
        %add3A_233 = arith.addi %add3A_230, %add3A_232 : vector<16xi32>
        %add3A_234 = arith.constant 128 : i32
        %add3A_235 = vector.broadcast %add3A_234 : i32 to vector<16xi32>
        %add3A_236 = arith.addi %add3A_230, %add3A_235 : vector<16xi32>
        %add3A_237 = arith.constant 256 : i32
        %add3A_238 = vector.broadcast %add3A_237 : i32 to vector<16xi32>
        %add3A_239 = arith.addi %add3A_230, %add3A_238 : vector<16xi32>
        %add3A_240 = arith.constant 384 : i32
        %add3A_241 = vector.broadcast %add3A_240 : i32 to vector<16xi32>
        %add3A_242 = arith.addi %add3A_230, %add3A_241 : vector<16xi32>
        %add3A_243 = arith.constant -2 : i32
        %add3A_244 = vector.broadcast %add3A_243 : i32 to vector<16xi32>
        %add3A_245 = arith.addi %get3A_204, %add3A_244 : vector<16xi32>
        %shift_right_arithmetic3A_246 = arith.constant 7 : i32
        %shift_right_arithmetic3A_247 = vector.broadcast %shift_right_arithmetic3A_246 : i32 to vector<16xi32>
        %shift_right_arithmetic3A_248 = arith.shrsi %add3A_245, %shift_right_arithmetic3A_247 : vector<16xi32>
        %shift_left3A_249 = arith.constant 9 : i32
        %shift_left3A_250 = vector.broadcast %shift_left3A_249 : i32 to vector<16xi32>
        %shift_left3A_251 = arith.shli %shift_right_arithmetic3A_248, %shift_left3A_250 : vector<16xi32>
        %and3A_252 = arith.constant 127 : i32
        %and3A_253 = vector.broadcast %and3A_252 : i32 to vector<16xi32>
        %and3A_254 = arith.andi %add3A_245, %and3A_253 : vector<16xi32>
        %add3A_255 = arith.addi %shift_left3A_251, %and3A_254 : vector<16xi32>
        %add3A_256 = arith.constant 0 : i32
        %add3A_257 = vector.broadcast %add3A_256 : i32 to vector<16xi32>
        %add3A_258 = arith.addi %add3A_255, %add3A_257 : vector<16xi32>
        %add3A_259 = arith.constant 128 : i32
        %add3A_260 = vector.broadcast %add3A_259 : i32 to vector<16xi32>
        %add3A_261 = arith.addi %add3A_255, %add3A_260 : vector<16xi32>
        %add3A_262 = arith.constant 256 : i32
        %add3A_263 = vector.broadcast %add3A_262 : i32 to vector<16xi32>
        %add3A_264 = arith.addi %add3A_255, %add3A_263 : vector<16xi32>
        %add3A_265 = arith.constant 384 : i32
        %add3A_266 = vector.broadcast %add3A_265 : i32 to vector<16xi32>
        %add3A_267 = arith.addi %add3A_255, %add3A_266 : vector<16xi32>
        %add3A_268 = arith.constant -1 : i32
        %add3A_269 = vector.broadcast %add3A_268 : i32 to vector<16xi32>
        %add3A_270 = arith.addi %get3A_204, %add3A_269 : vector<16xi32>
        %shift_right_arithmetic3A_271 = arith.constant 7 : i32
        %shift_right_arithmetic3A_272 = vector.broadcast %shift_right_arithmetic3A_271 : i32 to vector<16xi32>
        %shift_right_arithmetic3A_273 = arith.shrsi %add3A_270, %shift_right_arithmetic3A_272 : vector<16xi32>
        %shift_left3A_274 = arith.constant 9 : i32
        %shift_left3A_275 = vector.broadcast %shift_left3A_274 : i32 to vector<16xi32>
        %shift_left3A_276 = arith.shli %shift_right_arithmetic3A_273, %shift_left3A_275 : vector<16xi32>
        %and3A_277 = arith.constant 127 : i32
        %and3A_278 = vector.broadcast %and3A_277 : i32 to vector<16xi32>
        %and3A_279 = arith.andi %add3A_270, %and3A_278 : vector<16xi32>
        %add3A_280 = arith.addi %shift_left3A_276, %and3A_279 : vector<16xi32>
        %add3A_281 = arith.constant 0 : i32
        %add3A_282 = vector.broadcast %add3A_281 : i32 to vector<16xi32>
        %add3A_283 = arith.addi %add3A_280, %add3A_282 : vector<16xi32>
        %add3A_284 = arith.constant 128 : i32
        %add3A_285 = vector.broadcast %add3A_284 : i32 to vector<16xi32>
        %add3A_286 = arith.addi %add3A_280, %add3A_285 : vector<16xi32>
        %add3A_287 = arith.constant 256 : i32
        %add3A_288 = vector.broadcast %add3A_287 : i32 to vector<16xi32>
        %add3A_289 = arith.addi %add3A_280, %add3A_288 : vector<16xi32>
        %add3A_290 = arith.constant 384 : i32
        %add3A_291 = vector.broadcast %add3A_290 : i32 to vector<16xi32>
        %add3A_292 = arith.addi %add3A_280, %add3A_291 : vector<16xi32>
        %add3A_293 = arith.constant 0 : i32
        %add3A_294 = vector.broadcast %add3A_293 : i32 to vector<16xi32>
        %add3A_295 = arith.addi %get3A_204, %add3A_294 : vector<16xi32>
        %shift_right_arithmetic3A_296 = arith.constant 7 : i32
        %shift_right_arithmetic3A_297 = vector.broadcast %shift_right_arithmetic3A_296 : i32 to vector<16xi32>
        %shift_right_arithmetic3A_298 = arith.shrsi %add3A_295, %shift_right_arithmetic3A_297 : vector<16xi32>
        %shift_left3A_299 = arith.constant 9 : i32
        %shift_left3A_300 = vector.broadcast %shift_left3A_299 : i32 to vector<16xi32>
        %shift_left3A_301 = arith.shli %shift_right_arithmetic3A_298, %shift_left3A_300 : vector<16xi32>
        %and3A_302 = arith.constant 127 : i32
        %and3A_303 = vector.broadcast %and3A_302 : i32 to vector<16xi32>
        %and3A_304 = arith.andi %add3A_295, %and3A_303 : vector<16xi32>
        %add3A_305 = arith.addi %shift_left3A_301, %and3A_304 : vector<16xi32>
        %add3A_306 = arith.constant 0 : i32
        %add3A_307 = vector.broadcast %add3A_306 : i32 to vector<16xi32>
        %add3A_308 = arith.addi %add3A_305, %add3A_307 : vector<16xi32>
        %add3A_309 = arith.constant 128 : i32
        %add3A_310 = vector.broadcast %add3A_309 : i32 to vector<16xi32>
        %add3A_311 = arith.addi %add3A_305, %add3A_310 : vector<16xi32>
        %add3A_312 = arith.constant 256 : i32
        %add3A_313 = vector.broadcast %add3A_312 : i32 to vector<16xi32>
        %add3A_314 = arith.addi %add3A_305, %add3A_313 : vector<16xi32>
        %add3A_315 = arith.constant 384 : i32
        %add3A_316 = vector.broadcast %add3A_315 : i32 to vector<16xi32>
        %add3A_317 = arith.addi %add3A_305, %add3A_316 : vector<16xi32>
        %shift_right_arithmetic3A_318 = arith.constant 7 : i32
        %shift_right_arithmetic3A_319 = arith.shrsi %mul3A_203, %shift_right_arithmetic3A_318 : i32
        %shift_left3A_320 = arith.constant 10 : i32
        %shift_left3A_321 = arith.shli %shift_right_arithmetic3A_319, %shift_left3A_320 : i32
        %and3A_322 = arith.constant 127 : i32
        %and3A_323 = arith.andi %mul3A_203, %and3A_322 : i32
        %add3A_324 = arith.addi %shift_left3A_321, %and3A_323 : i32
        %gather3A = arith.constant 0 : i32
        %gather3A_325 = tpu.memref_slice %arg6[%gather3A] : memref<32768xf32, #tpu.memory_space<vmem>> -> memref<4096xf32, #tpu.memory_space<vmem>>
        %gather3A_326 = tpu.vector_load_idx %gather3A_325[%add3A_233] : memref<4096xf32, #tpu.memory_space<vmem>>[vector<16xi32>], vector<16xf32>,
        %mul3A_327 = arith.mulf %get3A_208, %gather3A_326 : vector<16xf32>
        %gather3A_328 = arith.constant 0 : i32
        %gather3A_329 = tpu.memref_slice %arg6[%gather3A_328] : memref<32768xf32, #tpu.memory_space<vmem>> -> memref<4096xf32, #tpu.memory_space<vmem>>
        %gather3A_330 = tpu.vector_load_idx %gather3A_329[%add3A_258] : memref<4096xf32, #tpu.memory_space<vmem>>[vector<16xi32>], vector<16xf32>,
        %mul3A_331 = arith.mulf %get3A_212, %gather3A_330 : vector<16xf32>
        %add3A_332 = arith.addf %mul3A_327, %mul3A_331 : vector<16xf32>
        %gather3A_333 = arith.constant 0 : i32
        %gather3A_334 = tpu.memref_slice %arg6[%gather3A_333] : memref<32768xf32, #tpu.memory_space<vmem>> -> memref<4096xf32, #tpu.memory_space<vmem>>
        %gather3A_335 = tpu.vector_load_idx %gather3A_334[%add3A_283] : memref<4096xf32, #tpu.memory_space<vmem>>[vector<16xi32>], vector<16xf32>,
        %mul3A_336 = arith.mulf %get3A_216, %gather3A_335 : vector<16xf32>
        %add3A_337 = arith.addf %add3A_332, %mul3A_336 : vector<16xf32>
        %gather3A_338 = arith.constant 0 : i32
        %gather3A_339 = tpu.memref_slice %arg6[%gather3A_338] : memref<32768xf32, #tpu.memory_space<vmem>> -> memref<4096xf32, #tpu.memory_space<vmem>>
        %gather3A_340 = tpu.vector_load_idx %gather3A_339[%add3A_308] : memref<4096xf32, #tpu.memory_space<vmem>>[vector<16xi32>], vector<16xf32>,
        %mul3A_341 = arith.mulf %get3A_220, %gather3A_340 : vector<16xf32>
        %add3A_342 = arith.addf %add3A_337, %mul3A_341 : vector<16xf32>
        %gather3A_343 = arith.constant 0 : i32
        %gather3A_344 = tpu.memref_slice %arg6[%gather3A_343] : memref<32768xf32, #tpu.memory_space<vmem>> -> memref<4096xf32, #tpu.memory_space<vmem>>
        %gather3A_345 = tpu.vector_load_idx %gather3A_344[%add3A_236] : memref<4096xf32, #tpu.memory_space<vmem>>[vector<16xi32>], vector<16xf32>,
        %mul3A_346 = arith.mulf %get3A_208, %gather3A_345 : vector<16xf32>
        %gather3A_347 = arith.constant 0 : i32
        %gather3A_348 = tpu.memref_slice %arg6[%gather3A_347] : memref<32768xf32, #tpu.memory_space<vmem>> -> memref<4096xf32, #tpu.memory_space<vmem>>
        %gather3A_349 = tpu.vector_load_idx %gather3A_348[%add3A_261] : memref<4096xf32, #tpu.memory_space<vmem>>[vector<16xi32>], vector<16xf32>,
        %mul3A_350 = arith.mulf %get3A_212, %gather3A_349 : vector<16xf32>
        %add3A_351 = arith.addf %mul3A_346, %mul3A_350 : vector<16xf32>
        %gather3A_352 = arith.constant 0 : i32
        %gather3A_353 = tpu.memref_slice %arg6[%gather3A_352] : memref<32768xf32, #tpu.memory_space<vmem>> -> memref<4096xf32, #tpu.memory_space<vmem>>
        %gather3A_354 = tpu.vector_load_idx %gather3A_353[%add3A_286] : memref<4096xf32, #tpu.memory_space<vmem>>[vector<16xi32>], vector<16xf32>,
        %mul3A_355 = arith.mulf %get3A_216, %gather3A_354 : vector<16xf32>
        %add3A_356 = arith.addf %add3A_351, %mul3A_355 : vector<16xf32>
        %gather3A_357 = arith.constant 0 : i32
        %gather3A_358 = tpu.memref_slice %arg6[%gather3A_357] : memref<32768xf32, #tpu.memory_space<vmem>> -> memref<4096xf32, #tpu.memory_space<vmem>>
        %gather3A_359 = tpu.vector_load_idx %gather3A_358[%add3A_311] : memref<4096xf32, #tpu.memory_space<vmem>>[vector<16xi32>], vector<16xf32>,
        %mul3A_360 = arith.mulf %get3A_220, %gather3A_359 : vector<16xf32>
        %add3A_361 = arith.addf %add3A_356, %mul3A_360 : vector<16xf32>
        %gather3A_362 = arith.constant 0 : i32
        %gather3A_363 = tpu.memref_slice %arg6[%gather3A_362] : memref<32768xf32, #tpu.memory_space<vmem>> -> memref<4096xf32, #tpu.memory_space<vmem>>
        %gather3A_364 = tpu.vector_load_idx %gather3A_363[%add3A_239] : memref<4096xf32, #tpu.memory_space<vmem>>[vector<16xi32>], vector<16xf32>,
        %mul3A_365 = arith.mulf %get3A_208, %gather3A_364 : vector<16xf32>
        %gather3A_366 = arith.constant 0 : i32
        %gather3A_367 = tpu.memref_slice %arg6[%gather3A_366] : memref<32768xf32, #tpu.memory_space<vmem>> -> memref<4096xf32, #tpu.memory_space<vmem>>
        %gather3A_368 = tpu.vector_load_idx %gather3A_367[%add3A_264] : memref<4096xf32, #tpu.memory_space<vmem>>[vector<16xi32>], vector<16xf32>,
        %mul3A_369 = arith.mulf %get3A_212, %gather3A_368 : vector<16xf32>
        %add3A_370 = arith.addf %mul3A_365, %mul3A_369 : vector<16xf32>
        %gather3A_371 = arith.constant 0 : i32
        %gather3A_372 = tpu.memref_slice %arg6[%gather3A_371] : memref<32768xf32, #tpu.memory_space<vmem>> -> memref<4096xf32, #tpu.memory_space<vmem>>
        %gather3A_373 = tpu.vector_load_idx %gather3A_372[%add3A_289] : memref<4096xf32, #tpu.memory_space<vmem>>[vector<16xi32>], vector<16xf32>,
        %mul3A_374 = arith.mulf %get3A_216, %gather3A_373 : vector<16xf32>
        %add3A_375 = arith.addf %add3A_370, %mul3A_374 : vector<16xf32>
        %gather3A_376 = arith.constant 0 : i32
        %gather3A_377 = tpu.memref_slice %arg6[%gather3A_376] : memref<32768xf32, #tpu.memory_space<vmem>> -> memref<4096xf32, #tpu.memory_space<vmem>>
        %gather3A_378 = tpu.vector_load_idx %gather3A_377[%add3A_314] : memref<4096xf32, #tpu.memory_space<vmem>>[vector<16xi32>], vector<16xf32>,
        %mul3A_379 = arith.mulf %get3A_220, %gather3A_378 : vector<16xf32>
        %add3A_380 = arith.addf %add3A_375, %mul3A_379 : vector<16xf32>
        %gather3A_381 = arith.constant 0 : i32
        %gather3A_382 = tpu.memref_slice %arg6[%gather3A_381] : memref<32768xf32, #tpu.memory_space<vmem>> -> memref<4096xf32, #tpu.memory_space<vmem>>
        %gather3A_383 = tpu.vector_load_idx %gather3A_382[%add3A_242] : memref<4096xf32, #tpu.memory_space<vmem>>[vector<16xi32>], vector<16xf32>,
        %mul3A_384 = arith.mulf %get3A_208, %gather3A_383 : vector<16xf32>
        %gather3A_385 = arith.constant 0 : i32
        %gather3A_386 = tpu.memref_slice %arg6[%gather3A_385] : memref<32768xf32, #tpu.memory_space<vmem>> -> memref<4096xf32, #tpu.memory_space<vmem>>
        %gather3A_387 = tpu.vector_load_idx %gather3A_386[%add3A_267] : memref<4096xf32, #tpu.memory_space<vmem>>[vector<16xi32>], vector<16xf32>,
        %mul3A_388 = arith.mulf %get3A_212, %gather3A_387 : vector<16xf32>
        %add3A_389 = arith.addf %mul3A_384, %mul3A_388 : vector<16xf32>
        %gather3A_390 = arith.constant 0 : i32
        %gather3A_391 = tpu.memref_slice %arg6[%gather3A_390] : memref<32768xf32, #tpu.memory_space<vmem>> -> memref<4096xf32, #tpu.memory_space<vmem>>
        %gather3A_392 = tpu.vector_load_idx %gather3A_391[%add3A_292] : memref<4096xf32, #tpu.memory_space<vmem>>[vector<16xi32>], vector<16xf32>,
        %mul3A_393 = arith.mulf %get3A_216, %gather3A_392 : vector<16xf32>
        %add3A_394 = arith.addf %add3A_389, %mul3A_393 : vector<16xf32>
        %gather3A_395 = arith.constant 0 : i32
        %gather3A_396 = tpu.memref_slice %arg6[%gather3A_395] : memref<32768xf32, #tpu.memory_space<vmem>> -> memref<4096xf32, #tpu.memory_space<vmem>>
        %gather3A_397 = tpu.vector_load_idx %gather3A_396[%add3A_317] : memref<4096xf32, #tpu.memory_space<vmem>>[vector<16xi32>], vector<16xf32>,
        %mul3A_398 = arith.mulf %get3A_220, %gather3A_397 : vector<16xf32>
        %add3A_399 = arith.addf %add3A_394, %mul3A_398 : vector<16xf32>
        %div3A = arith.constant 1.000000e+00 : f32
        %div3A_400 = vector.broadcast %div3A : f32 to vector<16xf32>
        %div3A_401 = arith.divf %div3A_400, %add3A_399 : vector<16xf32>
        %mul3A_402 = arith.mulf %add3A_342, %div3A_401 : vector<16xf32>
        %add3A_403 = arith.constant 0 : i32
        %add3A_404 = arith.addi %add3A_324, %add3A_403 : i32
        %swap3A = arith.index_cast %add3A_404 : i32 to index
        %swap3A_405 = tpu.vector_load %arg8[%swap3A] {strides = array<i32>} : memref<12288xf32, #tpu.memory_space<vmem>>, vector<16xf32>,
        tpu.vector_store %arg8[%swap3A], %mul3A_402 {strides = array<i32>} : memref<12288xf32, #tpu.memory_space<vmem>>, vector<16xf32>,
        %mul3A_406 = arith.mulf %add3A_361, %div3A_401 : vector<16xf32>
        %add3A_407 = arith.constant 4096 : i32
        %add3A_408 = arith.addi %add3A_324, %add3A_407 : i32
        %swap3A_409 = arith.index_cast %add3A_408 : i32 to index
        %swap3A_410 = tpu.vector_load %arg8[%swap3A_409] {strides = array<i32>} : memref<12288xf32, #tpu.memory_space<vmem>>, vector<16xf32>,
        tpu.vector_store %arg8[%swap3A_409], %mul3A_406 {strides = array<i32>} : memref<12288xf32, #tpu.memory_space<vmem>>, vector<16xf32>,
        %mul3A_411 = arith.mulf %add3A_380, %div3A_401 : vector<16xf32>
        %add3A_412 = arith.constant 8192 : i32
        %add3A_413 = arith.addi %add3A_324, %add3A_412 : i32
        %swap3A_414 = arith.index_cast %add3A_413 : i32 to index
        %swap3A_415 = tpu.vector_load %arg8[%swap3A_414] {strides = array<i32>} : memref<12288xf32, #tpu.memory_space<vmem>>, vector<16xf32>,
        tpu.vector_store %arg8[%swap3A_414], %mul3A_411 {strides = array<i32>} : memref<12288xf32, #tpu.memory_space<vmem>>, vector<16xf32>,
        %gather3A_416 = arith.constant 4096 : i32
        %gather3A_417 = tpu.memref_slice %arg6[%gather3A_416] : memref<32768xf32, #tpu.memory_space<vmem>> -> memref<4096xf32, #tpu.memory_space<vmem>>
        %gather3A_418 = tpu.vector_load_idx %gather3A_417[%add3A_233] : memref<4096xf32, #tpu.memory_space<vmem>>[vector<16xi32>], vector<16xf32>,
        %mul3A_419 = arith.mulf %get3A_208, %gather3A_418 : vector<16xf32>
        %gather3A_420 = arith.constant 4096 : i32
        %gather3A_421 = tpu.memref_slice %arg6[%gather3A_420] : memref<32768xf32, #tpu.memory_space<vmem>> -> memref<4096xf32, #tpu.memory_space<vmem>>
        %gather3A_422 = tpu.vector_load_idx %gather3A_421[%add3A_258] : memref<4096xf32, #tpu.memory_space<vmem>>[vector<16xi32>], vector<16xf32>,
        %mul3A_423 = arith.mulf %get3A_212, %gather3A_422 : vector<16xf32>
        %add3A_424 = arith.addf %mul3A_419, %mul3A_423 : vector<16xf32>
        %gather3A_425 = arith.constant 4096 : i32
        %gather3A_426 = tpu.memref_slice %arg6[%gather3A_425] : memref<32768xf32, #tpu.memory_space<vmem>> -> memref<4096xf32, #tpu.memory_space<vmem>>
        %gather3A_427 = tpu.vector_load_idx %gather3A_426[%add3A_283] : memref<4096xf32, #tpu.memory_space<vmem>>[vector<16xi32>], vector<16xf32>,
        %mul3A_428 = arith.mulf %get3A_216, %gather3A_427 : vector<16xf32>
        %add3A_429 = arith.addf %add3A_424, %mul3A_428 : vector<16xf32>
        %gather3A_430 = arith.constant 4096 : i32
        %gather3A_431 = tpu.memref_slice %arg6[%gather3A_430] : memref<32768xf32, #tpu.memory_space<vmem>> -> memref<4096xf32, #tpu.memory_space<vmem>>
        %gather3A_432 = tpu.vector_load_idx %gather3A_431[%add3A_308] : memref<4096xf32, #tpu.memory_space<vmem>>[vector<16xi32>], vector<16xf32>,
        %mul3A_433 = arith.mulf %get3A_220, %gather3A_432 : vector<16xf32>
        %add3A_434 = arith.addf %add3A_429, %mul3A_433 : vector<16xf32>
        %gather3A_435 = arith.constant 4096 : i32
        %gather3A_436 = tpu.memref_slice %arg6[%gather3A_435] : memref<32768xf32, #tpu.memory_space<vmem>> -> memref<4096xf32, #tpu.memory_space<vmem>>
        %gather3A_437 = tpu.vector_load_idx %gather3A_436[%add3A_236] : memref<4096xf32, #tpu.memory_space<vmem>>[vector<16xi32>], vector<16xf32>,
        %mul3A_438 = arith.mulf %get3A_208, %gather3A_437 : vector<16xf32>
        %gather3A_439 = arith.constant 4096 : i32
        %gather3A_440 = tpu.memref_slice %arg6[%gather3A_439] : memref<32768xf32, #tpu.memory_space<vmem>> -> memref<4096xf32, #tpu.memory_space<vmem>>
        %gather3A_441 = tpu.vector_load_idx %gather3A_440[%add3A_261] : memref<4096xf32, #tpu.memory_space<vmem>>[vector<16xi32>], vector<16xf32>,
        %mul3A_442 = arith.mulf %get3A_212, %gather3A_441 : vector<16xf32>
        %add3A_443 = arith.addf %mul3A_438, %mul3A_442 : vector<16xf32>
        %gather3A_444 = arith.constant 4096 : i32
        %gather3A_445 = tpu.memref_slice %arg6[%gather3A_444] : memref<32768xf32, #tpu.memory_space<vmem>> -> memref<4096xf32, #tpu.memory_space<vmem>>
        %gather3A_446 = tpu.vector_load_idx %gather3A_445[%add3A_286] : memref<4096xf32, #tpu.memory_space<vmem>>[vector<16xi32>], vector<16xf32>,
        %mul3A_447 = arith.mulf %get3A_216, %gather3A_446 : vector<16xf32>
        %add3A_448 = arith.addf %add3A_443, %mul3A_447 : vector<16xf32>
        %gather3A_449 = arith.constant 4096 : i32
        %gather3A_450 = tpu.memref_slice %arg6[%gather3A_449] : memref<32768xf32, #tpu.memory_space<vmem>> -> memref<4096xf32, #tpu.memory_space<vmem>>
        %gather3A_451 = tpu.vector_load_idx %gather3A_450[%add3A_311] : memref<4096xf32, #tpu.memory_space<vmem>>[vector<16xi32>], vector<16xf32>,
        %mul3A_452 = arith.mulf %get3A_220, %gather3A_451 : vector<16xf32>
        %add3A_453 = arith.addf %add3A_448, %mul3A_452 : vector<16xf32>
        %gather3A_454 = arith.constant 4096 : i32
        %gather3A_455 = tpu.memref_slice %arg6[%gather3A_454] : memref<32768xf32, #tpu.memory_space<vmem>> -> memref<4096xf32, #tpu.memory_space<vmem>>
        %gather3A_456 = tpu.vector_load_idx %gather3A_455[%add3A_239] : memref<4096xf32, #tpu.memory_space<vmem>>[vector<16xi32>], vector<16xf32>,
        %mul3A_457 = arith.mulf %get3A_208, %gather3A_456 : vector<16xf32>
        %gather3A_458 = arith.constant 4096 : i32
        %gather3A_459 = tpu.memref_slice %arg6[%gather3A_458] : memref<32768xf32, #tpu.memory_space<vmem>> -> memref<4096xf32, #tpu.memory_space<vmem>>
        %gather3A_460 = tpu.vector_load_idx %gather3A_459[%add3A_264] : memref<4096xf32, #tpu.memory_space<vmem>>[vector<16xi32>], vector<16xf32>,
        %mul3A_461 = arith.mulf %get3A_212, %gather3A_460 : vector<16xf32>
        %add3A_462 = arith.addf %mul3A_457, %mul3A_461 : vector<16xf32>
        %gather3A_463 = arith.constant 4096 : i32
        %gather3A_464 = tpu.memref_slice %arg6[%gather3A_463] : memref<32768xf32, #tpu.memory_space<vmem>> -> memref<4096xf32, #tpu.memory_space<vmem>>
        %gather3A_465 = tpu.vector_load_idx %gather3A_464[%add3A_289] : memref<4096xf32, #tpu.memory_space<vmem>>[vector<16xi32>], vector<16xf32>,
        %mul3A_466 = arith.mulf %get3A_216, %gather3A_465 : vector<16xf32>
        %add3A_467 = arith.addf %add3A_462, %mul3A_466 : vector<16xf32>
        %gather3A_468 = arith.constant 4096 : i32
        %gather3A_469 = tpu.memref_slice %arg6[%gather3A_468] : memref<32768xf32, #tpu.memory_space<vmem>> -> memref<4096xf32, #tpu.memory_space<vmem>>
        %gather3A_470 = tpu.vector_load_idx %gather3A_469[%add3A_314] : memref<4096xf32, #tpu.memory_space<vmem>>[vector<16xi32>], vector<16xf32>,
        %mul3A_471 = arith.mulf %get3A_220, %gather3A_470 : vector<16xf32>
        %add3A_472 = arith.addf %add3A_467, %mul3A_471 : vector<16xf32>
        %gather3A_473 = arith.constant 4096 : i32
        %gather3A_474 = tpu.memref_slice %arg6[%gather3A_473] : memref<32768xf32, #tpu.memory_space<vmem>> -> memref<4096xf32, #tpu.memory_space<vmem>>
        %gather3A_475 = tpu.vector_load_idx %gather3A_474[%add3A_242] : memref<4096xf32, #tpu.memory_space<vmem>>[vector<16xi32>], vector<16xf32>,
        %mul3A_476 = arith.mulf %get3A_208, %gather3A_475 : vector<16xf32>
        %gather3A_477 = arith.constant 4096 : i32
        %gather3A_478 = tpu.memref_slice %arg6[%gather3A_477] : memref<32768xf32, #tpu.memory_space<vmem>> -> memref<4096xf32, #tpu.memory_space<vmem>>
        %gather3A_479 = tpu.vector_load_idx %gather3A_478[%add3A_267] : memref<4096xf32, #tpu.memory_space<vmem>>[vector<16xi32>], vector<16xf32>,
        %mul3A_480 = arith.mulf %get3A_212, %gather3A_479 : vector<16xf32>
        %add3A_481 = arith.addf %mul3A_476, %mul3A_480 : vector<16xf32>
        %gather3A_482 = arith.constant 4096 : i32
        %gather3A_483 = tpu.memref_slice %arg6[%gather3A_482] : memref<32768xf32, #tpu.memory_space<vmem>> -> memref<4096xf32, #tpu.memory_space<vmem>>
        %gather3A_484 = tpu.vector_load_idx %gather3A_483[%add3A_292] : memref<4096xf32, #tpu.memory_space<vmem>>[vector<16xi32>], vector<16xf32>,
        %mul3A_485 = arith.mulf %get3A_216, %gather3A_484 : vector<16xf32>
        %add3A_486 = arith.addf %add3A_481, %mul3A_485 : vector<16xf32>
        %gather3A_487 = arith.constant 4096 : i32
        %gather3A_488 = tpu.memref_slice %arg6[%gather3A_487] : memref<32768xf32, #tpu.memory_space<vmem>> -> memref<4096xf32, #tpu.memory_space<vmem>>
        %gather3A_489 = tpu.vector_load_idx %gather3A_488[%add3A_317] : memref<4096xf32, #tpu.memory_space<vmem>>[vector<16xi32>], vector<16xf32>,
        %mul3A_490 = arith.mulf %get3A_220, %gather3A_489 : vector<16xf32>
        %add3A_491 = arith.addf %add3A_486, %mul3A_490 : vector<16xf32>
        %div3A_492 = arith.constant 1.000000e+00 : f32
        %div3A_493 = vector.broadcast %div3A_492 : f32 to vector<16xf32>
        %div3A_494 = arith.divf %div3A_493, %add3A_491 : vector<16xf32>
        %mul3A_495 = arith.mulf %add3A_434, %div3A_494 : vector<16xf32>
        %add3A_496 = arith.constant 128 : i32
        %add3A_497 = arith.addi %add3A_324, %add3A_496 : i32
        %swap3A_498 = arith.index_cast %add3A_497 : i32 to index
        %swap3A_499 = tpu.vector_load %arg8[%swap3A_498] {strides = array<i32>} : memref<12288xf32, #tpu.memory_space<vmem>>, vector<16xf32>,
        tpu.vector_store %arg8[%swap3A_498], %mul3A_495 {strides = array<i32>} : memref<12288xf32, #tpu.memory_space<vmem>>, vector<16xf32>,
        %mul3A_500 = arith.mulf %add3A_453, %div3A_494 : vector<16xf32>
        %add3A_501 = arith.constant 4224 : i32
        %add3A_502 = arith.addi %add3A_324, %add3A_501 : i32
        %swap3A_503 = arith.index_cast %add3A_502 : i32 to index
        %swap3A_504 = tpu.vector_load %arg8[%swap3A_503] {strides = array<i32>} : memref<12288xf32, #tpu.memory_space<vmem>>, vector<16xf32>,
        tpu.vector_store %arg8[%swap3A_503], %mul3A_500 {strides = array<i32>} : memref<12288xf32, #tpu.memory_space<vmem>>, vector<16xf32>,
        %mul3A_505 = arith.mulf %add3A_472, %div3A_494 : vector<16xf32>
        %add3A_506 = arith.constant 8320 : i32
        %add3A_507 = arith.addi %add3A_324, %add3A_506 : i32
        %swap3A_508 = arith.index_cast %add3A_507 : i32 to index
        %swap3A_509 = tpu.vector_load %arg8[%swap3A_508] {strides = array<i32>} : memref<12288xf32, #tpu.memory_space<vmem>>, vector<16xf32>,
        tpu.vector_store %arg8[%swap3A_508], %mul3A_505 {strides = array<i32>} : memref<12288xf32, #tpu.memory_space<vmem>>, vector<16xf32>,
        %gather3A_510 = arith.constant 8192 : i32
        %gather3A_511 = tpu.memref_slice %arg6[%gather3A_510] : memref<32768xf32, #tpu.memory_space<vmem>> -> memref<4096xf32, #tpu.memory_space<vmem>>
        %gather3A_512 = tpu.vector_load_idx %gather3A_511[%add3A_233] : memref<4096xf32, #tpu.memory_space<vmem>>[vector<16xi32>], vector<16xf32>,
        %mul3A_513 = arith.mulf %get3A_208, %gather3A_512 : vector<16xf32>
        %gather3A_514 = arith.constant 8192 : i32
        %gather3A_515 = tpu.memref_slice %arg6[%gather3A_514] : memref<32768xf32, #tpu.memory_space<vmem>> -> memref<4096xf32, #tpu.memory_space<vmem>>
        %gather3A_516 = tpu.vector_load_idx %gather3A_515[%add3A_258] : memref<4096xf32, #tpu.memory_space<vmem>>[vector<16xi32>], vector<16xf32>,
        %mul3A_517 = arith.mulf %get3A_212, %gather3A_516 : vector<16xf32>
        %add3A_518 = arith.addf %mul3A_513, %mul3A_517 : vector<16xf32>
        %gather3A_519 = arith.constant 8192 : i32
        %gather3A_520 = tpu.memref_slice %arg6[%gather3A_519] : memref<32768xf32, #tpu.memory_space<vmem>> -> memref<4096xf32, #tpu.memory_space<vmem>>
        %gather3A_521 = tpu.vector_load_idx %gather3A_520[%add3A_283] : memref<4096xf32, #tpu.memory_space<vmem>>[vector<16xi32>], vector<16xf32>,
        %mul3A_522 = arith.mulf %get3A_216, %gather3A_521 : vector<16xf32>
        %add3A_523 = arith.addf %add3A_518, %mul3A_522 : vector<16xf32>
        %gather3A_524 = arith.constant 8192 : i32
        %gather3A_525 = tpu.memref_slice %arg6[%gather3A_524] : memref<32768xf32, #tpu.memory_space<vmem>> -> memref<4096xf32, #tpu.memory_space<vmem>>
        %gather3A_526 = tpu.vector_load_idx %gather3A_525[%add3A_308] : memref<4096xf32, #tpu.memory_space<vmem>>[vector<16xi32>], vector<16xf32>,
        %mul3A_527 = arith.mulf %get3A_220, %gather3A_526 : vector<16xf32>
        %add3A_528 = arith.addf %add3A_523, %mul3A_527 : vector<16xf32>
        %gather3A_529 = arith.constant 8192 : i32
        %gather3A_530 = tpu.memref_slice %arg6[%gather3A_529] : memref<32768xf32, #tpu.memory_space<vmem>> -> memref<4096xf32, #tpu.memory_space<vmem>>
        %gather3A_531 = tpu.vector_load_idx %gather3A_530[%add3A_236] : memref<4096xf32, #tpu.memory_space<vmem>>[vector<16xi32>], vector<16xf32>,
        %mul3A_532 = arith.mulf %get3A_208, %gather3A_531 : vector<16xf32>
        %gather3A_533 = arith.constant 8192 : i32
        %gather3A_534 = tpu.memref_slice %arg6[%gather3A_533] : memref<32768xf32, #tpu.memory_space<vmem>> -> memref<4096xf32, #tpu.memory_space<vmem>>
        %gather3A_535 = tpu.vector_load_idx %gather3A_534[%add3A_261] : memref<4096xf32, #tpu.memory_space<vmem>>[vector<16xi32>], vector<16xf32>,
        %mul3A_536 = arith.mulf %get3A_212, %gather3A_535 : vector<16xf32>
        %add3A_537 = arith.addf %mul3A_532, %mul3A_536 : vector<16xf32>
        %gather3A_538 = arith.constant 8192 : i32
        %gather3A_539 = tpu.memref_slice %arg6[%gather3A_538] : memref<32768xf32, #tpu.memory_space<vmem>> -> memref<4096xf32, #tpu.memory_space<vmem>>
        %gather3A_540 = tpu.vector_load_idx %gather3A_539[%add3A_286] : memref<4096xf32, #tpu.memory_space<vmem>>[vector<16xi32>], vector<16xf32>,
        %mul3A_541 = arith.mulf %get3A_216, %gather3A_540 : vector<16xf32>
        %add3A_542 = arith.addf %add3A_537, %mul3A_541 : vector<16xf32>
        %gather3A_543 = arith.constant 8192 : i32
        %gather3A_544 = tpu.memref_slice %arg6[%gather3A_543] : memref<32768xf32, #tpu.memory_space<vmem>> -> memref<4096xf32, #tpu.memory_space<vmem>>
        %gather3A_545 = tpu.vector_load_idx %gather3A_544[%add3A_311] : memref<4096xf32, #tpu.memory_space<vmem>>[vector<16xi32>], vector<16xf32>,
        %mul3A_546 = arith.mulf %get3A_220, %gather3A_545 : vector<16xf32>
        %add3A_547 = arith.addf %add3A_542, %mul3A_546 : vector<16xf32>
        %gather3A_548 = arith.constant 8192 : i32
        %gather3A_549 = tpu.memref_slice %arg6[%gather3A_548] : memref<32768xf32, #tpu.memory_space<vmem>> -> memref<4096xf32, #tpu.memory_space<vmem>>
        %gather3A_550 = tpu.vector_load_idx %gather3A_549[%add3A_239] : memref<4096xf32, #tpu.memory_space<vmem>>[vector<16xi32>], vector<16xf32>,
        %mul3A_551 = arith.mulf %get3A_208, %gather3A_550 : vector<16xf32>
        %gather3A_552 = arith.constant 8192 : i32
        %gather3A_553 = tpu.memref_slice %arg6[%gather3A_552] : memref<32768xf32, #tpu.memory_space<vmem>> -> memref<4096xf32, #tpu.memory_space<vmem>>
        %gather3A_554 = tpu.vector_load_idx %gather3A_553[%add3A_264] : memref<4096xf32, #tpu.memory_space<vmem>>[vector<16xi32>], vector<16xf32>,
        %mul3A_555 = arith.mulf %get3A_212, %gather3A_554 : vector<16xf32>
        %add3A_556 = arith.addf %mul3A_551, %mul3A_555 : vector<16xf32>
        %gather3A_557 = arith.constant 8192 : i32
        %gather3A_558 = tpu.memref_slice %arg6[%gather3A_557] : memref<32768xf32, #tpu.memory_space<vmem>> -> memref<4096xf32, #tpu.memory_space<vmem>>
        %gather3A_559 = tpu.vector_load_idx %gather3A_558[%add3A_289] : memref<4096xf32, #tpu.memory_space<vmem>>[vector<16xi32>], vector<16xf32>,
        %mul3A_560 = arith.mulf %get3A_216, %gather3A_559 : vector<16xf32>
        %add3A_561 = arith.addf %add3A_556, %mul3A_560 : vector<16xf32>
        %gather3A_562 = arith.constant 8192 : i32
        %gather3A_563 = tpu.memref_slice %arg6[%gather3A_562] : memref<32768xf32, #tpu.memory_space<vmem>> -> memref<4096xf32, #tpu.memory_space<vmem>>
        %gather3A_564 = tpu.vector_load_idx %gather3A_563[%add3A_314] : memref<4096xf32, #tpu.memory_space<vmem>>[vector<16xi32>], vector<16xf32>,
        %mul3A_565 = arith.mulf %get3A_220, %gather3A_564 : vector<16xf32>
        %add3A_566 = arith.addf %add3A_561, %mul3A_565 : vector<16xf32>
        %gather3A_567 = arith.constant 8192 : i32
        %gather3A_568 = tpu.memref_slice %arg6[%gather3A_567] : memref<32768xf32, #tpu.memory_space<vmem>> -> memref<4096xf32, #tpu.memory_space<vmem>>
        %gather3A_569 = tpu.vector_load_idx %gather3A_568[%add3A_242] : memref<4096xf32, #tpu.memory_space<vmem>>[vector<16xi32>], vector<16xf32>,
        %mul3A_570 = arith.mulf %get3A_208, %gather3A_569 : vector<16xf32>
        %gather3A_571 = arith.constant 8192 : i32
        %gather3A_572 = tpu.memref_slice %arg6[%gather3A_571] : memref<32768xf32, #tpu.memory_space<vmem>> -> memref<4096xf32, #tpu.memory_space<vmem>>
        %gather3A_573 = tpu.vector_load_idx %gather3A_572[%add3A_267] : memref<4096xf32, #tpu.memory_space<vmem>>[vector<16xi32>], vector<16xf32>,
        %mul3A_574 = arith.mulf %get3A_212, %gather3A_573 : vector<16xf32>
        %add3A_575 = arith.addf %mul3A_570, %mul3A_574 : vector<16xf32>
        %gather3A_576 = arith.constant 8192 : i32
        %gather3A_577 = tpu.memref_slice %arg6[%gather3A_576] : memref<32768xf32, #tpu.memory_space<vmem>> -> memref<4096xf32, #tpu.memory_space<vmem>>
        %gather3A_578 = tpu.vector_load_idx %gather3A_577[%add3A_292] : memref<4096xf32, #tpu.memory_space<vmem>>[vector<16xi32>], vector<16xf32>,
        %mul3A_579 = arith.mulf %get3A_216, %gather3A_578 : vector<16xf32>
        %add3A_580 = arith.addf %add3A_575, %mul3A_579 : vector<16xf32>
        %gather3A_581 = arith.constant 8192 : i32
        %gather3A_582 = tpu.memref_slice %arg6[%gather3A_581] : memref<32768xf32, #tpu.memory_space<vmem>> -> memref<4096xf32, #tpu.memory_space<vmem>>
        %gather3A_583 = tpu.vector_load_idx %gather3A_582[%add3A_317] : memref<4096xf32, #tpu.memory_space<vmem>>[vector<16xi32>], vector<16xf32>,
        %mul3A_584 = arith.mulf %get3A_220, %gather3A_583 : vector<16xf32>
        %add3A_585 = arith.addf %add3A_580, %mul3A_584 : vector<16xf32>
        %div3A_586 = arith.constant 1.000000e+00 : f32
        %div3A_587 = vector.broadcast %div3A_586 : f32 to vector<16xf32>
        %div3A_588 = arith.divf %div3A_587, %add3A_585 : vector<16xf32>
        %mul3A_589 = arith.mulf %add3A_528, %div3A_588 : vector<16xf32>
        %add3A_590 = arith.constant 256 : i32
        %add3A_591 = arith.addi %add3A_324, %add3A_590 : i32
        %swap3A_592 = arith.index_cast %add3A_591 : i32 to index
        %swap3A_593 = tpu.vector_load %arg8[%swap3A_592] {strides = array<i32>} : memref<12288xf32, #tpu.memory_space<vmem>>, vector<16xf32>,
        tpu.vector_store %arg8[%swap3A_592], %mul3A_589 {strides = array<i32>} : memref<12288xf32, #tpu.memory_space<vmem>>, vector<16xf32>,
        %mul3A_594 = arith.mulf %add3A_547, %div3A_588 : vector<16xf32>
        %add3A_595 = arith.constant 4352 : i32
        %add3A_596 = arith.addi %add3A_324, %add3A_595 : i32
        %swap3A_597 = arith.index_cast %add3A_596 : i32 to index
        %swap3A_598 = tpu.vector_load %arg8[%swap3A_597] {strides = array<i32>} : memref<12288xf32, #tpu.memory_space<vmem>>, vector<16xf32>,
        tpu.vector_store %arg8[%swap3A_597], %mul3A_594 {strides = array<i32>} : memref<12288xf32, #tpu.memory_space<vmem>>, vector<16xf32>,
        %mul3A_599 = arith.mulf %add3A_566, %div3A_588 : vector<16xf32>
        %add3A_600 = arith.constant 8448 : i32
        %add3A_601 = arith.addi %add3A_324, %add3A_600 : i32
        %swap3A_602 = arith.index_cast %add3A_601 : i32 to index
        %swap3A_603 = tpu.vector_load %arg8[%swap3A_602] {strides = array<i32>} : memref<12288xf32, #tpu.memory_space<vmem>>, vector<16xf32>,
        tpu.vector_store %arg8[%swap3A_602], %mul3A_599 {strides = array<i32>} : memref<12288xf32, #tpu.memory_space<vmem>>, vector<16xf32>,
        %gather3A_604 = arith.constant 12288 : i32
        %gather3A_605 = tpu.memref_slice %arg6[%gather3A_604] : memref<32768xf32, #tpu.memory_space<vmem>> -> memref<4096xf32, #tpu.memory_space<vmem>>
        %gather3A_606 = tpu.vector_load_idx %gather3A_605[%add3A_233] : memref<4096xf32, #tpu.memory_space<vmem>>[vector<16xi32>], vector<16xf32>,
        %mul3A_607 = arith.mulf %get3A_208, %gather3A_606 : vector<16xf32>
        %gather3A_608 = arith.constant 12288 : i32
        %gather3A_609 = tpu.memref_slice %arg6[%gather3A_608] : memref<32768xf32, #tpu.memory_space<vmem>> -> memref<4096xf32, #tpu.memory_space<vmem>>
        %gather3A_610 = tpu.vector_load_idx %gather3A_609[%add3A_258] : memref<4096xf32, #tpu.memory_space<vmem>>[vector<16xi32>], vector<16xf32>,
        %mul3A_611 = arith.mulf %get3A_212, %gather3A_610 : vector<16xf32>
        %add3A_612 = arith.addf %mul3A_607, %mul3A_611 : vector<16xf32>
        %gather3A_613 = arith.constant 12288 : i32
        %gather3A_614 = tpu.memref_slice %arg6[%gather3A_613] : memref<32768xf32, #tpu.memory_space<vmem>> -> memref<4096xf32, #tpu.memory_space<vmem>>
        %gather3A_615 = tpu.vector_load_idx %gather3A_614[%add3A_283] : memref<4096xf32, #tpu.memory_space<vmem>>[vector<16xi32>], vector<16xf32>,
        %mul3A_616 = arith.mulf %get3A_216, %gather3A_615 : vector<16xf32>
        %add3A_617 = arith.addf %add3A_612, %mul3A_616 : vector<16xf32>
        %gather3A_618 = arith.constant 12288 : i32
        %gather3A_619 = tpu.memref_slice %arg6[%gather3A_618] : memref<32768xf32, #tpu.memory_space<vmem>> -> memref<4096xf32, #tpu.memory_space<vmem>>
        %gather3A_620 = tpu.vector_load_idx %gather3A_619[%add3A_308] : memref<4096xf32, #tpu.memory_space<vmem>>[vector<16xi32>], vector<16xf32>,
        %mul3A_621 = arith.mulf %get3A_220, %gather3A_620 : vector<16xf32>
        %add3A_622 = arith.addf %add3A_617, %mul3A_621 : vector<16xf32>
        %gather3A_623 = arith.constant 12288 : i32
        %gather3A_624 = tpu.memref_slice %arg6[%gather3A_623] : memref<32768xf32, #tpu.memory_space<vmem>> -> memref<4096xf32, #tpu.memory_space<vmem>>
        %gather3A_625 = tpu.vector_load_idx %gather3A_624[%add3A_236] : memref<4096xf32, #tpu.memory_space<vmem>>[vector<16xi32>], vector<16xf32>,
        %mul3A_626 = arith.mulf %get3A_208, %gather3A_625 : vector<16xf32>
        %gather3A_627 = arith.constant 12288 : i32
        %gather3A_628 = tpu.memref_slice %arg6[%gather3A_627] : memref<32768xf32, #tpu.memory_space<vmem>> -> memref<4096xf32, #tpu.memory_space<vmem>>
        %gather3A_629 = tpu.vector_load_idx %gather3A_628[%add3A_261] : memref<4096xf32, #tpu.memory_space<vmem>>[vector<16xi32>], vector<16xf32>,
        %mul3A_630 = arith.mulf %get3A_212, %gather3A_629 : vector<16xf32>
        %add3A_631 = arith.addf %mul3A_626, %mul3A_630 : vector<16xf32>
        %gather3A_632 = arith.constant 12288 : i32
        %gather3A_633 = tpu.memref_slice %arg6[%gather3A_632] : memref<32768xf32, #tpu.memory_space<vmem>> -> memref<4096xf32, #tpu.memory_space<vmem>>
        %gather3A_634 = tpu.vector_load_idx %gather3A_633[%add3A_286] : memref<4096xf32, #tpu.memory_space<vmem>>[vector<16xi32>], vector<16xf32>,
        %mul3A_635 = arith.mulf %get3A_216, %gather3A_634 : vector<16xf32>
        %add3A_636 = arith.addf %add3A_631, %mul3A_635 : vector<16xf32>
        %gather3A_637 = arith.constant 12288 : i32
        %gather3A_638 = tpu.memref_slice %arg6[%gather3A_637] : memref<32768xf32, #tpu.memory_space<vmem>> -> memref<4096xf32, #tpu.memory_space<vmem>>
        %gather3A_639 = tpu.vector_load_idx %gather3A_638[%add3A_311] : memref<4096xf32, #tpu.memory_space<vmem>>[vector<16xi32>], vector<16xf32>,
        %mul3A_640 = arith.mulf %get3A_220, %gather3A_639 : vector<16xf32>
        %add3A_641 = arith.addf %add3A_636, %mul3A_640 : vector<16xf32>
        %gather3A_642 = arith.constant 12288 : i32
        %gather3A_643 = tpu.memref_slice %arg6[%gather3A_642] : memref<32768xf32, #tpu.memory_space<vmem>> -> memref<4096xf32, #tpu.memory_space<vmem>>
        %gather3A_644 = tpu.vector_load_idx %gather3A_643[%add3A_239] : memref<4096xf32, #tpu.memory_space<vmem>>[vector<16xi32>], vector<16xf32>,
        %mul3A_645 = arith.mulf %get3A_208, %gather3A_644 : vector<16xf32>
        %gather3A_646 = arith.constant 12288 : i32
        %gather3A_647 = tpu.memref_slice %arg6[%gather3A_646] : memref<32768xf32, #tpu.memory_space<vmem>> -> memref<4096xf32, #tpu.memory_space<vmem>>
        %gather3A_648 = tpu.vector_load_idx %gather3A_647[%add3A_264] : memref<4096xf32, #tpu.memory_space<vmem>>[vector<16xi32>], vector<16xf32>,
        %mul3A_649 = arith.mulf %get3A_212, %gather3A_648 : vector<16xf32>
        %add3A_650 = arith.addf %mul3A_645, %mul3A_649 : vector<16xf32>
        %gather3A_651 = arith.constant 12288 : i32
        %gather3A_652 = tpu.memref_slice %arg6[%gather3A_651] : memref<32768xf32, #tpu.memory_space<vmem>> -> memref<4096xf32, #tpu.memory_space<vmem>>
        %gather3A_653 = tpu.vector_load_idx %gather3A_652[%add3A_289] : memref<4096xf32, #tpu.memory_space<vmem>>[vector<16xi32>], vector<16xf32>,
        %mul3A_654 = arith.mulf %get3A_216, %gather3A_653 : vector<16xf32>
        %add3A_655 = arith.addf %add3A_650, %mul3A_654 : vector<16xf32>
        %gather3A_656 = arith.constant 12288 : i32
        %gather3A_657 = tpu.memref_slice %arg6[%gather3A_656] : memref<32768xf32, #tpu.memory_space<vmem>> -> memref<4096xf32, #tpu.memory_space<vmem>>
        %gather3A_658 = tpu.vector_load_idx %gather3A_657[%add3A_314] : memref<4096xf32, #tpu.memory_space<vmem>>[vector<16xi32>], vector<16xf32>,
        %mul3A_659 = arith.mulf %get3A_220, %gather3A_658 : vector<16xf32>
        %add3A_660 = arith.addf %add3A_655, %mul3A_659 : vector<16xf32>
        %gather3A_661 = arith.constant 12288 : i32
        %gather3A_662 = tpu.memref_slice %arg6[%gather3A_661] : memref<32768xf32, #tpu.memory_space<vmem>> -> memref<4096xf32, #tpu.memory_space<vmem>>
        %gather3A_663 = tpu.vector_load_idx %gather3A_662[%add3A_242] : memref<4096xf32, #tpu.memory_space<vmem>>[vector<16xi32>], vector<16xf32>,
        %mul3A_664 = arith.mulf %get3A_208, %gather3A_663 : vector<16xf32>
        %gather3A_665 = arith.constant 12288 : i32
        %gather3A_666 = tpu.memref_slice %arg6[%gather3A_665] : memref<32768xf32, #tpu.memory_space<vmem>> -> memref<4096xf32, #tpu.memory_space<vmem>>
        %gather3A_667 = tpu.vector_load_idx %gather3A_666[%add3A_267] : memref<4096xf32, #tpu.memory_space<vmem>>[vector<16xi32>], vector<16xf32>,
        %mul3A_668 = arith.mulf %get3A_212, %gather3A_667 : vector<16xf32>
        %add3A_669 = arith.addf %mul3A_664, %mul3A_668 : vector<16xf32>
        %gather3A_670 = arith.constant 12288 : i32
        %gather3A_671 = tpu.memref_slice %arg6[%gather3A_670] : memref<32768xf32, #tpu.memory_space<vmem>> -> memref<4096xf32, #tpu.memory_space<vmem>>
        %gather3A_672 = tpu.vector_load_idx %gather3A_671[%add3A_292] : memref<4096xf32, #tpu.memory_space<vmem>>[vector<16xi32>], vector<16xf32>,
        %mul3A_673 = arith.mulf %get3A_216, %gather3A_672 : vector<16xf32>
        %add3A_674 = arith.addf %add3A_669, %mul3A_673 : vector<16xf32>
        %gather3A_675 = arith.constant 12288 : i32
        %gather3A_676 = tpu.memref_slice %arg6[%gather3A_675] : memref<32768xf32, #tpu.memory_space<vmem>> -> memref<4096xf32, #tpu.memory_space<vmem>>
        %gather3A_677 = tpu.vector_load_idx %gather3A_676[%add3A_317] : memref<4096xf32, #tpu.memory_space<vmem>>[vector<16xi32>], vector<16xf32>,
        %mul3A_678 = arith.mulf %get3A_220, %gather3A_677 : vector<16xf32>
        %add3A_679 = arith.addf %add3A_674, %mul3A_678 : vector<16xf32>
        %div3A_680 = arith.constant 1.000000e+00 : f32
        %div3A_681 = vector.broadcast %div3A_680 : f32 to vector<16xf32>
        %div3A_682 = arith.divf %div3A_681, %add3A_679 : vector<16xf32>
        %mul3A_683 = arith.mulf %add3A_622, %div3A_682 : vector<16xf32>
        %add3A_684 = arith.constant 384 : i32
        %add3A_685 = arith.addi %add3A_324, %add3A_684 : i32
        %swap3A_686 = arith.index_cast %add3A_685 : i32 to index
        %swap3A_687 = tpu.vector_load %arg8[%swap3A_686] {strides = array<i32>} : memref<12288xf32, #tpu.memory_space<vmem>>, vector<16xf32>,
        tpu.vector_store %arg8[%swap3A_686], %mul3A_683 {strides = array<i32>} : memref<12288xf32, #tpu.memory_space<vmem>>, vector<16xf32>,
        %mul3A_688 = arith.mulf %add3A_641, %div3A_682 : vector<16xf32>
        %add3A_689 = arith.constant 4480 : i32
        %add3A_690 = arith.addi %add3A_324, %add3A_689 : i32
        %swap3A_691 = arith.index_cast %add3A_690 : i32 to index
        %swap3A_692 = tpu.vector_load %arg8[%swap3A_691] {strides = array<i32>} : memref<12288xf32, #tpu.memory_space<vmem>>, vector<16xf32>,
        tpu.vector_store %arg8[%swap3A_691], %mul3A_688 {strides = array<i32>} : memref<12288xf32, #tpu.memory_space<vmem>>, vector<16xf32>,
        %mul3A_693 = arith.mulf %add3A_660, %div3A_682 : vector<16xf32>
        %add3A_694 = arith.constant 8576 : i32
        %add3A_695 = arith.addi %add3A_324, %add3A_694 : i32
        %swap3A_696 = arith.index_cast %add3A_695 : i32 to index
        %swap3A_697 = tpu.vector_load %arg8[%swap3A_696] {strides = array<i32>} : memref<12288xf32, #tpu.memory_space<vmem>>, vector<16xf32>,
        tpu.vector_store %arg8[%swap3A_696], %mul3A_693 {strides = array<i32>} : memref<12288xf32, #tpu.memory_space<vmem>>, vector<16xf32>,
        %gather3A_698 = arith.constant 16384 : i32
        %gather3A_699 = tpu.memref_slice %arg6[%gather3A_698] : memref<32768xf32, #tpu.memory_space<vmem>> -> memref<4096xf32, #tpu.memory_space<vmem>>
        %gather3A_700 = tpu.vector_load_idx %gather3A_699[%add3A_233] : memref<4096xf32, #tpu.memory_space<vmem>>[vector<16xi32>], vector<16xf32>,
        %mul3A_701 = arith.mulf %get3A_208, %gather3A_700 : vector<16xf32>
        %gather3A_702 = arith.constant 16384 : i32
        %gather3A_703 = tpu.memref_slice %arg6[%gather3A_702] : memref<32768xf32, #tpu.memory_space<vmem>> -> memref<4096xf32, #tpu.memory_space<vmem>>
        %gather3A_704 = tpu.vector_load_idx %gather3A_703[%add3A_258] : memref<4096xf32, #tpu.memory_space<vmem>>[vector<16xi32>], vector<16xf32>,
        %mul3A_705 = arith.mulf %get3A_212, %gather3A_704 : vector<16xf32>
        %add3A_706 = arith.addf %mul3A_701, %mul3A_705 : vector<16xf32>
        %gather3A_707 = arith.constant 16384 : i32
        %gather3A_708 = tpu.memref_slice %arg6[%gather3A_707] : memref<32768xf32, #tpu.memory_space<vmem>> -> memref<4096xf32, #tpu.memory_space<vmem>>
        %gather3A_709 = tpu.vector_load_idx %gather3A_708[%add3A_283] : memref<4096xf32, #tpu.memory_space<vmem>>[vector<16xi32>], vector<16xf32>,
        %mul3A_710 = arith.mulf %get3A_216, %gather3A_709 : vector<16xf32>
        %add3A_711 = arith.addf %add3A_706, %mul3A_710 : vector<16xf32>
        %gather3A_712 = arith.constant 16384 : i32
        %gather3A_713 = tpu.memref_slice %arg6[%gather3A_712] : memref<32768xf32, #tpu.memory_space<vmem>> -> memref<4096xf32, #tpu.memory_space<vmem>>
        %gather3A_714 = tpu.vector_load_idx %gather3A_713[%add3A_308] : memref<4096xf32, #tpu.memory_space<vmem>>[vector<16xi32>], vector<16xf32>,
        %mul3A_715 = arith.mulf %get3A_220, %gather3A_714 : vector<16xf32>
        %add3A_716 = arith.addf %add3A_711, %mul3A_715 : vector<16xf32>
        %gather3A_717 = arith.constant 16384 : i32
        %gather3A_718 = tpu.memref_slice %arg6[%gather3A_717] : memref<32768xf32, #tpu.memory_space<vmem>> -> memref<4096xf32, #tpu.memory_space<vmem>>
        %gather3A_719 = tpu.vector_load_idx %gather3A_718[%add3A_236] : memref<4096xf32, #tpu.memory_space<vmem>>[vector<16xi32>], vector<16xf32>,
        %mul3A_720 = arith.mulf %get3A_208, %gather3A_719 : vector<16xf32>
        %gather3A_721 = arith.constant 16384 : i32
        %gather3A_722 = tpu.memref_slice %arg6[%gather3A_721] : memref<32768xf32, #tpu.memory_space<vmem>> -> memref<4096xf32, #tpu.memory_space<vmem>>
        %gather3A_723 = tpu.vector_load_idx %gather3A_722[%add3A_261] : memref<4096xf32, #tpu.memory_space<vmem>>[vector<16xi32>], vector<16xf32>,
        %mul3A_724 = arith.mulf %get3A_212, %gather3A_723 : vector<16xf32>
        %add3A_725 = arith.addf %mul3A_720, %mul3A_724 : vector<16xf32>
        %gather3A_726 = arith.constant 16384 : i32
        %gather3A_727 = tpu.memref_slice %arg6[%gather3A_726] : memref<32768xf32, #tpu.memory_space<vmem>> -> memref<4096xf32, #tpu.memory_space<vmem>>
        %gather3A_728 = tpu.vector_load_idx %gather3A_727[%add3A_286] : memref<4096xf32, #tpu.memory_space<vmem>>[vector<16xi32>], vector<16xf32>,
        %mul3A_729 = arith.mulf %get3A_216, %gather3A_728 : vector<16xf32>
        %add3A_730 = arith.addf %add3A_725, %mul3A_729 : vector<16xf32>
        %gather3A_731 = arith.constant 16384 : i32
        %gather3A_732 = tpu.memref_slice %arg6[%gather3A_731] : memref<32768xf32, #tpu.memory_space<vmem>> -> memref<4096xf32, #tpu.memory_space<vmem>>
        %gather3A_733 = tpu.vector_load_idx %gather3A_732[%add3A_311] : memref<4096xf32, #tpu.memory_space<vmem>>[vector<16xi32>], vector<16xf32>,
        %mul3A_734 = arith.mulf %get3A_220, %gather3A_733 : vector<16xf32>
        %add3A_735 = arith.addf %add3A_730, %mul3A_734 : vector<16xf32>
        %gather3A_736 = arith.constant 16384 : i32
        %gather3A_737 = tpu.memref_slice %arg6[%gather3A_736] : memref<32768xf32, #tpu.memory_space<vmem>> -> memref<4096xf32, #tpu.memory_space<vmem>>
        %gather3A_738 = tpu.vector_load_idx %gather3A_737[%add3A_239] : memref<4096xf32, #tpu.memory_space<vmem>>[vector<16xi32>], vector<16xf32>,
        %mul3A_739 = arith.mulf %get3A_208, %gather3A_738 : vector<16xf32>
        %gather3A_740 = arith.constant 16384 : i32
        %gather3A_741 = tpu.memref_slice %arg6[%gather3A_740] : memref<32768xf32, #tpu.memory_space<vmem>> -> memref<4096xf32, #tpu.memory_space<vmem>>
        %gather3A_742 = tpu.vector_load_idx %gather3A_741[%add3A_264] : memref<4096xf32, #tpu.memory_space<vmem>>[vector<16xi32>], vector<16xf32>,
        %mul3A_743 = arith.mulf %get3A_212, %gather3A_742 : vector<16xf32>
        %add3A_744 = arith.addf %mul3A_739, %mul3A_743 : vector<16xf32>
        %gather3A_745 = arith.constant 16384 : i32
        %gather3A_746 = tpu.memref_slice %arg6[%gather3A_745] : memref<32768xf32, #tpu.memory_space<vmem>> -> memref<4096xf32, #tpu.memory_space<vmem>>
        %gather3A_747 = tpu.vector_load_idx %gather3A_746[%add3A_289] : memref<4096xf32, #tpu.memory_space<vmem>>[vector<16xi32>], vector<16xf32>,
        %mul3A_748 = arith.mulf %get3A_216, %gather3A_747 : vector<16xf32>
        %add3A_749 = arith.addf %add3A_744, %mul3A_748 : vector<16xf32>
        %gather3A_750 = arith.constant 16384 : i32
        %gather3A_751 = tpu.memref_slice %arg6[%gather3A_750] : memref<32768xf32, #tpu.memory_space<vmem>> -> memref<4096xf32, #tpu.memory_space<vmem>>
        %gather3A_752 = tpu.vector_load_idx %gather3A_751[%add3A_314] : memref<4096xf32, #tpu.memory_space<vmem>>[vector<16xi32>], vector<16xf32>,
        %mul3A_753 = arith.mulf %get3A_220, %gather3A_752 : vector<16xf32>
        %add3A_754 = arith.addf %add3A_749, %mul3A_753 : vector<16xf32>
        %gather3A_755 = arith.constant 16384 : i32
        %gather3A_756 = tpu.memref_slice %arg6[%gather3A_755] : memref<32768xf32, #tpu.memory_space<vmem>> -> memref<4096xf32, #tpu.memory_space<vmem>>
        %gather3A_757 = tpu.vector_load_idx %gather3A_756[%add3A_242] : memref<4096xf32, #tpu.memory_space<vmem>>[vector<16xi32>], vector<16xf32>,
        %mul3A_758 = arith.mulf %get3A_208, %gather3A_757 : vector<16xf32>
        %gather3A_759 = arith.constant 16384 : i32
        %gather3A_760 = tpu.memref_slice %arg6[%gather3A_759] : memref<32768xf32, #tpu.memory_space<vmem>> -> memref<4096xf32, #tpu.memory_space<vmem>>
        %gather3A_761 = tpu.vector_load_idx %gather3A_760[%add3A_267] : memref<4096xf32, #tpu.memory_space<vmem>>[vector<16xi32>], vector<16xf32>,
        %mul3A_762 = arith.mulf %get3A_212, %gather3A_761 : vector<16xf32>
        %add3A_763 = arith.addf %mul3A_758, %mul3A_762 : vector<16xf32>
        %gather3A_764 = arith.constant 16384 : i32
        %gather3A_765 = tpu.memref_slice %arg6[%gather3A_764] : memref<32768xf32, #tpu.memory_space<vmem>> -> memref<4096xf32, #tpu.memory_space<vmem>>
        %gather3A_766 = tpu.vector_load_idx %gather3A_765[%add3A_292] : memref<4096xf32, #tpu.memory_space<vmem>>[vector<16xi32>], vector<16xf32>,
        %mul3A_767 = arith.mulf %get3A_216, %gather3A_766 : vector<16xf32>
        %add3A_768 = arith.addf %add3A_763, %mul3A_767 : vector<16xf32>
        %gather3A_769 = arith.constant 16384 : i32
        %gather3A_770 = tpu.memref_slice %arg6[%gather3A_769] : memref<32768xf32, #tpu.memory_space<vmem>> -> memref<4096xf32, #tpu.memory_space<vmem>>
        %gather3A_771 = tpu.vector_load_idx %gather3A_770[%add3A_317] : memref<4096xf32, #tpu.memory_space<vmem>>[vector<16xi32>], vector<16xf32>,
        %mul3A_772 = arith.mulf %get3A_220, %gather3A_771 : vector<16xf32>
        %add3A_773 = arith.addf %add3A_768, %mul3A_772 : vector<16xf32>
        %div3A_774 = arith.constant 1.000000e+00 : f32
        %div3A_775 = vector.broadcast %div3A_774 : f32 to vector<16xf32>
        %div3A_776 = arith.divf %div3A_775, %add3A_773 : vector<16xf32>
        %mul3A_777 = arith.mulf %add3A_716, %div3A_776 : vector<16xf32>
        %add3A_778 = arith.constant 512 : i32
        %add3A_779 = arith.addi %add3A_324, %add3A_778 : i32
        %swap3A_780 = arith.index_cast %add3A_779 : i32 to index
        %swap3A_781 = tpu.vector_load %arg8[%swap3A_780] {strides = array<i32>} : memref<12288xf32, #tpu.memory_space<vmem>>, vector<16xf32>,
        tpu.vector_store %arg8[%swap3A_780], %mul3A_777 {strides = array<i32>} : memref<12288xf32, #tpu.memory_space<vmem>>, vector<16xf32>,
        %mul3A_782 = arith.mulf %add3A_735, %div3A_776 : vector<16xf32>
        %add3A_783 = arith.constant 4608 : i32
        %add3A_784 = arith.addi %add3A_324, %add3A_783 : i32
        %swap3A_785 = arith.index_cast %add3A_784 : i32 to index
        %swap3A_786 = tpu.vector_load %arg8[%swap3A_785] {strides = array<i32>} : memref<12288xf32, #tpu.memory_space<vmem>>, vector<16xf32>,
        tpu.vector_store %arg8[%swap3A_785], %mul3A_782 {strides = array<i32>} : memref<12288xf32, #tpu.memory_space<vmem>>, vector<16xf32>,
        %mul3A_787 = arith.mulf %add3A_754, %div3A_776 : vector<16xf32>
        %add3A_788 = arith.constant 8704 : i32
        %add3A_789 = arith.addi %add3A_324, %add3A_788 : i32
        %swap3A_790 = arith.index_cast %add3A_789 : i32 to index
        %swap3A_791 = tpu.vector_load %arg8[%swap3A_790] {strides = array<i32>} : memref<12288xf32, #tpu.memory_space<vmem>>, vector<16xf32>,
        tpu.vector_store %arg8[%swap3A_790], %mul3A_787 {strides = array<i32>} : memref<12288xf32, #tpu.memory_space<vmem>>, vector<16xf32>,
        %gather3A_792 = arith.constant 20480 : i32
        %gather3A_793 = tpu.memref_slice %arg6[%gather3A_792] : memref<32768xf32, #tpu.memory_space<vmem>> -> memref<4096xf32, #tpu.memory_space<vmem>>
        %gather3A_794 = tpu.vector_load_idx %gather3A_793[%add3A_233] : memref<4096xf32, #tpu.memory_space<vmem>>[vector<16xi32>], vector<16xf32>,
        %mul3A_795 = arith.mulf %get3A_208, %gather3A_794 : vector<16xf32>
        %gather3A_796 = arith.constant 20480 : i32
        %gather3A_797 = tpu.memref_slice %arg6[%gather3A_796] : memref<32768xf32, #tpu.memory_space<vmem>> -> memref<4096xf32, #tpu.memory_space<vmem>>
        %gather3A_798 = tpu.vector_load_idx %gather3A_797[%add3A_258] : memref<4096xf32, #tpu.memory_space<vmem>>[vector<16xi32>], vector<16xf32>,
        %mul3A_799 = arith.mulf %get3A_212, %gather3A_798 : vector<16xf32>
        %add3A_800 = arith.addf %mul3A_795, %mul3A_799 : vector<16xf32>
        %gather3A_801 = arith.constant 20480 : i32
        %gather3A_802 = tpu.memref_slice %arg6[%gather3A_801] : memref<32768xf32, #tpu.memory_space<vmem>> -> memref<4096xf32, #tpu.memory_space<vmem>>
        %gather3A_803 = tpu.vector_load_idx %gather3A_802[%add3A_283] : memref<4096xf32, #tpu.memory_space<vmem>>[vector<16xi32>], vector<16xf32>,
        %mul3A_804 = arith.mulf %get3A_216, %gather3A_803 : vector<16xf32>
        %add3A_805 = arith.addf %add3A_800, %mul3A_804 : vector<16xf32>
        %gather3A_806 = arith.constant 20480 : i32
        %gather3A_807 = tpu.memref_slice %arg6[%gather3A_806] : memref<32768xf32, #tpu.memory_space<vmem>> -> memref<4096xf32, #tpu.memory_space<vmem>>
        %gather3A_808 = tpu.vector_load_idx %gather3A_807[%add3A_308] : memref<4096xf32, #tpu.memory_space<vmem>>[vector<16xi32>], vector<16xf32>,
        %mul3A_809 = arith.mulf %get3A_220, %gather3A_808 : vector<16xf32>
        %add3A_810 = arith.addf %add3A_805, %mul3A_809 : vector<16xf32>
        %gather3A_811 = arith.constant 20480 : i32
        %gather3A_812 = tpu.memref_slice %arg6[%gather3A_811] : memref<32768xf32, #tpu.memory_space<vmem>> -> memref<4096xf32, #tpu.memory_space<vmem>>
        %gather3A_813 = tpu.vector_load_idx %gather3A_812[%add3A_236] : memref<4096xf32, #tpu.memory_space<vmem>>[vector<16xi32>], vector<16xf32>,
        %mul3A_814 = arith.mulf %get3A_208, %gather3A_813 : vector<16xf32>
        %gather3A_815 = arith.constant 20480 : i32
        %gather3A_816 = tpu.memref_slice %arg6[%gather3A_815] : memref<32768xf32, #tpu.memory_space<vmem>> -> memref<4096xf32, #tpu.memory_space<vmem>>
        %gather3A_817 = tpu.vector_load_idx %gather3A_816[%add3A_261] : memref<4096xf32, #tpu.memory_space<vmem>>[vector<16xi32>], vector<16xf32>,
        %mul3A_818 = arith.mulf %get3A_212, %gather3A_817 : vector<16xf32>
        %add3A_819 = arith.addf %mul3A_814, %mul3A_818 : vector<16xf32>
        %gather3A_820 = arith.constant 20480 : i32
        %gather3A_821 = tpu.memref_slice %arg6[%gather3A_820] : memref<32768xf32, #tpu.memory_space<vmem>> -> memref<4096xf32, #tpu.memory_space<vmem>>
        %gather3A_822 = tpu.vector_load_idx %gather3A_821[%add3A_286] : memref<4096xf32, #tpu.memory_space<vmem>>[vector<16xi32>], vector<16xf32>,
        %mul3A_823 = arith.mulf %get3A_216, %gather3A_822 : vector<16xf32>
        %add3A_824 = arith.addf %add3A_819, %mul3A_823 : vector<16xf32>
        %gather3A_825 = arith.constant 20480 : i32
        %gather3A_826 = tpu.memref_slice %arg6[%gather3A_825] : memref<32768xf32, #tpu.memory_space<vmem>> -> memref<4096xf32, #tpu.memory_space<vmem>>
        %gather3A_827 = tpu.vector_load_idx %gather3A_826[%add3A_311] : memref<4096xf32, #tpu.memory_space<vmem>>[vector<16xi32>], vector<16xf32>,
        %mul3A_828 = arith.mulf %get3A_220, %gather3A_827 : vector<16xf32>
        %add3A_829 = arith.addf %add3A_824, %mul3A_828 : vector<16xf32>
        %gather3A_830 = arith.constant 20480 : i32
        %gather3A_831 = tpu.memref_slice %arg6[%gather3A_830] : memref<32768xf32, #tpu.memory_space<vmem>> -> memref<4096xf32, #tpu.memory_space<vmem>>
        %gather3A_832 = tpu.vector_load_idx %gather3A_831[%add3A_239] : memref<4096xf32, #tpu.memory_space<vmem>>[vector<16xi32>], vector<16xf32>,
        %mul3A_833 = arith.mulf %get3A_208, %gather3A_832 : vector<16xf32>
        %gather3A_834 = arith.constant 20480 : i32
        %gather3A_835 = tpu.memref_slice %arg6[%gather3A_834] : memref<32768xf32, #tpu.memory_space<vmem>> -> memref<4096xf32, #tpu.memory_space<vmem>>
        %gather3A_836 = tpu.vector_load_idx %gather3A_835[%add3A_264] : memref<4096xf32, #tpu.memory_space<vmem>>[vector<16xi32>], vector<16xf32>,
        %mul3A_837 = arith.mulf %get3A_212, %gather3A_836 : vector<16xf32>
        %add3A_838 = arith.addf %mul3A_833, %mul3A_837 : vector<16xf32>
        %gather3A_839 = arith.constant 20480 : i32
        %gather3A_840 = tpu.memref_slice %arg6[%gather3A_839] : memref<32768xf32, #tpu.memory_space<vmem>> -> memref<4096xf32, #tpu.memory_space<vmem>>
        %gather3A_841 = tpu.vector_load_idx %gather3A_840[%add3A_289] : memref<4096xf32, #tpu.memory_space<vmem>>[vector<16xi32>], vector<16xf32>,
        %mul3A_842 = arith.mulf %get3A_216, %gather3A_841 : vector<16xf32>
        %add3A_843 = arith.addf %add3A_838, %mul3A_842 : vector<16xf32>
        %gather3A_844 = arith.constant 20480 : i32
        %gather3A_845 = tpu.memref_slice %arg6[%gather3A_844] : memref<32768xf32, #tpu.memory_space<vmem>> -> memref<4096xf32, #tpu.memory_space<vmem>>
        %gather3A_846 = tpu.vector_load_idx %gather3A_845[%add3A_314] : memref<4096xf32, #tpu.memory_space<vmem>>[vector<16xi32>], vector<16xf32>,
        %mul3A_847 = arith.mulf %get3A_220, %gather3A_846 : vector<16xf32>
        %add3A_848 = arith.addf %add3A_843, %mul3A_847 : vector<16xf32>
        %gather3A_849 = arith.constant 20480 : i32
        %gather3A_850 = tpu.memref_slice %arg6[%gather3A_849] : memref<32768xf32, #tpu.memory_space<vmem>> -> memref<4096xf32, #tpu.memory_space<vmem>>
        %gather3A_851 = tpu.vector_load_idx %gather3A_850[%add3A_242] : memref<4096xf32, #tpu.memory_space<vmem>>[vector<16xi32>], vector<16xf32>,
        %mul3A_852 = arith.mulf %get3A_208, %gather3A_851 : vector<16xf32>
        %gather3A_853 = arith.constant 20480 : i32
        %gather3A_854 = tpu.memref_slice %arg6[%gather3A_853] : memref<32768xf32, #tpu.memory_space<vmem>> -> memref<4096xf32, #tpu.memory_space<vmem>>
        %gather3A_855 = tpu.vector_load_idx %gather3A_854[%add3A_267] : memref<4096xf32, #tpu.memory_space<vmem>>[vector<16xi32>], vector<16xf32>,
        %mul3A_856 = arith.mulf %get3A_212, %gather3A_855 : vector<16xf32>
        %add3A_857 = arith.addf %mul3A_852, %mul3A_856 : vector<16xf32>
        %gather3A_858 = arith.constant 20480 : i32
        %gather3A_859 = tpu.memref_slice %arg6[%gather3A_858] : memref<32768xf32, #tpu.memory_space<vmem>> -> memref<4096xf32, #tpu.memory_space<vmem>>
        %gather3A_860 = tpu.vector_load_idx %gather3A_859[%add3A_292] : memref<4096xf32, #tpu.memory_space<vmem>>[vector<16xi32>], vector<16xf32>,
        %mul3A_861 = arith.mulf %get3A_216, %gather3A_860 : vector<16xf32>
        %add3A_862 = arith.addf %add3A_857, %mul3A_861 : vector<16xf32>
        %gather3A_863 = arith.constant 20480 : i32
        %gather3A_864 = tpu.memref_slice %arg6[%gather3A_863] : memref<32768xf32, #tpu.memory_space<vmem>> -> memref<4096xf32, #tpu.memory_space<vmem>>
        %gather3A_865 = tpu.vector_load_idx %gather3A_864[%add3A_317] : memref<4096xf32, #tpu.memory_space<vmem>>[vector<16xi32>], vector<16xf32>,
        %mul3A_866 = arith.mulf %get3A_220, %gather3A_865 : vector<16xf32>
        %add3A_867 = arith.addf %add3A_862, %mul3A_866 : vector<16xf32>
        %div3A_868 = arith.constant 1.000000e+00 : f32
        %div3A_869 = vector.broadcast %div3A_868 : f32 to vector<16xf32>
        %div3A_870 = arith.divf %div3A_869, %add3A_867 : vector<16xf32>
        %mul3A_871 = arith.mulf %add3A_810, %div3A_870 : vector<16xf32>
        %add3A_872 = arith.constant 640 : i32
        %add3A_873 = arith.addi %add3A_324, %add3A_872 : i32
        %swap3A_874 = arith.index_cast %add3A_873 : i32 to index
        %swap3A_875 = tpu.vector_load %arg8[%swap3A_874] {strides = array<i32>} : memref<12288xf32, #tpu.memory_space<vmem>>, vector<16xf32>,
        tpu.vector_store %arg8[%swap3A_874], %mul3A_871 {strides = array<i32>} : memref<12288xf32, #tpu.memory_space<vmem>>, vector<16xf32>,
        %mul3A_876 = arith.mulf %add3A_829, %div3A_870 : vector<16xf32>
        %add3A_877 = arith.constant 4736 : i32
        %add3A_878 = arith.addi %add3A_324, %add3A_877 : i32
        %swap3A_879 = arith.index_cast %add3A_878 : i32 to index
        %swap3A_880 = tpu.vector_load %arg8[%swap3A_879] {strides = array<i32>} : memref<12288xf32, #tpu.memory_space<vmem>>, vector<16xf32>,
        tpu.vector_store %arg8[%swap3A_879], %mul3A_876 {strides = array<i32>} : memref<12288xf32, #tpu.memory_space<vmem>>, vector<16xf32>,
        %mul3A_881 = arith.mulf %add3A_848, %div3A_870 : vector<16xf32>
        %add3A_882 = arith.constant 8832 : i32
        %add3A_883 = arith.addi %add3A_324, %add3A_882 : i32
        %swap3A_884 = arith.index_cast %add3A_883 : i32 to index
        %swap3A_885 = tpu.vector_load %arg8[%swap3A_884] {strides = array<i32>} : memref<12288xf32, #tpu.memory_space<vmem>>, vector<16xf32>,
        tpu.vector_store %arg8[%swap3A_884], %mul3A_881 {strides = array<i32>} : memref<12288xf32, #tpu.memory_space<vmem>>, vector<16xf32>,
        %gather3A_886 = arith.constant 24576 : i32
        %gather3A_887 = tpu.memref_slice %arg6[%gather3A_886] : memref<32768xf32, #tpu.memory_space<vmem>> -> memref<4096xf32, #tpu.memory_space<vmem>>
        %gather3A_888 = tpu.vector_load_idx %gather3A_887[%add3A_233] : memref<4096xf32, #tpu.memory_space<vmem>>[vector<16xi32>], vector<16xf32>,
        %mul3A_889 = arith.mulf %get3A_208, %gather3A_888 : vector<16xf32>
        %gather3A_890 = arith.constant 24576 : i32
        %gather3A_891 = tpu.memref_slice %arg6[%gather3A_890] : memref<32768xf32, #tpu.memory_space<vmem>> -> memref<4096xf32, #tpu.memory_space<vmem>>
        %gather3A_892 = tpu.vector_load_idx %gather3A_891[%add3A_258] : memref<4096xf32, #tpu.memory_space<vmem>>[vector<16xi32>], vector<16xf32>,
        %mul3A_893 = arith.mulf %get3A_212, %gather3A_892 : vector<16xf32>
        %add3A_894 = arith.addf %mul3A_889, %mul3A_893 : vector<16xf32>
        %gather3A_895 = arith.constant 24576 : i32
        %gather3A_896 = tpu.memref_slice %arg6[%gather3A_895] : memref<32768xf32, #tpu.memory_space<vmem>> -> memref<4096xf32, #tpu.memory_space<vmem>>
        %gather3A_897 = tpu.vector_load_idx %gather3A_896[%add3A_283] : memref<4096xf32, #tpu.memory_space<vmem>>[vector<16xi32>], vector<16xf32>,
        %mul3A_898 = arith.mulf %get3A_216, %gather3A_897 : vector<16xf32>
        %add3A_899 = arith.addf %add3A_894, %mul3A_898 : vector<16xf32>
        %gather3A_900 = arith.constant 24576 : i32
        %gather3A_901 = tpu.memref_slice %arg6[%gather3A_900] : memref<32768xf32, #tpu.memory_space<vmem>> -> memref<4096xf32, #tpu.memory_space<vmem>>
        %gather3A_902 = tpu.vector_load_idx %gather3A_901[%add3A_308] : memref<4096xf32, #tpu.memory_space<vmem>>[vector<16xi32>], vector<16xf32>,
        %mul3A_903 = arith.mulf %get3A_220, %gather3A_902 : vector<16xf32>
        %add3A_904 = arith.addf %add3A_899, %mul3A_903 : vector<16xf32>
        %gather3A_905 = arith.constant 24576 : i32
        %gather3A_906 = tpu.memref_slice %arg6[%gather3A_905] : memref<32768xf32, #tpu.memory_space<vmem>> -> memref<4096xf32, #tpu.memory_space<vmem>>
        %gather3A_907 = tpu.vector_load_idx %gather3A_906[%add3A_236] : memref<4096xf32, #tpu.memory_space<vmem>>[vector<16xi32>], vector<16xf32>,
        %mul3A_908 = arith.mulf %get3A_208, %gather3A_907 : vector<16xf32>
        %gather3A_909 = arith.constant 24576 : i32
        %gather3A_910 = tpu.memref_slice %arg6[%gather3A_909] : memref<32768xf32, #tpu.memory_space<vmem>> -> memref<4096xf32, #tpu.memory_space<vmem>>
        %gather3A_911 = tpu.vector_load_idx %gather3A_910[%add3A_261] : memref<4096xf32, #tpu.memory_space<vmem>>[vector<16xi32>], vector<16xf32>,
        %mul3A_912 = arith.mulf %get3A_212, %gather3A_911 : vector<16xf32>
        %add3A_913 = arith.addf %mul3A_908, %mul3A_912 : vector<16xf32>
        %gather3A_914 = arith.constant 24576 : i32
        %gather3A_915 = tpu.memref_slice %arg6[%gather3A_914] : memref<32768xf32, #tpu.memory_space<vmem>> -> memref<4096xf32, #tpu.memory_space<vmem>>
        %gather3A_916 = tpu.vector_load_idx %gather3A_915[%add3A_286] : memref<4096xf32, #tpu.memory_space<vmem>>[vector<16xi32>], vector<16xf32>,
        %mul3A_917 = arith.mulf %get3A_216, %gather3A_916 : vector<16xf32>
        %add3A_918 = arith.addf %add3A_913, %mul3A_917 : vector<16xf32>
        %gather3A_919 = arith.constant 24576 : i32
        %gather3A_920 = tpu.memref_slice %arg6[%gather3A_919] : memref<32768xf32, #tpu.memory_space<vmem>> -> memref<4096xf32, #tpu.memory_space<vmem>>
        %gather3A_921 = tpu.vector_load_idx %gather3A_920[%add3A_311] : memref<4096xf32, #tpu.memory_space<vmem>>[vector<16xi32>], vector<16xf32>,
        %mul3A_922 = arith.mulf %get3A_220, %gather3A_921 : vector<16xf32>
        %add3A_923 = arith.addf %add3A_918, %mul3A_922 : vector<16xf32>
        %gather3A_924 = arith.constant 24576 : i32
        %gather3A_925 = tpu.memref_slice %arg6[%gather3A_924] : memref<32768xf32, #tpu.memory_space<vmem>> -> memref<4096xf32, #tpu.memory_space<vmem>>
        %gather3A_926 = tpu.vector_load_idx %gather3A_925[%add3A_239] : memref<4096xf32, #tpu.memory_space<vmem>>[vector<16xi32>], vector<16xf32>,
        %mul3A_927 = arith.mulf %get3A_208, %gather3A_926 : vector<16xf32>
        %gather3A_928 = arith.constant 24576 : i32
        %gather3A_929 = tpu.memref_slice %arg6[%gather3A_928] : memref<32768xf32, #tpu.memory_space<vmem>> -> memref<4096xf32, #tpu.memory_space<vmem>>
        %gather3A_930 = tpu.vector_load_idx %gather3A_929[%add3A_264] : memref<4096xf32, #tpu.memory_space<vmem>>[vector<16xi32>], vector<16xf32>,
        %mul3A_931 = arith.mulf %get3A_212, %gather3A_930 : vector<16xf32>
        %add3A_932 = arith.addf %mul3A_927, %mul3A_931 : vector<16xf32>
        %gather3A_933 = arith.constant 24576 : i32
        %gather3A_934 = tpu.memref_slice %arg6[%gather3A_933] : memref<32768xf32, #tpu.memory_space<vmem>> -> memref<4096xf32, #tpu.memory_space<vmem>>
        %gather3A_935 = tpu.vector_load_idx %gather3A_934[%add3A_289] : memref<4096xf32, #tpu.memory_space<vmem>>[vector<16xi32>], vector<16xf32>,
        %mul3A_936 = arith.mulf %get3A_216, %gather3A_935 : vector<16xf32>
        %add3A_937 = arith.addf %add3A_932, %mul3A_936 : vector<16xf32>
        %gather3A_938 = arith.constant 24576 : i32
        %gather3A_939 = tpu.memref_slice %arg6[%gather3A_938] : memref<32768xf32, #tpu.memory_space<vmem>> -> memref<4096xf32, #tpu.memory_space<vmem>>
        %gather3A_940 = tpu.vector_load_idx %gather3A_939[%add3A_314] : memref<4096xf32, #tpu.memory_space<vmem>>[vector<16xi32>], vector<16xf32>,
        %mul3A_941 = arith.mulf %get3A_220, %gather3A_940 : vector<16xf32>
        %add3A_942 = arith.addf %add3A_937, %mul3A_941 : vector<16xf32>
        %gather3A_943 = arith.constant 24576 : i32
        %gather3A_944 = tpu.memref_slice %arg6[%gather3A_943] : memref<32768xf32, #tpu.memory_space<vmem>> -> memref<4096xf32, #tpu.memory_space<vmem>>
        %gather3A_945 = tpu.vector_load_idx %gather3A_944[%add3A_242] : memref<4096xf32, #tpu.memory_space<vmem>>[vector<16xi32>], vector<16xf32>,
        %mul3A_946 = arith.mulf %get3A_208, %gather3A_945 : vector<16xf32>
        %gather3A_947 = arith.constant 24576 : i32
        %gather3A_948 = tpu.memref_slice %arg6[%gather3A_947] : memref<32768xf32, #tpu.memory_space<vmem>> -> memref<4096xf32, #tpu.memory_space<vmem>>
        %gather3A_949 = tpu.vector_load_idx %gather3A_948[%add3A_267] : memref<4096xf32, #tpu.memory_space<vmem>>[vector<16xi32>], vector<16xf32>,
        %mul3A_950 = arith.mulf %get3A_212, %gather3A_949 : vector<16xf32>
        %add3A_951 = arith.addf %mul3A_946, %mul3A_950 : vector<16xf32>
        %gather3A_952 = arith.constant 24576 : i32
        %gather3A_953 = tpu.memref_slice %arg6[%gather3A_952] : memref<32768xf32, #tpu.memory_space<vmem>> -> memref<4096xf32, #tpu.memory_space<vmem>>
        %gather3A_954 = tpu.vector_load_idx %gather3A_953[%add3A_292] : memref<4096xf32, #tpu.memory_space<vmem>>[vector<16xi32>], vector<16xf32>,
        %mul3A_955 = arith.mulf %get3A_216, %gather3A_954 : vector<16xf32>
        %add3A_956 = arith.addf %add3A_951, %mul3A_955 : vector<16xf32>
        %gather3A_957 = arith.constant 24576 : i32
        %gather3A_958 = tpu.memref_slice %arg6[%gather3A_957] : memref<32768xf32, #tpu.memory_space<vmem>> -> memref<4096xf32, #tpu.memory_space<vmem>>
        %gather3A_959 = tpu.vector_load_idx %gather3A_958[%add3A_317] : memref<4096xf32, #tpu.memory_space<vmem>>[vector<16xi32>], vector<16xf32>,
        %mul3A_960 = arith.mulf %get3A_220, %gather3A_959 : vector<16xf32>
        %add3A_961 = arith.addf %add3A_956, %mul3A_960 : vector<16xf32>
        %div3A_962 = arith.constant 1.000000e+00 : f32
        %div3A_963 = vector.broadcast %div3A_962 : f32 to vector<16xf32>
        %div3A_964 = arith.divf %div3A_963, %add3A_961 : vector<16xf32>
        %mul3A_965 = arith.mulf %add3A_904, %div3A_964 : vector<16xf32>
        %add3A_966 = arith.constant 768 : i32
        %add3A_967 = arith.addi %add3A_324, %add3A_966 : i32
        %swap3A_968 = arith.index_cast %add3A_967 : i32 to index
        %swap3A_969 = tpu.vector_load %arg8[%swap3A_968] {strides = array<i32>} : memref<12288xf32, #tpu.memory_space<vmem>>, vector<16xf32>,
        tpu.vector_store %arg8[%swap3A_968], %mul3A_965 {strides = array<i32>} : memref<12288xf32, #tpu.memory_space<vmem>>, vector<16xf32>,
        %mul3A_970 = arith.mulf %add3A_923, %div3A_964 : vector<16xf32>
        %add3A_971 = arith.constant 4864 : i32
        %add3A_972 = arith.addi %add3A_324, %add3A_971 : i32
        %swap3A_973 = arith.index_cast %add3A_972 : i32 to index
        %swap3A_974 = tpu.vector_load %arg8[%swap3A_973] {strides = array<i32>} : memref<12288xf32, #tpu.memory_space<vmem>>, vector<16xf32>,
        tpu.vector_store %arg8[%swap3A_973], %mul3A_970 {strides = array<i32>} : memref<12288xf32, #tpu.memory_space<vmem>>, vector<16xf32>,
        %mul3A_975 = arith.mulf %add3A_942, %div3A_964 : vector<16xf32>
        %add3A_976 = arith.constant 8960 : i32
        %add3A_977 = arith.addi %add3A_324, %add3A_976 : i32
        %swap3A_978 = arith.index_cast %add3A_977 : i32 to index
        %swap3A_979 = tpu.vector_load %arg8[%swap3A_978] {strides = array<i32>} : memref<12288xf32, #tpu.memory_space<vmem>>, vector<16xf32>,
        tpu.vector_store %arg8[%swap3A_978], %mul3A_975 {strides = array<i32>} : memref<12288xf32, #tpu.memory_space<vmem>>, vector<16xf32>,
        %gather3A_980 = arith.constant 28672 : i32
        %gather3A_981 = tpu.memref_slice %arg6[%gather3A_980] : memref<32768xf32, #tpu.memory_space<vmem>> -> memref<4096xf32, #tpu.memory_space<vmem>>
        %gather3A_982 = tpu.vector_load_idx %gather3A_981[%add3A_233] : memref<4096xf32, #tpu.memory_space<vmem>>[vector<16xi32>], vector<16xf32>,
        %mul3A_983 = arith.mulf %get3A_208, %gather3A_982 : vector<16xf32>
        %gather3A_984 = arith.constant 28672 : i32
        %gather3A_985 = tpu.memref_slice %arg6[%gather3A_984] : memref<32768xf32, #tpu.memory_space<vmem>> -> memref<4096xf32, #tpu.memory_space<vmem>>
        %gather3A_986 = tpu.vector_load_idx %gather3A_985[%add3A_258] : memref<4096xf32, #tpu.memory_space<vmem>>[vector<16xi32>], vector<16xf32>,
        %mul3A_987 = arith.mulf %get3A_212, %gather3A_986 : vector<16xf32>
        %add3A_988 = arith.addf %mul3A_983, %mul3A_987 : vector<16xf32>
        %gather3A_989 = arith.constant 28672 : i32
        %gather3A_990 = tpu.memref_slice %arg6[%gather3A_989] : memref<32768xf32, #tpu.memory_space<vmem>> -> memref<4096xf32, #tpu.memory_space<vmem>>
        %gather3A_991 = tpu.vector_load_idx %gather3A_990[%add3A_283] : memref<4096xf32, #tpu.memory_space<vmem>>[vector<16xi32>], vector<16xf32>,
        %mul3A_992 = arith.mulf %get3A_216, %gather3A_991 : vector<16xf32>
        %add3A_993 = arith.addf %add3A_988, %mul3A_992 : vector<16xf32>
        %gather3A_994 = arith.constant 28672 : i32
        %gather3A_995 = tpu.memref_slice %arg6[%gather3A_994] : memref<32768xf32, #tpu.memory_space<vmem>> -> memref<4096xf32, #tpu.memory_space<vmem>>
        %gather3A_996 = tpu.vector_load_idx %gather3A_995[%add3A_308] : memref<4096xf32, #tpu.memory_space<vmem>>[vector<16xi32>], vector<16xf32>,
        %mul3A_997 = arith.mulf %get3A_220, %gather3A_996 : vector<16xf32>
        %add3A_998 = arith.addf %add3A_993, %mul3A_997 : vector<16xf32>
        %gather3A_999 = arith.constant 28672 : i32
        %gather3A_1000 = tpu.memref_slice %arg6[%gather3A_999] : memref<32768xf32, #tpu.memory_space<vmem>> -> memref<4096xf32, #tpu.memory_space<vmem>>
        %gather3A_1001 = tpu.vector_load_idx %gather3A_1000[%add3A_236] : memref<4096xf32, #tpu.memory_space<vmem>>[vector<16xi32>], vector<16xf32>,
        %mul3A_1002 = arith.mulf %get3A_208, %gather3A_1001 : vector<16xf32>
        %gather3A_1003 = arith.constant 28672 : i32
        %gather3A_1004 = tpu.memref_slice %arg6[%gather3A_1003] : memref<32768xf32, #tpu.memory_space<vmem>> -> memref<4096xf32, #tpu.memory_space<vmem>>
        %gather3A_1005 = tpu.vector_load_idx %gather3A_1004[%add3A_261] : memref<4096xf32, #tpu.memory_space<vmem>>[vector<16xi32>], vector<16xf32>,
        %mul3A_1006 = arith.mulf %get3A_212, %gather3A_1005 : vector<16xf32>
        %add3A_1007 = arith.addf %mul3A_1002, %mul3A_1006 : vector<16xf32>
        %gather3A_1008 = arith.constant 28672 : i32
        %gather3A_1009 = tpu.memref_slice %arg6[%gather3A_1008] : memref<32768xf32, #tpu.memory_space<vmem>> -> memref<4096xf32, #tpu.memory_space<vmem>>
        %gather3A_1010 = tpu.vector_load_idx %gather3A_1009[%add3A_286] : memref<4096xf32, #tpu.memory_space<vmem>>[vector<16xi32>], vector<16xf32>,
        %mul3A_1011 = arith.mulf %get3A_216, %gather3A_1010 : vector<16xf32>
        %add3A_1012 = arith.addf %add3A_1007, %mul3A_1011 : vector<16xf32>
        %gather3A_1013 = arith.constant 28672 : i32
        %gather3A_1014 = tpu.memref_slice %arg6[%gather3A_1013] : memref<32768xf32, #tpu.memory_space<vmem>> -> memref<4096xf32, #tpu.memory_space<vmem>>
        %gather3A_1015 = tpu.vector_load_idx %gather3A_1014[%add3A_311] : memref<4096xf32, #tpu.memory_space<vmem>>[vector<16xi32>], vector<16xf32>,
        %mul3A_1016 = arith.mulf %get3A_220, %gather3A_1015 : vector<16xf32>
        %add3A_1017 = arith.addf %add3A_1012, %mul3A_1016 : vector<16xf32>
        %gather3A_1018 = arith.constant 28672 : i32
        %gather3A_1019 = tpu.memref_slice %arg6[%gather3A_1018] : memref<32768xf32, #tpu.memory_space<vmem>> -> memref<4096xf32, #tpu.memory_space<vmem>>
        %gather3A_1020 = tpu.vector_load_idx %gather3A_1019[%add3A_239] : memref<4096xf32, #tpu.memory_space<vmem>>[vector<16xi32>], vector<16xf32>,
        %mul3A_1021 = arith.mulf %get3A_208, %gather3A_1020 : vector<16xf32>
        %gather3A_1022 = arith.constant 28672 : i32
        %gather3A_1023 = tpu.memref_slice %arg6[%gather3A_1022] : memref<32768xf32, #tpu.memory_space<vmem>> -> memref<4096xf32, #tpu.memory_space<vmem>>
        %gather3A_1024 = tpu.vector_load_idx %gather3A_1023[%add3A_264] : memref<4096xf32, #tpu.memory_space<vmem>>[vector<16xi32>], vector<16xf32>,
        %mul3A_1025 = arith.mulf %get3A_212, %gather3A_1024 : vector<16xf32>
        %add3A_1026 = arith.addf %mul3A_1021, %mul3A_1025 : vector<16xf32>
        %gather3A_1027 = arith.constant 28672 : i32
        %gather3A_1028 = tpu.memref_slice %arg6[%gather3A_1027] : memref<32768xf32, #tpu.memory_space<vmem>> -> memref<4096xf32, #tpu.memory_space<vmem>>
        %gather3A_1029 = tpu.vector_load_idx %gather3A_1028[%add3A_289] : memref<4096xf32, #tpu.memory_space<vmem>>[vector<16xi32>], vector<16xf32>,
        %mul3A_1030 = arith.mulf %get3A_216, %gather3A_1029 : vector<16xf32>
        %add3A_1031 = arith.addf %add3A_1026, %mul3A_1030 : vector<16xf32>
        %gather3A_1032 = arith.constant 28672 : i32
        %gather3A_1033 = tpu.memref_slice %arg6[%gather3A_1032] : memref<32768xf32, #tpu.memory_space<vmem>> -> memref<4096xf32, #tpu.memory_space<vmem>>
        %gather3A_1034 = tpu.vector_load_idx %gather3A_1033[%add3A_314] : memref<4096xf32, #tpu.memory_space<vmem>>[vector<16xi32>], vector<16xf32>,
        %mul3A_1035 = arith.mulf %get3A_220, %gather3A_1034 : vector<16xf32>
        %add3A_1036 = arith.addf %add3A_1031, %mul3A_1035 : vector<16xf32>
        %gather3A_1037 = arith.constant 28672 : i32
        %gather3A_1038 = tpu.memref_slice %arg6[%gather3A_1037] : memref<32768xf32, #tpu.memory_space<vmem>> -> memref<4096xf32, #tpu.memory_space<vmem>>
        %gather3A_1039 = tpu.vector_load_idx %gather3A_1038[%add3A_242] : memref<4096xf32, #tpu.memory_space<vmem>>[vector<16xi32>], vector<16xf32>,
        %mul3A_1040 = arith.mulf %get3A_208, %gather3A_1039 : vector<16xf32>
        %gather3A_1041 = arith.constant 28672 : i32
        %gather3A_1042 = tpu.memref_slice %arg6[%gather3A_1041] : memref<32768xf32, #tpu.memory_space<vmem>> -> memref<4096xf32, #tpu.memory_space<vmem>>
        %gather3A_1043 = tpu.vector_load_idx %gather3A_1042[%add3A_267] : memref<4096xf32, #tpu.memory_space<vmem>>[vector<16xi32>], vector<16xf32>,
        %mul3A_1044 = arith.mulf %get3A_212, %gather3A_1043 : vector<16xf32>
        %add3A_1045 = arith.addf %mul3A_1040, %mul3A_1044 : vector<16xf32>
        %gather3A_1046 = arith.constant 28672 : i32
        %gather3A_1047 = tpu.memref_slice %arg6[%gather3A_1046] : memref<32768xf32, #tpu.memory_space<vmem>> -> memref<4096xf32, #tpu.memory_space<vmem>>
        %gather3A_1048 = tpu.vector_load_idx %gather3A_1047[%add3A_292] : memref<4096xf32, #tpu.memory_space<vmem>>[vector<16xi32>], vector<16xf32>,
        %mul3A_1049 = arith.mulf %get3A_216, %gather3A_1048 : vector<16xf32>
        %add3A_1050 = arith.addf %add3A_1045, %mul3A_1049 : vector<16xf32>
        %gather3A_1051 = arith.constant 28672 : i32
        %gather3A_1052 = tpu.memref_slice %arg6[%gather3A_1051] : memref<32768xf32, #tpu.memory_space<vmem>> -> memref<4096xf32, #tpu.memory_space<vmem>>
        %gather3A_1053 = tpu.vector_load_idx %gather3A_1052[%add3A_317] : memref<4096xf32, #tpu.memory_space<vmem>>[vector<16xi32>], vector<16xf32>,
        %mul3A_1054 = arith.mulf %get3A_220, %gather3A_1053 : vector<16xf32>
        %add3A_1055 = arith.addf %add3A_1050, %mul3A_1054 : vector<16xf32>
        %div3A_1056 = arith.constant 1.000000e+00 : f32
        %div3A_1057 = vector.broadcast %div3A_1056 : f32 to vector<16xf32>
        %div3A_1058 = arith.divf %div3A_1057, %add3A_1055 : vector<16xf32>
        %mul3A_1059 = arith.mulf %add3A_998, %div3A_1058 : vector<16xf32>
        %add3A_1060 = arith.constant 896 : i32
        %add3A_1061 = arith.addi %add3A_324, %add3A_1060 : i32
        %swap3A_1062 = arith.index_cast %add3A_1061 : i32 to index
        %swap3A_1063 = tpu.vector_load %arg8[%swap3A_1062] {strides = array<i32>} : memref<12288xf32, #tpu.memory_space<vmem>>, vector<16xf32>,
        tpu.vector_store %arg8[%swap3A_1062], %mul3A_1059 {strides = array<i32>} : memref<12288xf32, #tpu.memory_space<vmem>>, vector<16xf32>,
        %mul3A_1064 = arith.mulf %add3A_1017, %div3A_1058 : vector<16xf32>
        %add3A_1065 = arith.constant 4992 : i32
        %add3A_1066 = arith.addi %add3A_324, %add3A_1065 : i32
        %swap3A_1067 = arith.index_cast %add3A_1066 : i32 to index
        %swap3A_1068 = tpu.vector_load %arg8[%swap3A_1067] {strides = array<i32>} : memref<12288xf32, #tpu.memory_space<vmem>>, vector<16xf32>,
        tpu.vector_store %arg8[%swap3A_1067], %mul3A_1064 {strides = array<i32>} : memref<12288xf32, #tpu.memory_space<vmem>>, vector<16xf32>,
        %mul3A_1069 = arith.mulf %add3A_1036, %div3A_1058 : vector<16xf32>
        %add3A_1070 = arith.constant 9088 : i32
        %add3A_1071 = arith.addi %add3A_324, %add3A_1070 : i32
        %swap3A_1072 = arith.index_cast %add3A_1071 : i32 to index
        %swap3A_1073 = tpu.vector_load %arg8[%swap3A_1072] {strides = array<i32>} : memref<12288xf32, #tpu.memory_space<vmem>>, vector<16xf32>,
        tpu.vector_store %arg8[%swap3A_1072], %mul3A_1069 {strides = array<i32>} : memref<12288xf32, #tpu.memory_space<vmem>>, vector<16xf32>,
      }
      %scan3A_107 = arith.constant 32 : i32
      %mul3A_108 = arith.constant 16 : i32
      %mul3A_109 = arith.muli %add3A, %mul3A_108 : i32
      %add3A_110 = arith.addi %mul3A_109, %mul3A_88 : i32
      %mul3A_111 = arith.constant 4096 : i32
      %mul3A_112 = arith.muli %add3A_110, %mul3A_111 : i32
      %add3A_113 = arith.constant 0 : i32
      %add3A_114 = arith.addi %add3A_113, %mul3A_112 : i32
      %mul3A_115 = arith.constant 4096 : i32
      %mul3A_116 = arith.muli %add3A_110, %mul3A_115 : i32
      %add3A_117 = arith.constant 2097152 : i32
      %add3A_118 = arith.addi %add3A_117, %mul3A_116 : i32
      %mul3A_119 = arith.constant 4096 : i32
      %mul3A_120 = arith.muli %add3A_110, %mul3A_119 : i32
      %add3A_121 = arith.constant 4194304 : i32
      %add3A_122 = arith.addi %add3A_121, %mul3A_120 : i32
      %dma_start3A_123 = arith.constant 0 : i32
      %dma_start3A_124 = tpu.memref_slice %arg8[%dma_start3A_123] : memref<12288xf32, #tpu.memory_space<vmem>> -> memref<4096xf32, #tpu.memory_space<vmem>>
      %dma_start3A_125 = tpu.memref_slice %arg5[%add3A_114] : memref<6291456xf32, #tpu.memory_space<hbm>> -> memref<4096xf32, #tpu.memory_space<hbm>>
      %dma_start3A_126 = tpu.memref_slice %arg5[%add3A_114] : memref<6291456xf32, #tpu.memory_space<hbm>> -> memref<4096xf32, #tpu.memory_space<hbm>>
      %dma_start3A_127 = arith.constant 0 : i32
      %dma_start3A_128 = tpu.memref_slice %arg8[%dma_start3A_127] : memref<12288xf32, #tpu.memory_space<vmem>> -> memref<4096xf32, #tpu.memory_space<vmem>>
      tpu.enqueue_dma source(%dma_start3A_128 : memref<4096xf32, #tpu.memory_space<vmem>>) target(%dma_start3A_126 : memref<4096xf32, #tpu.memory_space<hbm>>) target_semaphore(%arg14 : memref<!tpu.dma_semaphore, #tpu.memory_space<semaphore_mem>>)
      %dma_start3A_129 = arith.constant 4096 : i32
      %dma_start3A_130 = tpu.memref_slice %arg8[%dma_start3A_129] : memref<12288xf32, #tpu.memory_space<vmem>> -> memref<4096xf32, #tpu.memory_space<vmem>>
      %dma_start3A_131 = tpu.memref_slice %arg5[%add3A_118] : memref<6291456xf32, #tpu.memory_space<hbm>> -> memref<4096xf32, #tpu.memory_space<hbm>>
      %dma_start3A_132 = tpu.memref_slice %arg5[%add3A_118] : memref<6291456xf32, #tpu.memory_space<hbm>> -> memref<4096xf32, #tpu.memory_space<hbm>>
      %dma_start3A_133 = arith.constant 4096 : i32
      %dma_start3A_134 = tpu.memref_slice %arg8[%dma_start3A_133] : memref<12288xf32, #tpu.memory_space<vmem>> -> memref<4096xf32, #tpu.memory_space<vmem>>
      tpu.enqueue_dma source(%dma_start3A_134 : memref<4096xf32, #tpu.memory_space<vmem>>) target(%dma_start3A_132 : memref<4096xf32, #tpu.memory_space<hbm>>) target_semaphore(%arg14 : memref<!tpu.dma_semaphore, #tpu.memory_space<semaphore_mem>>)
      %dma_start3A_135 = arith.constant 8192 : i32
      %dma_start3A_136 = tpu.memref_slice %arg8[%dma_start3A_135] : memref<12288xf32, #tpu.memory_space<vmem>> -> memref<4096xf32, #tpu.memory_space<vmem>>
      %dma_start3A_137 = tpu.memref_slice %arg5[%add3A_122] : memref<6291456xf32, #tpu.memory_space<hbm>> -> memref<4096xf32, #tpu.memory_space<hbm>>
      %dma_start3A_138 = tpu.memref_slice %arg5[%add3A_122] : memref<6291456xf32, #tpu.memory_space<hbm>> -> memref<4096xf32, #tpu.memory_space<hbm>>
      %dma_start3A_139 = arith.constant 8192 : i32
      %dma_start3A_140 = tpu.memref_slice %arg8[%dma_start3A_139] : memref<12288xf32, #tpu.memory_space<vmem>> -> memref<4096xf32, #tpu.memory_space<vmem>>
      tpu.enqueue_dma source(%dma_start3A_140 : memref<4096xf32, #tpu.memory_space<vmem>>) target(%dma_start3A_138 : memref<4096xf32, #tpu.memory_space<hbm>>) target_semaphore(%arg14 : memref<!tpu.dma_semaphore, #tpu.memory_space<semaphore_mem>>)
      %lt3A = arith.constant 7 : i32
      %lt3A_141 = arith.cmpi slt, %scan3A_86, %lt3A : i32
      %convert_element_type3A_142 = arith.extui %lt3A_141 : i1 to i32
      %cond3A_143 = arith.constant 0 : i32
      %cond3A_144 = arith.cmpi ne, %convert_element_type3A_142, %cond3A_143 : i32
      scf.if %cond3A_144 {
        %add3A_201 = arith.constant 2 : i32
        %add3A_202 = arith.addi %mul3A_88, %add3A_201 : i32
        %mul3A_203 = arith.constant 8 : i32
        %mul3A_204 = arith.muli %add3A_202, %mul3A_203 : i32
        %add3A_205 = arith.addi %mul3A_2, %mul3A_204 : i32
        %mul3A_206 = arith.constant 4096 : i32
        %mul3A_207 = arith.muli %add3A_205, %mul3A_206 : i32
        %dma_start3A_208 = tpu.memref_slice %arg2[%mul3A_207] : memref<16777216xf32, #tpu.memory_space<hbm>> -> memref<32768xf32, #tpu.memory_space<hbm>>
        %dma_start3A_209 = tpu.memref_slice %arg2[%mul3A_207] : memref<16777216xf32, #tpu.memory_space<hbm>> -> memref<32768xf32, #tpu.memory_space<hbm>>
        tpu.enqueue_dma source(%dma_start3A_209 : memref<32768xf32, #tpu.memory_space<hbm>>) target(%arg6 : memref<32768xf32, #tpu.memory_space<vmem>>) target_semaphore(%arg12 : memref<!tpu.dma_semaphore, #tpu.memory_space<semaphore_mem>>)
      } else {
      }
      %mul3A_145 = arith.constant 8 : i32
      %mul3A_146 = arith.muli %add3A_92, %mul3A_145 : i32
      %add3A_147 = arith.addi %mul3A_2, %mul3A_146 : i32
      %mul3A_148 = arith.constant 4096 : i32
      %mul3A_149 = arith.muli %add3A_147, %mul3A_148 : i32
      %dma_wait3A_150 = tpu.memref_slice %arg2[%mul3A_149] : memref<16777216xf32, #tpu.memory_space<hbm>> -> memref<32768xf32, #tpu.memory_space<hbm>>
      %dma_wait3A_151 = tpu.memref_slice %arg2[%mul3A_149] : memref<16777216xf32, #tpu.memory_space<hbm>> -> memref<32768xf32, #tpu.memory_space<hbm>>
      tpu.wait_dma2 semaphore(%arg13 : memref<!tpu.dma_semaphore, #tpu.memory_space<semaphore_mem>>) src(%dma_wait3A_151 : memref<32768xf32, #tpu.memory_space<hbm>>) dst(%arg7 : memref<32768xf32, #tpu.memory_space<vmem>>)
      %ge3A_152 = arith.constant 1 : i32
      %ge3A_153 = arith.cmpi sge, %scan3A_86, %ge3A_152 : i32
      %convert_element_type3A_154 = arith.extui %ge3A_153 : i1 to i32
      %cond3A_155 = arith.constant 0 : i32
      %cond3A_156 = arith.cmpi ne, %convert_element_type3A_154, %cond3A_155 : i32
      scf.if %cond3A_156 {
        %sub3A = arith.constant 2 : i32
        %sub3A_201 = arith.subi %add3A_92, %sub3A : i32
        %mul3A_202 = arith.constant 16 : i32
        %mul3A_203 = arith.muli %add3A, %mul3A_202 : i32
        %add3A_204 = arith.addi %mul3A_203, %sub3A_201 : i32
        %mul3A_205 = arith.constant 4096 : i32
        %mul3A_206 = arith.muli %add3A_204, %mul3A_205 : i32
        %add3A_207 = arith.constant 0 : i32
        %add3A_208 = arith.addi %add3A_207, %mul3A_206 : i32
        %mul3A_209 = arith.constant 4096 : i32
        %mul3A_210 = arith.muli %add3A_204, %mul3A_209 : i32
        %add3A_211 = arith.constant 2097152 : i32
        %add3A_212 = arith.addi %add3A_211, %mul3A_210 : i32
        %mul3A_213 = arith.constant 4096 : i32
        %mul3A_214 = arith.muli %add3A_204, %mul3A_213 : i32
        %add3A_215 = arith.constant 4194304 : i32
        %add3A_216 = arith.addi %add3A_215, %mul3A_214 : i32
        %dma_wait3A_217 = arith.constant 0 : i32
        %dma_wait3A_218 = tpu.memref_slice %arg9[%dma_wait3A_217] : memref<12288xf32, #tpu.memory_space<vmem>> -> memref<4096xf32, #tpu.memory_space<vmem>>
        %dma_wait3A_219 = tpu.memref_slice %arg5[%add3A_208] : memref<6291456xf32, #tpu.memory_space<hbm>> -> memref<4096xf32, #tpu.memory_space<hbm>>
        %dma_wait3A_220 = tpu.memref_slice %arg5[%add3A_208] : memref<6291456xf32, #tpu.memory_space<hbm>> -> memref<4096xf32, #tpu.memory_space<hbm>>
        %dma_wait3A_221 = arith.constant 0 : i32
        %dma_wait3A_222 = tpu.memref_slice %arg9[%dma_wait3A_221] : memref<12288xf32, #tpu.memory_space<vmem>> -> memref<4096xf32, #tpu.memory_space<vmem>>
        tpu.wait_dma2 semaphore(%arg15 : memref<!tpu.dma_semaphore, #tpu.memory_space<semaphore_mem>>) src(%dma_wait3A_222 : memref<4096xf32, #tpu.memory_space<vmem>>) dst(%dma_wait3A_220 : memref<4096xf32, #tpu.memory_space<hbm>>)
        %dma_wait3A_223 = arith.constant 4096 : i32
        %dma_wait3A_224 = tpu.memref_slice %arg9[%dma_wait3A_223] : memref<12288xf32, #tpu.memory_space<vmem>> -> memref<4096xf32, #tpu.memory_space<vmem>>
        %dma_wait3A_225 = tpu.memref_slice %arg5[%add3A_212] : memref<6291456xf32, #tpu.memory_space<hbm>> -> memref<4096xf32, #tpu.memory_space<hbm>>
        %dma_wait3A_226 = tpu.memref_slice %arg5[%add3A_212] : memref<6291456xf32, #tpu.memory_space<hbm>> -> memref<4096xf32, #tpu.memory_space<hbm>>
        %dma_wait3A_227 = arith.constant 4096 : i32
        %dma_wait3A_228 = tpu.memref_slice %arg9[%dma_wait3A_227] : memref<12288xf32, #tpu.memory_space<vmem>> -> memref<4096xf32, #tpu.memory_space<vmem>>
        tpu.wait_dma2 semaphore(%arg15 : memref<!tpu.dma_semaphore, #tpu.memory_space<semaphore_mem>>) src(%dma_wait3A_228 : memref<4096xf32, #tpu.memory_space<vmem>>) dst(%dma_wait3A_226 : memref<4096xf32, #tpu.memory_space<hbm>>)
        %dma_wait3A_229 = arith.constant 8192 : i32
        %dma_wait3A_230 = tpu.memref_slice %arg9[%dma_wait3A_229] : memref<12288xf32, #tpu.memory_space<vmem>> -> memref<4096xf32, #tpu.memory_space<vmem>>
        %dma_wait3A_231 = tpu.memref_slice %arg5[%add3A_216] : memref<6291456xf32, #tpu.memory_space<hbm>> -> memref<4096xf32, #tpu.memory_space<hbm>>
        %dma_wait3A_232 = tpu.memref_slice %arg5[%add3A_216] : memref<6291456xf32, #tpu.memory_space<hbm>> -> memref<4096xf32, #tpu.memory_space<hbm>>
        %dma_wait3A_233 = arith.constant 8192 : i32
        %dma_wait3A_234 = tpu.memref_slice %arg9[%dma_wait3A_233] : memref<12288xf32, #tpu.memory_space<vmem>> -> memref<4096xf32, #tpu.memory_space<vmem>>
        tpu.wait_dma2 semaphore(%arg15 : memref<!tpu.dma_semaphore, #tpu.memory_space<semaphore_mem>>) src(%dma_wait3A_234 : memref<4096xf32, #tpu.memory_space<vmem>>) dst(%dma_wait3A_232 : memref<4096xf32, #tpu.memory_space<hbm>>)
      } else {
      }
      %scan3A_157 = arith.constant 0 : i32
      %scan3A_158 = arith.constant 0 : i32
      %scan3A_159 = arith.constant 32 : i32
      %scan3A_160 = arith.addi %scan3A_158, %scan3A_159 : i32
      %scan3A_161 = arith.constant 1 : i32
      scf.for %scan3A_201 = %scan3A_158 to %scan3A_160 step %scan3A_161  : i32 {
        %mul3A_202 = arith.constant 16 : i32
        %mul3A_203 = arith.muli %scan3A_201, %mul3A_202 : i32
        %get3A = arith.index_cast %mul3A_203 : i32 to index
        %get3A_204 = tpu.vector_load %arg11[%get3A] {strides = array<i32>} : memref<512xi32, #tpu.memory_space<vmem>>, vector<16xi32>,
        %add3A_205 = arith.constant 0 : i32
        %add3A_206 = arith.addi %mul3A_203, %add3A_205 : i32
        %get3A_207 = arith.index_cast %add3A_206 : i32 to index
        %get3A_208 = tpu.vector_load %arg10[%get3A_207] {strides = array<i32>} : memref<2048xf32, #tpu.memory_space<vmem>>, vector<16xf32>,
        %add3A_209 = arith.constant 512 : i32
        %add3A_210 = arith.addi %mul3A_203, %add3A_209 : i32
        %get3A_211 = arith.index_cast %add3A_210 : i32 to index
        %get3A_212 = tpu.vector_load %arg10[%get3A_211] {strides = array<i32>} : memref<2048xf32, #tpu.memory_space<vmem>>, vector<16xf32>,
        %add3A_213 = arith.constant 1024 : i32
        %add3A_214 = arith.addi %mul3A_203, %add3A_213 : i32
        %get3A_215 = arith.index_cast %add3A_214 : i32 to index
        %get3A_216 = tpu.vector_load %arg10[%get3A_215] {strides = array<i32>} : memref<2048xf32, #tpu.memory_space<vmem>>, vector<16xf32>,
        %add3A_217 = arith.constant 1536 : i32
        %add3A_218 = arith.addi %mul3A_203, %add3A_217 : i32
        %get3A_219 = arith.index_cast %add3A_218 : i32 to index
        %get3A_220 = tpu.vector_load %arg10[%get3A_219] {strides = array<i32>} : memref<2048xf32, #tpu.memory_space<vmem>>, vector<16xf32>,
        %add3A_221 = arith.constant -3 : i32
        %add3A_222 = vector.broadcast %add3A_221 : i32 to vector<16xi32>
        %add3A_223 = arith.addi %get3A_204, %add3A_222 : vector<16xi32>
        %shift_right_arithmetic3A = arith.constant 7 : i32
        %shift_right_arithmetic3A_224 = vector.broadcast %shift_right_arithmetic3A : i32 to vector<16xi32>
        %shift_right_arithmetic3A_225 = arith.shrsi %add3A_223, %shift_right_arithmetic3A_224 : vector<16xi32>
        %shift_left3A = arith.constant 9 : i32
        %shift_left3A_226 = vector.broadcast %shift_left3A : i32 to vector<16xi32>
        %shift_left3A_227 = arith.shli %shift_right_arithmetic3A_225, %shift_left3A_226 : vector<16xi32>
        %and3A = arith.constant 127 : i32
        %and3A_228 = vector.broadcast %and3A : i32 to vector<16xi32>
        %and3A_229 = arith.andi %add3A_223, %and3A_228 : vector<16xi32>
        %add3A_230 = arith.addi %shift_left3A_227, %and3A_229 : vector<16xi32>
        %add3A_231 = arith.constant 0 : i32
        %add3A_232 = vector.broadcast %add3A_231 : i32 to vector<16xi32>
        %add3A_233 = arith.addi %add3A_230, %add3A_232 : vector<16xi32>
        %add3A_234 = arith.constant 128 : i32
        %add3A_235 = vector.broadcast %add3A_234 : i32 to vector<16xi32>
        %add3A_236 = arith.addi %add3A_230, %add3A_235 : vector<16xi32>
        %add3A_237 = arith.constant 256 : i32
        %add3A_238 = vector.broadcast %add3A_237 : i32 to vector<16xi32>
        %add3A_239 = arith.addi %add3A_230, %add3A_238 : vector<16xi32>
        %add3A_240 = arith.constant 384 : i32
        %add3A_241 = vector.broadcast %add3A_240 : i32 to vector<16xi32>
        %add3A_242 = arith.addi %add3A_230, %add3A_241 : vector<16xi32>
        %add3A_243 = arith.constant -2 : i32
        %add3A_244 = vector.broadcast %add3A_243 : i32 to vector<16xi32>
        %add3A_245 = arith.addi %get3A_204, %add3A_244 : vector<16xi32>
        %shift_right_arithmetic3A_246 = arith.constant 7 : i32
        %shift_right_arithmetic3A_247 = vector.broadcast %shift_right_arithmetic3A_246 : i32 to vector<16xi32>
        %shift_right_arithmetic3A_248 = arith.shrsi %add3A_245, %shift_right_arithmetic3A_247 : vector<16xi32>
        %shift_left3A_249 = arith.constant 9 : i32
        %shift_left3A_250 = vector.broadcast %shift_left3A_249 : i32 to vector<16xi32>
        %shift_left3A_251 = arith.shli %shift_right_arithmetic3A_248, %shift_left3A_250 : vector<16xi32>
        %and3A_252 = arith.constant 127 : i32
        %and3A_253 = vector.broadcast %and3A_252 : i32 to vector<16xi32>
        %and3A_254 = arith.andi %add3A_245, %and3A_253 : vector<16xi32>
        %add3A_255 = arith.addi %shift_left3A_251, %and3A_254 : vector<16xi32>
        %add3A_256 = arith.constant 0 : i32
        %add3A_257 = vector.broadcast %add3A_256 : i32 to vector<16xi32>
        %add3A_258 = arith.addi %add3A_255, %add3A_257 : vector<16xi32>
        %add3A_259 = arith.constant 128 : i32
        %add3A_260 = vector.broadcast %add3A_259 : i32 to vector<16xi32>
        %add3A_261 = arith.addi %add3A_255, %add3A_260 : vector<16xi32>
        %add3A_262 = arith.constant 256 : i32
        %add3A_263 = vector.broadcast %add3A_262 : i32 to vector<16xi32>
        %add3A_264 = arith.addi %add3A_255, %add3A_263 : vector<16xi32>
        %add3A_265 = arith.constant 384 : i32
        %add3A_266 = vector.broadcast %add3A_265 : i32 to vector<16xi32>
        %add3A_267 = arith.addi %add3A_255, %add3A_266 : vector<16xi32>
        %add3A_268 = arith.constant -1 : i32
        %add3A_269 = vector.broadcast %add3A_268 : i32 to vector<16xi32>
        %add3A_270 = arith.addi %get3A_204, %add3A_269 : vector<16xi32>
        %shift_right_arithmetic3A_271 = arith.constant 7 : i32
        %shift_right_arithmetic3A_272 = vector.broadcast %shift_right_arithmetic3A_271 : i32 to vector<16xi32>
        %shift_right_arithmetic3A_273 = arith.shrsi %add3A_270, %shift_right_arithmetic3A_272 : vector<16xi32>
        %shift_left3A_274 = arith.constant 9 : i32
        %shift_left3A_275 = vector.broadcast %shift_left3A_274 : i32 to vector<16xi32>
        %shift_left3A_276 = arith.shli %shift_right_arithmetic3A_273, %shift_left3A_275 : vector<16xi32>
        %and3A_277 = arith.constant 127 : i32
        %and3A_278 = vector.broadcast %and3A_277 : i32 to vector<16xi32>
        %and3A_279 = arith.andi %add3A_270, %and3A_278 : vector<16xi32>
        %add3A_280 = arith.addi %shift_left3A_276, %and3A_279 : vector<16xi32>
        %add3A_281 = arith.constant 0 : i32
        %add3A_282 = vector.broadcast %add3A_281 : i32 to vector<16xi32>
        %add3A_283 = arith.addi %add3A_280, %add3A_282 : vector<16xi32>
        %add3A_284 = arith.constant 128 : i32
        %add3A_285 = vector.broadcast %add3A_284 : i32 to vector<16xi32>
        %add3A_286 = arith.addi %add3A_280, %add3A_285 : vector<16xi32>
        %add3A_287 = arith.constant 256 : i32
        %add3A_288 = vector.broadcast %add3A_287 : i32 to vector<16xi32>
        %add3A_289 = arith.addi %add3A_280, %add3A_288 : vector<16xi32>
        %add3A_290 = arith.constant 384 : i32
        %add3A_291 = vector.broadcast %add3A_290 : i32 to vector<16xi32>
        %add3A_292 = arith.addi %add3A_280, %add3A_291 : vector<16xi32>
        %add3A_293 = arith.constant 0 : i32
        %add3A_294 = vector.broadcast %add3A_293 : i32 to vector<16xi32>
        %add3A_295 = arith.addi %get3A_204, %add3A_294 : vector<16xi32>
        %shift_right_arithmetic3A_296 = arith.constant 7 : i32
        %shift_right_arithmetic3A_297 = vector.broadcast %shift_right_arithmetic3A_296 : i32 to vector<16xi32>
        %shift_right_arithmetic3A_298 = arith.shrsi %add3A_295, %shift_right_arithmetic3A_297 : vector<16xi32>
        %shift_left3A_299 = arith.constant 9 : i32
        %shift_left3A_300 = vector.broadcast %shift_left3A_299 : i32 to vector<16xi32>
        %shift_left3A_301 = arith.shli %shift_right_arithmetic3A_298, %shift_left3A_300 : vector<16xi32>
        %and3A_302 = arith.constant 127 : i32
        %and3A_303 = vector.broadcast %and3A_302 : i32 to vector<16xi32>
        %and3A_304 = arith.andi %add3A_295, %and3A_303 : vector<16xi32>
        %add3A_305 = arith.addi %shift_left3A_301, %and3A_304 : vector<16xi32>
        %add3A_306 = arith.constant 0 : i32
        %add3A_307 = vector.broadcast %add3A_306 : i32 to vector<16xi32>
        %add3A_308 = arith.addi %add3A_305, %add3A_307 : vector<16xi32>
        %add3A_309 = arith.constant 128 : i32
        %add3A_310 = vector.broadcast %add3A_309 : i32 to vector<16xi32>
        %add3A_311 = arith.addi %add3A_305, %add3A_310 : vector<16xi32>
        %add3A_312 = arith.constant 256 : i32
        %add3A_313 = vector.broadcast %add3A_312 : i32 to vector<16xi32>
        %add3A_314 = arith.addi %add3A_305, %add3A_313 : vector<16xi32>
        %add3A_315 = arith.constant 384 : i32
        %add3A_316 = vector.broadcast %add3A_315 : i32 to vector<16xi32>
        %add3A_317 = arith.addi %add3A_305, %add3A_316 : vector<16xi32>
        %shift_right_arithmetic3A_318 = arith.constant 7 : i32
        %shift_right_arithmetic3A_319 = arith.shrsi %mul3A_203, %shift_right_arithmetic3A_318 : i32
        %shift_left3A_320 = arith.constant 10 : i32
        %shift_left3A_321 = arith.shli %shift_right_arithmetic3A_319, %shift_left3A_320 : i32
        %and3A_322 = arith.constant 127 : i32
        %and3A_323 = arith.andi %mul3A_203, %and3A_322 : i32
        %add3A_324 = arith.addi %shift_left3A_321, %and3A_323 : i32
        %gather3A = arith.constant 0 : i32
        %gather3A_325 = tpu.memref_slice %arg7[%gather3A] : memref<32768xf32, #tpu.memory_space<vmem>> -> memref<4096xf32, #tpu.memory_space<vmem>>
        %gather3A_326 = tpu.vector_load_idx %gather3A_325[%add3A_233] : memref<4096xf32, #tpu.memory_space<vmem>>[vector<16xi32>], vector<16xf32>,
        %mul3A_327 = arith.mulf %get3A_208, %gather3A_326 : vector<16xf32>
        %gather3A_328 = arith.constant 0 : i32
        %gather3A_329 = tpu.memref_slice %arg7[%gather3A_328] : memref<32768xf32, #tpu.memory_space<vmem>> -> memref<4096xf32, #tpu.memory_space<vmem>>
        %gather3A_330 = tpu.vector_load_idx %gather3A_329[%add3A_258] : memref<4096xf32, #tpu.memory_space<vmem>>[vector<16xi32>], vector<16xf32>,
        %mul3A_331 = arith.mulf %get3A_212, %gather3A_330 : vector<16xf32>
        %add3A_332 = arith.addf %mul3A_327, %mul3A_331 : vector<16xf32>
        %gather3A_333 = arith.constant 0 : i32
        %gather3A_334 = tpu.memref_slice %arg7[%gather3A_333] : memref<32768xf32, #tpu.memory_space<vmem>> -> memref<4096xf32, #tpu.memory_space<vmem>>
        %gather3A_335 = tpu.vector_load_idx %gather3A_334[%add3A_283] : memref<4096xf32, #tpu.memory_space<vmem>>[vector<16xi32>], vector<16xf32>,
        %mul3A_336 = arith.mulf %get3A_216, %gather3A_335 : vector<16xf32>
        %add3A_337 = arith.addf %add3A_332, %mul3A_336 : vector<16xf32>
        %gather3A_338 = arith.constant 0 : i32
        %gather3A_339 = tpu.memref_slice %arg7[%gather3A_338] : memref<32768xf32, #tpu.memory_space<vmem>> -> memref<4096xf32, #tpu.memory_space<vmem>>
        %gather3A_340 = tpu.vector_load_idx %gather3A_339[%add3A_308] : memref<4096xf32, #tpu.memory_space<vmem>>[vector<16xi32>], vector<16xf32>,
        %mul3A_341 = arith.mulf %get3A_220, %gather3A_340 : vector<16xf32>
        %add3A_342 = arith.addf %add3A_337, %mul3A_341 : vector<16xf32>
        %gather3A_343 = arith.constant 0 : i32
        %gather3A_344 = tpu.memref_slice %arg7[%gather3A_343] : memref<32768xf32, #tpu.memory_space<vmem>> -> memref<4096xf32, #tpu.memory_space<vmem>>
        %gather3A_345 = tpu.vector_load_idx %gather3A_344[%add3A_236] : memref<4096xf32, #tpu.memory_space<vmem>>[vector<16xi32>], vector<16xf32>,
        %mul3A_346 = arith.mulf %get3A_208, %gather3A_345 : vector<16xf32>
        %gather3A_347 = arith.constant 0 : i32
        %gather3A_348 = tpu.memref_slice %arg7[%gather3A_347] : memref<32768xf32, #tpu.memory_space<vmem>> -> memref<4096xf32, #tpu.memory_space<vmem>>
        %gather3A_349 = tpu.vector_load_idx %gather3A_348[%add3A_261] : memref<4096xf32, #tpu.memory_space<vmem>>[vector<16xi32>], vector<16xf32>,
        %mul3A_350 = arith.mulf %get3A_212, %gather3A_349 : vector<16xf32>
        %add3A_351 = arith.addf %mul3A_346, %mul3A_350 : vector<16xf32>
        %gather3A_352 = arith.constant 0 : i32
        %gather3A_353 = tpu.memref_slice %arg7[%gather3A_352] : memref<32768xf32, #tpu.memory_space<vmem>> -> memref<4096xf32, #tpu.memory_space<vmem>>
        %gather3A_354 = tpu.vector_load_idx %gather3A_353[%add3A_286] : memref<4096xf32, #tpu.memory_space<vmem>>[vector<16xi32>], vector<16xf32>,
        %mul3A_355 = arith.mulf %get3A_216, %gather3A_354 : vector<16xf32>
        %add3A_356 = arith.addf %add3A_351, %mul3A_355 : vector<16xf32>
        %gather3A_357 = arith.constant 0 : i32
        %gather3A_358 = tpu.memref_slice %arg7[%gather3A_357] : memref<32768xf32, #tpu.memory_space<vmem>> -> memref<4096xf32, #tpu.memory_space<vmem>>
        %gather3A_359 = tpu.vector_load_idx %gather3A_358[%add3A_311] : memref<4096xf32, #tpu.memory_space<vmem>>[vector<16xi32>], vector<16xf32>,
        %mul3A_360 = arith.mulf %get3A_220, %gather3A_359 : vector<16xf32>
        %add3A_361 = arith.addf %add3A_356, %mul3A_360 : vector<16xf32>
        %gather3A_362 = arith.constant 0 : i32
        %gather3A_363 = tpu.memref_slice %arg7[%gather3A_362] : memref<32768xf32, #tpu.memory_space<vmem>> -> memref<4096xf32, #tpu.memory_space<vmem>>
        %gather3A_364 = tpu.vector_load_idx %gather3A_363[%add3A_239] : memref<4096xf32, #tpu.memory_space<vmem>>[vector<16xi32>], vector<16xf32>,
        %mul3A_365 = arith.mulf %get3A_208, %gather3A_364 : vector<16xf32>
        %gather3A_366 = arith.constant 0 : i32
        %gather3A_367 = tpu.memref_slice %arg7[%gather3A_366] : memref<32768xf32, #tpu.memory_space<vmem>> -> memref<4096xf32, #tpu.memory_space<vmem>>
        %gather3A_368 = tpu.vector_load_idx %gather3A_367[%add3A_264] : memref<4096xf32, #tpu.memory_space<vmem>>[vector<16xi32>], vector<16xf32>,
        %mul3A_369 = arith.mulf %get3A_212, %gather3A_368 : vector<16xf32>
        %add3A_370 = arith.addf %mul3A_365, %mul3A_369 : vector<16xf32>
        %gather3A_371 = arith.constant 0 : i32
        %gather3A_372 = tpu.memref_slice %arg7[%gather3A_371] : memref<32768xf32, #tpu.memory_space<vmem>> -> memref<4096xf32, #tpu.memory_space<vmem>>
        %gather3A_373 = tpu.vector_load_idx %gather3A_372[%add3A_289] : memref<4096xf32, #tpu.memory_space<vmem>>[vector<16xi32>], vector<16xf32>,
        %mul3A_374 = arith.mulf %get3A_216, %gather3A_373 : vector<16xf32>
        %add3A_375 = arith.addf %add3A_370, %mul3A_374 : vector<16xf32>
        %gather3A_376 = arith.constant 0 : i32
        %gather3A_377 = tpu.memref_slice %arg7[%gather3A_376] : memref<32768xf32, #tpu.memory_space<vmem>> -> memref<4096xf32, #tpu.memory_space<vmem>>
        %gather3A_378 = tpu.vector_load_idx %gather3A_377[%add3A_314] : memref<4096xf32, #tpu.memory_space<vmem>>[vector<16xi32>], vector<16xf32>,
        %mul3A_379 = arith.mulf %get3A_220, %gather3A_378 : vector<16xf32>
        %add3A_380 = arith.addf %add3A_375, %mul3A_379 : vector<16xf32>
        %gather3A_381 = arith.constant 0 : i32
        %gather3A_382 = tpu.memref_slice %arg7[%gather3A_381] : memref<32768xf32, #tpu.memory_space<vmem>> -> memref<4096xf32, #tpu.memory_space<vmem>>
        %gather3A_383 = tpu.vector_load_idx %gather3A_382[%add3A_242] : memref<4096xf32, #tpu.memory_space<vmem>>[vector<16xi32>], vector<16xf32>,
        %mul3A_384 = arith.mulf %get3A_208, %gather3A_383 : vector<16xf32>
        %gather3A_385 = arith.constant 0 : i32
        %gather3A_386 = tpu.memref_slice %arg7[%gather3A_385] : memref<32768xf32, #tpu.memory_space<vmem>> -> memref<4096xf32, #tpu.memory_space<vmem>>
        %gather3A_387 = tpu.vector_load_idx %gather3A_386[%add3A_267] : memref<4096xf32, #tpu.memory_space<vmem>>[vector<16xi32>], vector<16xf32>,
        %mul3A_388 = arith.mulf %get3A_212, %gather3A_387 : vector<16xf32>
        %add3A_389 = arith.addf %mul3A_384, %mul3A_388 : vector<16xf32>
        %gather3A_390 = arith.constant 0 : i32
        %gather3A_391 = tpu.memref_slice %arg7[%gather3A_390] : memref<32768xf32, #tpu.memory_space<vmem>> -> memref<4096xf32, #tpu.memory_space<vmem>>
        %gather3A_392 = tpu.vector_load_idx %gather3A_391[%add3A_292] : memref<4096xf32, #tpu.memory_space<vmem>>[vector<16xi32>], vector<16xf32>,
        %mul3A_393 = arith.mulf %get3A_216, %gather3A_392 : vector<16xf32>
        %add3A_394 = arith.addf %add3A_389, %mul3A_393 : vector<16xf32>
        %gather3A_395 = arith.constant 0 : i32
        %gather3A_396 = tpu.memref_slice %arg7[%gather3A_395] : memref<32768xf32, #tpu.memory_space<vmem>> -> memref<4096xf32, #tpu.memory_space<vmem>>
        %gather3A_397 = tpu.vector_load_idx %gather3A_396[%add3A_317] : memref<4096xf32, #tpu.memory_space<vmem>>[vector<16xi32>], vector<16xf32>,
        %mul3A_398 = arith.mulf %get3A_220, %gather3A_397 : vector<16xf32>
        %add3A_399 = arith.addf %add3A_394, %mul3A_398 : vector<16xf32>
        %div3A = arith.constant 1.000000e+00 : f32
        %div3A_400 = vector.broadcast %div3A : f32 to vector<16xf32>
        %div3A_401 = arith.divf %div3A_400, %add3A_399 : vector<16xf32>
        %mul3A_402 = arith.mulf %add3A_342, %div3A_401 : vector<16xf32>
        %add3A_403 = arith.constant 0 : i32
        %add3A_404 = arith.addi %add3A_324, %add3A_403 : i32
        %swap3A = arith.index_cast %add3A_404 : i32 to index
        %swap3A_405 = tpu.vector_load %arg9[%swap3A] {strides = array<i32>} : memref<12288xf32, #tpu.memory_space<vmem>>, vector<16xf32>,
        tpu.vector_store %arg9[%swap3A], %mul3A_402 {strides = array<i32>} : memref<12288xf32, #tpu.memory_space<vmem>>, vector<16xf32>,
        %mul3A_406 = arith.mulf %add3A_361, %div3A_401 : vector<16xf32>
        %add3A_407 = arith.constant 4096 : i32
        %add3A_408 = arith.addi %add3A_324, %add3A_407 : i32
        %swap3A_409 = arith.index_cast %add3A_408 : i32 to index
        %swap3A_410 = tpu.vector_load %arg9[%swap3A_409] {strides = array<i32>} : memref<12288xf32, #tpu.memory_space<vmem>>, vector<16xf32>,
        tpu.vector_store %arg9[%swap3A_409], %mul3A_406 {strides = array<i32>} : memref<12288xf32, #tpu.memory_space<vmem>>, vector<16xf32>,
        %mul3A_411 = arith.mulf %add3A_380, %div3A_401 : vector<16xf32>
        %add3A_412 = arith.constant 8192 : i32
        %add3A_413 = arith.addi %add3A_324, %add3A_412 : i32
        %swap3A_414 = arith.index_cast %add3A_413 : i32 to index
        %swap3A_415 = tpu.vector_load %arg9[%swap3A_414] {strides = array<i32>} : memref<12288xf32, #tpu.memory_space<vmem>>, vector<16xf32>,
        tpu.vector_store %arg9[%swap3A_414], %mul3A_411 {strides = array<i32>} : memref<12288xf32, #tpu.memory_space<vmem>>, vector<16xf32>,
        %gather3A_416 = arith.constant 4096 : i32
        %gather3A_417 = tpu.memref_slice %arg7[%gather3A_416] : memref<32768xf32, #tpu.memory_space<vmem>> -> memref<4096xf32, #tpu.memory_space<vmem>>
        %gather3A_418 = tpu.vector_load_idx %gather3A_417[%add3A_233] : memref<4096xf32, #tpu.memory_space<vmem>>[vector<16xi32>], vector<16xf32>,
        %mul3A_419 = arith.mulf %get3A_208, %gather3A_418 : vector<16xf32>
        %gather3A_420 = arith.constant 4096 : i32
        %gather3A_421 = tpu.memref_slice %arg7[%gather3A_420] : memref<32768xf32, #tpu.memory_space<vmem>> -> memref<4096xf32, #tpu.memory_space<vmem>>
        %gather3A_422 = tpu.vector_load_idx %gather3A_421[%add3A_258] : memref<4096xf32, #tpu.memory_space<vmem>>[vector<16xi32>], vector<16xf32>,
        %mul3A_423 = arith.mulf %get3A_212, %gather3A_422 : vector<16xf32>
        %add3A_424 = arith.addf %mul3A_419, %mul3A_423 : vector<16xf32>
        %gather3A_425 = arith.constant 4096 : i32
        %gather3A_426 = tpu.memref_slice %arg7[%gather3A_425] : memref<32768xf32, #tpu.memory_space<vmem>> -> memref<4096xf32, #tpu.memory_space<vmem>>
        %gather3A_427 = tpu.vector_load_idx %gather3A_426[%add3A_283] : memref<4096xf32, #tpu.memory_space<vmem>>[vector<16xi32>], vector<16xf32>,
        %mul3A_428 = arith.mulf %get3A_216, %gather3A_427 : vector<16xf32>
        %add3A_429 = arith.addf %add3A_424, %mul3A_428 : vector<16xf32>
        %gather3A_430 = arith.constant 4096 : i32
        %gather3A_431 = tpu.memref_slice %arg7[%gather3A_430] : memref<32768xf32, #tpu.memory_space<vmem>> -> memref<4096xf32, #tpu.memory_space<vmem>>
        %gather3A_432 = tpu.vector_load_idx %gather3A_431[%add3A_308] : memref<4096xf32, #tpu.memory_space<vmem>>[vector<16xi32>], vector<16xf32>,
        %mul3A_433 = arith.mulf %get3A_220, %gather3A_432 : vector<16xf32>
        %add3A_434 = arith.addf %add3A_429, %mul3A_433 : vector<16xf32>
        %gather3A_435 = arith.constant 4096 : i32
        %gather3A_436 = tpu.memref_slice %arg7[%gather3A_435] : memref<32768xf32, #tpu.memory_space<vmem>> -> memref<4096xf32, #tpu.memory_space<vmem>>
        %gather3A_437 = tpu.vector_load_idx %gather3A_436[%add3A_236] : memref<4096xf32, #tpu.memory_space<vmem>>[vector<16xi32>], vector<16xf32>,
        %mul3A_438 = arith.mulf %get3A_208, %gather3A_437 : vector<16xf32>
        %gather3A_439 = arith.constant 4096 : i32
        %gather3A_440 = tpu.memref_slice %arg7[%gather3A_439] : memref<32768xf32, #tpu.memory_space<vmem>> -> memref<4096xf32, #tpu.memory_space<vmem>>
        %gather3A_441 = tpu.vector_load_idx %gather3A_440[%add3A_261] : memref<4096xf32, #tpu.memory_space<vmem>>[vector<16xi32>], vector<16xf32>,
        %mul3A_442 = arith.mulf %get3A_212, %gather3A_441 : vector<16xf32>
        %add3A_443 = arith.addf %mul3A_438, %mul3A_442 : vector<16xf32>
        %gather3A_444 = arith.constant 4096 : i32
        %gather3A_445 = tpu.memref_slice %arg7[%gather3A_444] : memref<32768xf32, #tpu.memory_space<vmem>> -> memref<4096xf32, #tpu.memory_space<vmem>>
        %gather3A_446 = tpu.vector_load_idx %gather3A_445[%add3A_286] : memref<4096xf32, #tpu.memory_space<vmem>>[vector<16xi32>], vector<16xf32>,
        %mul3A_447 = arith.mulf %get3A_216, %gather3A_446 : vector<16xf32>
        %add3A_448 = arith.addf %add3A_443, %mul3A_447 : vector<16xf32>
        %gather3A_449 = arith.constant 4096 : i32
        %gather3A_450 = tpu.memref_slice %arg7[%gather3A_449] : memref<32768xf32, #tpu.memory_space<vmem>> -> memref<4096xf32, #tpu.memory_space<vmem>>
        %gather3A_451 = tpu.vector_load_idx %gather3A_450[%add3A_311] : memref<4096xf32, #tpu.memory_space<vmem>>[vector<16xi32>], vector<16xf32>,
        %mul3A_452 = arith.mulf %get3A_220, %gather3A_451 : vector<16xf32>
        %add3A_453 = arith.addf %add3A_448, %mul3A_452 : vector<16xf32>
        %gather3A_454 = arith.constant 4096 : i32
        %gather3A_455 = tpu.memref_slice %arg7[%gather3A_454] : memref<32768xf32, #tpu.memory_space<vmem>> -> memref<4096xf32, #tpu.memory_space<vmem>>
        %gather3A_456 = tpu.vector_load_idx %gather3A_455[%add3A_239] : memref<4096xf32, #tpu.memory_space<vmem>>[vector<16xi32>], vector<16xf32>,
        %mul3A_457 = arith.mulf %get3A_208, %gather3A_456 : vector<16xf32>
        %gather3A_458 = arith.constant 4096 : i32
        %gather3A_459 = tpu.memref_slice %arg7[%gather3A_458] : memref<32768xf32, #tpu.memory_space<vmem>> -> memref<4096xf32, #tpu.memory_space<vmem>>
        %gather3A_460 = tpu.vector_load_idx %gather3A_459[%add3A_264] : memref<4096xf32, #tpu.memory_space<vmem>>[vector<16xi32>], vector<16xf32>,
        %mul3A_461 = arith.mulf %get3A_212, %gather3A_460 : vector<16xf32>
        %add3A_462 = arith.addf %mul3A_457, %mul3A_461 : vector<16xf32>
        %gather3A_463 = arith.constant 4096 : i32
        %gather3A_464 = tpu.memref_slice %arg7[%gather3A_463] : memref<32768xf32, #tpu.memory_space<vmem>> -> memref<4096xf32, #tpu.memory_space<vmem>>
        %gather3A_465 = tpu.vector_load_idx %gather3A_464[%add3A_289] : memref<4096xf32, #tpu.memory_space<vmem>>[vector<16xi32>], vector<16xf32>,
        %mul3A_466 = arith.mulf %get3A_216, %gather3A_465 : vector<16xf32>
        %add3A_467 = arith.addf %add3A_462, %mul3A_466 : vector<16xf32>
        %gather3A_468 = arith.constant 4096 : i32
        %gather3A_469 = tpu.memref_slice %arg7[%gather3A_468] : memref<32768xf32, #tpu.memory_space<vmem>> -> memref<4096xf32, #tpu.memory_space<vmem>>
        %gather3A_470 = tpu.vector_load_idx %gather3A_469[%add3A_314] : memref<4096xf32, #tpu.memory_space<vmem>>[vector<16xi32>], vector<16xf32>,
        %mul3A_471 = arith.mulf %get3A_220, %gather3A_470 : vector<16xf32>
        %add3A_472 = arith.addf %add3A_467, %mul3A_471 : vector<16xf32>
        %gather3A_473 = arith.constant 4096 : i32
        %gather3A_474 = tpu.memref_slice %arg7[%gather3A_473] : memref<32768xf32, #tpu.memory_space<vmem>> -> memref<4096xf32, #tpu.memory_space<vmem>>
        %gather3A_475 = tpu.vector_load_idx %gather3A_474[%add3A_242] : memref<4096xf32, #tpu.memory_space<vmem>>[vector<16xi32>], vector<16xf32>,
        %mul3A_476 = arith.mulf %get3A_208, %gather3A_475 : vector<16xf32>
        %gather3A_477 = arith.constant 4096 : i32
        %gather3A_478 = tpu.memref_slice %arg7[%gather3A_477] : memref<32768xf32, #tpu.memory_space<vmem>> -> memref<4096xf32, #tpu.memory_space<vmem>>
        %gather3A_479 = tpu.vector_load_idx %gather3A_478[%add3A_267] : memref<4096xf32, #tpu.memory_space<vmem>>[vector<16xi32>], vector<16xf32>,
        %mul3A_480 = arith.mulf %get3A_212, %gather3A_479 : vector<16xf32>
        %add3A_481 = arith.addf %mul3A_476, %mul3A_480 : vector<16xf32>
        %gather3A_482 = arith.constant 4096 : i32
        %gather3A_483 = tpu.memref_slice %arg7[%gather3A_482] : memref<32768xf32, #tpu.memory_space<vmem>> -> memref<4096xf32, #tpu.memory_space<vmem>>
        %gather3A_484 = tpu.vector_load_idx %gather3A_483[%add3A_292] : memref<4096xf32, #tpu.memory_space<vmem>>[vector<16xi32>], vector<16xf32>,
        %mul3A_485 = arith.mulf %get3A_216, %gather3A_484 : vector<16xf32>
        %add3A_486 = arith.addf %add3A_481, %mul3A_485 : vector<16xf32>
        %gather3A_487 = arith.constant 4096 : i32
        %gather3A_488 = tpu.memref_slice %arg7[%gather3A_487] : memref<32768xf32, #tpu.memory_space<vmem>> -> memref<4096xf32, #tpu.memory_space<vmem>>
        %gather3A_489 = tpu.vector_load_idx %gather3A_488[%add3A_317] : memref<4096xf32, #tpu.memory_space<vmem>>[vector<16xi32>], vector<16xf32>,
        %mul3A_490 = arith.mulf %get3A_220, %gather3A_489 : vector<16xf32>
        %add3A_491 = arith.addf %add3A_486, %mul3A_490 : vector<16xf32>
        %div3A_492 = arith.constant 1.000000e+00 : f32
        %div3A_493 = vector.broadcast %div3A_492 : f32 to vector<16xf32>
        %div3A_494 = arith.divf %div3A_493, %add3A_491 : vector<16xf32>
        %mul3A_495 = arith.mulf %add3A_434, %div3A_494 : vector<16xf32>
        %add3A_496 = arith.constant 128 : i32
        %add3A_497 = arith.addi %add3A_324, %add3A_496 : i32
        %swap3A_498 = arith.index_cast %add3A_497 : i32 to index
        %swap3A_499 = tpu.vector_load %arg9[%swap3A_498] {strides = array<i32>} : memref<12288xf32, #tpu.memory_space<vmem>>, vector<16xf32>,
        tpu.vector_store %arg9[%swap3A_498], %mul3A_495 {strides = array<i32>} : memref<12288xf32, #tpu.memory_space<vmem>>, vector<16xf32>,
        %mul3A_500 = arith.mulf %add3A_453, %div3A_494 : vector<16xf32>
        %add3A_501 = arith.constant 4224 : i32
        %add3A_502 = arith.addi %add3A_324, %add3A_501 : i32
        %swap3A_503 = arith.index_cast %add3A_502 : i32 to index
        %swap3A_504 = tpu.vector_load %arg9[%swap3A_503] {strides = array<i32>} : memref<12288xf32, #tpu.memory_space<vmem>>, vector<16xf32>,
        tpu.vector_store %arg9[%swap3A_503], %mul3A_500 {strides = array<i32>} : memref<12288xf32, #tpu.memory_space<vmem>>, vector<16xf32>,
        %mul3A_505 = arith.mulf %add3A_472, %div3A_494 : vector<16xf32>
        %add3A_506 = arith.constant 8320 : i32
        %add3A_507 = arith.addi %add3A_324, %add3A_506 : i32
        %swap3A_508 = arith.index_cast %add3A_507 : i32 to index
        %swap3A_509 = tpu.vector_load %arg9[%swap3A_508] {strides = array<i32>} : memref<12288xf32, #tpu.memory_space<vmem>>, vector<16xf32>,
        tpu.vector_store %arg9[%swap3A_508], %mul3A_505 {strides = array<i32>} : memref<12288xf32, #tpu.memory_space<vmem>>, vector<16xf32>,
        %gather3A_510 = arith.constant 8192 : i32
        %gather3A_511 = tpu.memref_slice %arg7[%gather3A_510] : memref<32768xf32, #tpu.memory_space<vmem>> -> memref<4096xf32, #tpu.memory_space<vmem>>
        %gather3A_512 = tpu.vector_load_idx %gather3A_511[%add3A_233] : memref<4096xf32, #tpu.memory_space<vmem>>[vector<16xi32>], vector<16xf32>,
        %mul3A_513 = arith.mulf %get3A_208, %gather3A_512 : vector<16xf32>
        %gather3A_514 = arith.constant 8192 : i32
        %gather3A_515 = tpu.memref_slice %arg7[%gather3A_514] : memref<32768xf32, #tpu.memory_space<vmem>> -> memref<4096xf32, #tpu.memory_space<vmem>>
        %gather3A_516 = tpu.vector_load_idx %gather3A_515[%add3A_258] : memref<4096xf32, #tpu.memory_space<vmem>>[vector<16xi32>], vector<16xf32>,
        %mul3A_517 = arith.mulf %get3A_212, %gather3A_516 : vector<16xf32>
        %add3A_518 = arith.addf %mul3A_513, %mul3A_517 : vector<16xf32>
        %gather3A_519 = arith.constant 8192 : i32
        %gather3A_520 = tpu.memref_slice %arg7[%gather3A_519] : memref<32768xf32, #tpu.memory_space<vmem>> -> memref<4096xf32, #tpu.memory_space<vmem>>
        %gather3A_521 = tpu.vector_load_idx %gather3A_520[%add3A_283] : memref<4096xf32, #tpu.memory_space<vmem>>[vector<16xi32>], vector<16xf32>,
        %mul3A_522 = arith.mulf %get3A_216, %gather3A_521 : vector<16xf32>
        %add3A_523 = arith.addf %add3A_518, %mul3A_522 : vector<16xf32>
        %gather3A_524 = arith.constant 8192 : i32
        %gather3A_525 = tpu.memref_slice %arg7[%gather3A_524] : memref<32768xf32, #tpu.memory_space<vmem>> -> memref<4096xf32, #tpu.memory_space<vmem>>
        %gather3A_526 = tpu.vector_load_idx %gather3A_525[%add3A_308] : memref<4096xf32, #tpu.memory_space<vmem>>[vector<16xi32>], vector<16xf32>,
        %mul3A_527 = arith.mulf %get3A_220, %gather3A_526 : vector<16xf32>
        %add3A_528 = arith.addf %add3A_523, %mul3A_527 : vector<16xf32>
        %gather3A_529 = arith.constant 8192 : i32
        %gather3A_530 = tpu.memref_slice %arg7[%gather3A_529] : memref<32768xf32, #tpu.memory_space<vmem>> -> memref<4096xf32, #tpu.memory_space<vmem>>
        %gather3A_531 = tpu.vector_load_idx %gather3A_530[%add3A_236] : memref<4096xf32, #tpu.memory_space<vmem>>[vector<16xi32>], vector<16xf32>,
        %mul3A_532 = arith.mulf %get3A_208, %gather3A_531 : vector<16xf32>
        %gather3A_533 = arith.constant 8192 : i32
        %gather3A_534 = tpu.memref_slice %arg7[%gather3A_533] : memref<32768xf32, #tpu.memory_space<vmem>> -> memref<4096xf32, #tpu.memory_space<vmem>>
        %gather3A_535 = tpu.vector_load_idx %gather3A_534[%add3A_261] : memref<4096xf32, #tpu.memory_space<vmem>>[vector<16xi32>], vector<16xf32>,
        %mul3A_536 = arith.mulf %get3A_212, %gather3A_535 : vector<16xf32>
        %add3A_537 = arith.addf %mul3A_532, %mul3A_536 : vector<16xf32>
        %gather3A_538 = arith.constant 8192 : i32
        %gather3A_539 = tpu.memref_slice %arg7[%gather3A_538] : memref<32768xf32, #tpu.memory_space<vmem>> -> memref<4096xf32, #tpu.memory_space<vmem>>
        %gather3A_540 = tpu.vector_load_idx %gather3A_539[%add3A_286] : memref<4096xf32, #tpu.memory_space<vmem>>[vector<16xi32>], vector<16xf32>,
        %mul3A_541 = arith.mulf %get3A_216, %gather3A_540 : vector<16xf32>
        %add3A_542 = arith.addf %add3A_537, %mul3A_541 : vector<16xf32>
        %gather3A_543 = arith.constant 8192 : i32
        %gather3A_544 = tpu.memref_slice %arg7[%gather3A_543] : memref<32768xf32, #tpu.memory_space<vmem>> -> memref<4096xf32, #tpu.memory_space<vmem>>
        %gather3A_545 = tpu.vector_load_idx %gather3A_544[%add3A_311] : memref<4096xf32, #tpu.memory_space<vmem>>[vector<16xi32>], vector<16xf32>,
        %mul3A_546 = arith.mulf %get3A_220, %gather3A_545 : vector<16xf32>
        %add3A_547 = arith.addf %add3A_542, %mul3A_546 : vector<16xf32>
        %gather3A_548 = arith.constant 8192 : i32
        %gather3A_549 = tpu.memref_slice %arg7[%gather3A_548] : memref<32768xf32, #tpu.memory_space<vmem>> -> memref<4096xf32, #tpu.memory_space<vmem>>
        %gather3A_550 = tpu.vector_load_idx %gather3A_549[%add3A_239] : memref<4096xf32, #tpu.memory_space<vmem>>[vector<16xi32>], vector<16xf32>,
        %mul3A_551 = arith.mulf %get3A_208, %gather3A_550 : vector<16xf32>
        %gather3A_552 = arith.constant 8192 : i32
        %gather3A_553 = tpu.memref_slice %arg7[%gather3A_552] : memref<32768xf32, #tpu.memory_space<vmem>> -> memref<4096xf32, #tpu.memory_space<vmem>>
        %gather3A_554 = tpu.vector_load_idx %gather3A_553[%add3A_264] : memref<4096xf32, #tpu.memory_space<vmem>>[vector<16xi32>], vector<16xf32>,
        %mul3A_555 = arith.mulf %get3A_212, %gather3A_554 : vector<16xf32>
        %add3A_556 = arith.addf %mul3A_551, %mul3A_555 : vector<16xf32>
        %gather3A_557 = arith.constant 8192 : i32
        %gather3A_558 = tpu.memref_slice %arg7[%gather3A_557] : memref<32768xf32, #tpu.memory_space<vmem>> -> memref<4096xf32, #tpu.memory_space<vmem>>
        %gather3A_559 = tpu.vector_load_idx %gather3A_558[%add3A_289] : memref<4096xf32, #tpu.memory_space<vmem>>[vector<16xi32>], vector<16xf32>,
        %mul3A_560 = arith.mulf %get3A_216, %gather3A_559 : vector<16xf32>
        %add3A_561 = arith.addf %add3A_556, %mul3A_560 : vector<16xf32>
        %gather3A_562 = arith.constant 8192 : i32
        %gather3A_563 = tpu.memref_slice %arg7[%gather3A_562] : memref<32768xf32, #tpu.memory_space<vmem>> -> memref<4096xf32, #tpu.memory_space<vmem>>
        %gather3A_564 = tpu.vector_load_idx %gather3A_563[%add3A_314] : memref<4096xf32, #tpu.memory_space<vmem>>[vector<16xi32>], vector<16xf32>,
        %mul3A_565 = arith.mulf %get3A_220, %gather3A_564 : vector<16xf32>
        %add3A_566 = arith.addf %add3A_561, %mul3A_565 : vector<16xf32>
        %gather3A_567 = arith.constant 8192 : i32
        %gather3A_568 = tpu.memref_slice %arg7[%gather3A_567] : memref<32768xf32, #tpu.memory_space<vmem>> -> memref<4096xf32, #tpu.memory_space<vmem>>
        %gather3A_569 = tpu.vector_load_idx %gather3A_568[%add3A_242] : memref<4096xf32, #tpu.memory_space<vmem>>[vector<16xi32>], vector<16xf32>,
        %mul3A_570 = arith.mulf %get3A_208, %gather3A_569 : vector<16xf32>
        %gather3A_571 = arith.constant 8192 : i32
        %gather3A_572 = tpu.memref_slice %arg7[%gather3A_571] : memref<32768xf32, #tpu.memory_space<vmem>> -> memref<4096xf32, #tpu.memory_space<vmem>>
        %gather3A_573 = tpu.vector_load_idx %gather3A_572[%add3A_267] : memref<4096xf32, #tpu.memory_space<vmem>>[vector<16xi32>], vector<16xf32>,
        %mul3A_574 = arith.mulf %get3A_212, %gather3A_573 : vector<16xf32>
        %add3A_575 = arith.addf %mul3A_570, %mul3A_574 : vector<16xf32>
        %gather3A_576 = arith.constant 8192 : i32
        %gather3A_577 = tpu.memref_slice %arg7[%gather3A_576] : memref<32768xf32, #tpu.memory_space<vmem>> -> memref<4096xf32, #tpu.memory_space<vmem>>
        %gather3A_578 = tpu.vector_load_idx %gather3A_577[%add3A_292] : memref<4096xf32, #tpu.memory_space<vmem>>[vector<16xi32>], vector<16xf32>,
        %mul3A_579 = arith.mulf %get3A_216, %gather3A_578 : vector<16xf32>
        %add3A_580 = arith.addf %add3A_575, %mul3A_579 : vector<16xf32>
        %gather3A_581 = arith.constant 8192 : i32
        %gather3A_582 = tpu.memref_slice %arg7[%gather3A_581] : memref<32768xf32, #tpu.memory_space<vmem>> -> memref<4096xf32, #tpu.memory_space<vmem>>
        %gather3A_583 = tpu.vector_load_idx %gather3A_582[%add3A_317] : memref<4096xf32, #tpu.memory_space<vmem>>[vector<16xi32>], vector<16xf32>,
        %mul3A_584 = arith.mulf %get3A_220, %gather3A_583 : vector<16xf32>
        %add3A_585 = arith.addf %add3A_580, %mul3A_584 : vector<16xf32>
        %div3A_586 = arith.constant 1.000000e+00 : f32
        %div3A_587 = vector.broadcast %div3A_586 : f32 to vector<16xf32>
        %div3A_588 = arith.divf %div3A_587, %add3A_585 : vector<16xf32>
        %mul3A_589 = arith.mulf %add3A_528, %div3A_588 : vector<16xf32>
        %add3A_590 = arith.constant 256 : i32
        %add3A_591 = arith.addi %add3A_324, %add3A_590 : i32
        %swap3A_592 = arith.index_cast %add3A_591 : i32 to index
        %swap3A_593 = tpu.vector_load %arg9[%swap3A_592] {strides = array<i32>} : memref<12288xf32, #tpu.memory_space<vmem>>, vector<16xf32>,
        tpu.vector_store %arg9[%swap3A_592], %mul3A_589 {strides = array<i32>} : memref<12288xf32, #tpu.memory_space<vmem>>, vector<16xf32>,
        %mul3A_594 = arith.mulf %add3A_547, %div3A_588 : vector<16xf32>
        %add3A_595 = arith.constant 4352 : i32
        %add3A_596 = arith.addi %add3A_324, %add3A_595 : i32
        %swap3A_597 = arith.index_cast %add3A_596 : i32 to index
        %swap3A_598 = tpu.vector_load %arg9[%swap3A_597] {strides = array<i32>} : memref<12288xf32, #tpu.memory_space<vmem>>, vector<16xf32>,
        tpu.vector_store %arg9[%swap3A_597], %mul3A_594 {strides = array<i32>} : memref<12288xf32, #tpu.memory_space<vmem>>, vector<16xf32>,
        %mul3A_599 = arith.mulf %add3A_566, %div3A_588 : vector<16xf32>
        %add3A_600 = arith.constant 8448 : i32
        %add3A_601 = arith.addi %add3A_324, %add3A_600 : i32
        %swap3A_602 = arith.index_cast %add3A_601 : i32 to index
        %swap3A_603 = tpu.vector_load %arg9[%swap3A_602] {strides = array<i32>} : memref<12288xf32, #tpu.memory_space<vmem>>, vector<16xf32>,
        tpu.vector_store %arg9[%swap3A_602], %mul3A_599 {strides = array<i32>} : memref<12288xf32, #tpu.memory_space<vmem>>, vector<16xf32>,
        %gather3A_604 = arith.constant 12288 : i32
        %gather3A_605 = tpu.memref_slice %arg7[%gather3A_604] : memref<32768xf32, #tpu.memory_space<vmem>> -> memref<4096xf32, #tpu.memory_space<vmem>>
        %gather3A_606 = tpu.vector_load_idx %gather3A_605[%add3A_233] : memref<4096xf32, #tpu.memory_space<vmem>>[vector<16xi32>], vector<16xf32>,
        %mul3A_607 = arith.mulf %get3A_208, %gather3A_606 : vector<16xf32>
        %gather3A_608 = arith.constant 12288 : i32
        %gather3A_609 = tpu.memref_slice %arg7[%gather3A_608] : memref<32768xf32, #tpu.memory_space<vmem>> -> memref<4096xf32, #tpu.memory_space<vmem>>
        %gather3A_610 = tpu.vector_load_idx %gather3A_609[%add3A_258] : memref<4096xf32, #tpu.memory_space<vmem>>[vector<16xi32>], vector<16xf32>,
        %mul3A_611 = arith.mulf %get3A_212, %gather3A_610 : vector<16xf32>
        %add3A_612 = arith.addf %mul3A_607, %mul3A_611 : vector<16xf32>
        %gather3A_613 = arith.constant 12288 : i32
        %gather3A_614 = tpu.memref_slice %arg7[%gather3A_613] : memref<32768xf32, #tpu.memory_space<vmem>> -> memref<4096xf32, #tpu.memory_space<vmem>>
        %gather3A_615 = tpu.vector_load_idx %gather3A_614[%add3A_283] : memref<4096xf32, #tpu.memory_space<vmem>>[vector<16xi32>], vector<16xf32>,
        %mul3A_616 = arith.mulf %get3A_216, %gather3A_615 : vector<16xf32>
        %add3A_617 = arith.addf %add3A_612, %mul3A_616 : vector<16xf32>
        %gather3A_618 = arith.constant 12288 : i32
        %gather3A_619 = tpu.memref_slice %arg7[%gather3A_618] : memref<32768xf32, #tpu.memory_space<vmem>> -> memref<4096xf32, #tpu.memory_space<vmem>>
        %gather3A_620 = tpu.vector_load_idx %gather3A_619[%add3A_308] : memref<4096xf32, #tpu.memory_space<vmem>>[vector<16xi32>], vector<16xf32>,
        %mul3A_621 = arith.mulf %get3A_220, %gather3A_620 : vector<16xf32>
        %add3A_622 = arith.addf %add3A_617, %mul3A_621 : vector<16xf32>
        %gather3A_623 = arith.constant 12288 : i32
        %gather3A_624 = tpu.memref_slice %arg7[%gather3A_623] : memref<32768xf32, #tpu.memory_space<vmem>> -> memref<4096xf32, #tpu.memory_space<vmem>>
        %gather3A_625 = tpu.vector_load_idx %gather3A_624[%add3A_236] : memref<4096xf32, #tpu.memory_space<vmem>>[vector<16xi32>], vector<16xf32>,
        %mul3A_626 = arith.mulf %get3A_208, %gather3A_625 : vector<16xf32>
        %gather3A_627 = arith.constant 12288 : i32
        %gather3A_628 = tpu.memref_slice %arg7[%gather3A_627] : memref<32768xf32, #tpu.memory_space<vmem>> -> memref<4096xf32, #tpu.memory_space<vmem>>
        %gather3A_629 = tpu.vector_load_idx %gather3A_628[%add3A_261] : memref<4096xf32, #tpu.memory_space<vmem>>[vector<16xi32>], vector<16xf32>,
        %mul3A_630 = arith.mulf %get3A_212, %gather3A_629 : vector<16xf32>
        %add3A_631 = arith.addf %mul3A_626, %mul3A_630 : vector<16xf32>
        %gather3A_632 = arith.constant 12288 : i32
        %gather3A_633 = tpu.memref_slice %arg7[%gather3A_632] : memref<32768xf32, #tpu.memory_space<vmem>> -> memref<4096xf32, #tpu.memory_space<vmem>>
        %gather3A_634 = tpu.vector_load_idx %gather3A_633[%add3A_286] : memref<4096xf32, #tpu.memory_space<vmem>>[vector<16xi32>], vector<16xf32>,
        %mul3A_635 = arith.mulf %get3A_216, %gather3A_634 : vector<16xf32>
        %add3A_636 = arith.addf %add3A_631, %mul3A_635 : vector<16xf32>
        %gather3A_637 = arith.constant 12288 : i32
        %gather3A_638 = tpu.memref_slice %arg7[%gather3A_637] : memref<32768xf32, #tpu.memory_space<vmem>> -> memref<4096xf32, #tpu.memory_space<vmem>>
        %gather3A_639 = tpu.vector_load_idx %gather3A_638[%add3A_311] : memref<4096xf32, #tpu.memory_space<vmem>>[vector<16xi32>], vector<16xf32>,
        %mul3A_640 = arith.mulf %get3A_220, %gather3A_639 : vector<16xf32>
        %add3A_641 = arith.addf %add3A_636, %mul3A_640 : vector<16xf32>
        %gather3A_642 = arith.constant 12288 : i32
        %gather3A_643 = tpu.memref_slice %arg7[%gather3A_642] : memref<32768xf32, #tpu.memory_space<vmem>> -> memref<4096xf32, #tpu.memory_space<vmem>>
        %gather3A_644 = tpu.vector_load_idx %gather3A_643[%add3A_239] : memref<4096xf32, #tpu.memory_space<vmem>>[vector<16xi32>], vector<16xf32>,
        %mul3A_645 = arith.mulf %get3A_208, %gather3A_644 : vector<16xf32>
        %gather3A_646 = arith.constant 12288 : i32
        %gather3A_647 = tpu.memref_slice %arg7[%gather3A_646] : memref<32768xf32, #tpu.memory_space<vmem>> -> memref<4096xf32, #tpu.memory_space<vmem>>
        %gather3A_648 = tpu.vector_load_idx %gather3A_647[%add3A_264] : memref<4096xf32, #tpu.memory_space<vmem>>[vector<16xi32>], vector<16xf32>,
        %mul3A_649 = arith.mulf %get3A_212, %gather3A_648 : vector<16xf32>
        %add3A_650 = arith.addf %mul3A_645, %mul3A_649 : vector<16xf32>
        %gather3A_651 = arith.constant 12288 : i32
        %gather3A_652 = tpu.memref_slice %arg7[%gather3A_651] : memref<32768xf32, #tpu.memory_space<vmem>> -> memref<4096xf32, #tpu.memory_space<vmem>>
        %gather3A_653 = tpu.vector_load_idx %gather3A_652[%add3A_289] : memref<4096xf32, #tpu.memory_space<vmem>>[vector<16xi32>], vector<16xf32>,
        %mul3A_654 = arith.mulf %get3A_216, %gather3A_653 : vector<16xf32>
        %add3A_655 = arith.addf %add3A_650, %mul3A_654 : vector<16xf32>
        %gather3A_656 = arith.constant 12288 : i32
        %gather3A_657 = tpu.memref_slice %arg7[%gather3A_656] : memref<32768xf32, #tpu.memory_space<vmem>> -> memref<4096xf32, #tpu.memory_space<vmem>>
        %gather3A_658 = tpu.vector_load_idx %gather3A_657[%add3A_314] : memref<4096xf32, #tpu.memory_space<vmem>>[vector<16xi32>], vector<16xf32>,
        %mul3A_659 = arith.mulf %get3A_220, %gather3A_658 : vector<16xf32>
        %add3A_660 = arith.addf %add3A_655, %mul3A_659 : vector<16xf32>
        %gather3A_661 = arith.constant 12288 : i32
        %gather3A_662 = tpu.memref_slice %arg7[%gather3A_661] : memref<32768xf32, #tpu.memory_space<vmem>> -> memref<4096xf32, #tpu.memory_space<vmem>>
        %gather3A_663 = tpu.vector_load_idx %gather3A_662[%add3A_242] : memref<4096xf32, #tpu.memory_space<vmem>>[vector<16xi32>], vector<16xf32>,
        %mul3A_664 = arith.mulf %get3A_208, %gather3A_663 : vector<16xf32>
        %gather3A_665 = arith.constant 12288 : i32
        %gather3A_666 = tpu.memref_slice %arg7[%gather3A_665] : memref<32768xf32, #tpu.memory_space<vmem>> -> memref<4096xf32, #tpu.memory_space<vmem>>
        %gather3A_667 = tpu.vector_load_idx %gather3A_666[%add3A_267] : memref<4096xf32, #tpu.memory_space<vmem>>[vector<16xi32>], vector<16xf32>,
        %mul3A_668 = arith.mulf %get3A_212, %gather3A_667 : vector<16xf32>
        %add3A_669 = arith.addf %mul3A_664, %mul3A_668 : vector<16xf32>
        %gather3A_670 = arith.constant 12288 : i32
        %gather3A_671 = tpu.memref_slice %arg7[%gather3A_670] : memref<32768xf32, #tpu.memory_space<vmem>> -> memref<4096xf32, #tpu.memory_space<vmem>>
        %gather3A_672 = tpu.vector_load_idx %gather3A_671[%add3A_292] : memref<4096xf32, #tpu.memory_space<vmem>>[vector<16xi32>], vector<16xf32>,
        %mul3A_673 = arith.mulf %get3A_216, %gather3A_672 : vector<16xf32>
        %add3A_674 = arith.addf %add3A_669, %mul3A_673 : vector<16xf32>
        %gather3A_675 = arith.constant 12288 : i32
        %gather3A_676 = tpu.memref_slice %arg7[%gather3A_675] : memref<32768xf32, #tpu.memory_space<vmem>> -> memref<4096xf32, #tpu.memory_space<vmem>>
        %gather3A_677 = tpu.vector_load_idx %gather3A_676[%add3A_317] : memref<4096xf32, #tpu.memory_space<vmem>>[vector<16xi32>], vector<16xf32>,
        %mul3A_678 = arith.mulf %get3A_220, %gather3A_677 : vector<16xf32>
        %add3A_679 = arith.addf %add3A_674, %mul3A_678 : vector<16xf32>
        %div3A_680 = arith.constant 1.000000e+00 : f32
        %div3A_681 = vector.broadcast %div3A_680 : f32 to vector<16xf32>
        %div3A_682 = arith.divf %div3A_681, %add3A_679 : vector<16xf32>
        %mul3A_683 = arith.mulf %add3A_622, %div3A_682 : vector<16xf32>
        %add3A_684 = arith.constant 384 : i32
        %add3A_685 = arith.addi %add3A_324, %add3A_684 : i32
        %swap3A_686 = arith.index_cast %add3A_685 : i32 to index
        %swap3A_687 = tpu.vector_load %arg9[%swap3A_686] {strides = array<i32>} : memref<12288xf32, #tpu.memory_space<vmem>>, vector<16xf32>,
        tpu.vector_store %arg9[%swap3A_686], %mul3A_683 {strides = array<i32>} : memref<12288xf32, #tpu.memory_space<vmem>>, vector<16xf32>,
        %mul3A_688 = arith.mulf %add3A_641, %div3A_682 : vector<16xf32>
        %add3A_689 = arith.constant 4480 : i32
        %add3A_690 = arith.addi %add3A_324, %add3A_689 : i32
        %swap3A_691 = arith.index_cast %add3A_690 : i32 to index
        %swap3A_692 = tpu.vector_load %arg9[%swap3A_691] {strides = array<i32>} : memref<12288xf32, #tpu.memory_space<vmem>>, vector<16xf32>,
        tpu.vector_store %arg9[%swap3A_691], %mul3A_688 {strides = array<i32>} : memref<12288xf32, #tpu.memory_space<vmem>>, vector<16xf32>,
        %mul3A_693 = arith.mulf %add3A_660, %div3A_682 : vector<16xf32>
        %add3A_694 = arith.constant 8576 : i32
        %add3A_695 = arith.addi %add3A_324, %add3A_694 : i32
        %swap3A_696 = arith.index_cast %add3A_695 : i32 to index
        %swap3A_697 = tpu.vector_load %arg9[%swap3A_696] {strides = array<i32>} : memref<12288xf32, #tpu.memory_space<vmem>>, vector<16xf32>,
        tpu.vector_store %arg9[%swap3A_696], %mul3A_693 {strides = array<i32>} : memref<12288xf32, #tpu.memory_space<vmem>>, vector<16xf32>,
        %gather3A_698 = arith.constant 16384 : i32
        %gather3A_699 = tpu.memref_slice %arg7[%gather3A_698] : memref<32768xf32, #tpu.memory_space<vmem>> -> memref<4096xf32, #tpu.memory_space<vmem>>
        %gather3A_700 = tpu.vector_load_idx %gather3A_699[%add3A_233] : memref<4096xf32, #tpu.memory_space<vmem>>[vector<16xi32>], vector<16xf32>,
        %mul3A_701 = arith.mulf %get3A_208, %gather3A_700 : vector<16xf32>
        %gather3A_702 = arith.constant 16384 : i32
        %gather3A_703 = tpu.memref_slice %arg7[%gather3A_702] : memref<32768xf32, #tpu.memory_space<vmem>> -> memref<4096xf32, #tpu.memory_space<vmem>>
        %gather3A_704 = tpu.vector_load_idx %gather3A_703[%add3A_258] : memref<4096xf32, #tpu.memory_space<vmem>>[vector<16xi32>], vector<16xf32>,
        %mul3A_705 = arith.mulf %get3A_212, %gather3A_704 : vector<16xf32>
        %add3A_706 = arith.addf %mul3A_701, %mul3A_705 : vector<16xf32>
        %gather3A_707 = arith.constant 16384 : i32
        %gather3A_708 = tpu.memref_slice %arg7[%gather3A_707] : memref<32768xf32, #tpu.memory_space<vmem>> -> memref<4096xf32, #tpu.memory_space<vmem>>
        %gather3A_709 = tpu.vector_load_idx %gather3A_708[%add3A_283] : memref<4096xf32, #tpu.memory_space<vmem>>[vector<16xi32>], vector<16xf32>,
        %mul3A_710 = arith.mulf %get3A_216, %gather3A_709 : vector<16xf32>
        %add3A_711 = arith.addf %add3A_706, %mul3A_710 : vector<16xf32>
        %gather3A_712 = arith.constant 16384 : i32
        %gather3A_713 = tpu.memref_slice %arg7[%gather3A_712] : memref<32768xf32, #tpu.memory_space<vmem>> -> memref<4096xf32, #tpu.memory_space<vmem>>
        %gather3A_714 = tpu.vector_load_idx %gather3A_713[%add3A_308] : memref<4096xf32, #tpu.memory_space<vmem>>[vector<16xi32>], vector<16xf32>,
        %mul3A_715 = arith.mulf %get3A_220, %gather3A_714 : vector<16xf32>
        %add3A_716 = arith.addf %add3A_711, %mul3A_715 : vector<16xf32>
        %gather3A_717 = arith.constant 16384 : i32
        %gather3A_718 = tpu.memref_slice %arg7[%gather3A_717] : memref<32768xf32, #tpu.memory_space<vmem>> -> memref<4096xf32, #tpu.memory_space<vmem>>
        %gather3A_719 = tpu.vector_load_idx %gather3A_718[%add3A_236] : memref<4096xf32, #tpu.memory_space<vmem>>[vector<16xi32>], vector<16xf32>,
        %mul3A_720 = arith.mulf %get3A_208, %gather3A_719 : vector<16xf32>
        %gather3A_721 = arith.constant 16384 : i32
        %gather3A_722 = tpu.memref_slice %arg7[%gather3A_721] : memref<32768xf32, #tpu.memory_space<vmem>> -> memref<4096xf32, #tpu.memory_space<vmem>>
        %gather3A_723 = tpu.vector_load_idx %gather3A_722[%add3A_261] : memref<4096xf32, #tpu.memory_space<vmem>>[vector<16xi32>], vector<16xf32>,
        %mul3A_724 = arith.mulf %get3A_212, %gather3A_723 : vector<16xf32>
        %add3A_725 = arith.addf %mul3A_720, %mul3A_724 : vector<16xf32>
        %gather3A_726 = arith.constant 16384 : i32
        %gather3A_727 = tpu.memref_slice %arg7[%gather3A_726] : memref<32768xf32, #tpu.memory_space<vmem>> -> memref<4096xf32, #tpu.memory_space<vmem>>
        %gather3A_728 = tpu.vector_load_idx %gather3A_727[%add3A_286] : memref<4096xf32, #tpu.memory_space<vmem>>[vector<16xi32>], vector<16xf32>,
        %mul3A_729 = arith.mulf %get3A_216, %gather3A_728 : vector<16xf32>
        %add3A_730 = arith.addf %add3A_725, %mul3A_729 : vector<16xf32>
        %gather3A_731 = arith.constant 16384 : i32
        %gather3A_732 = tpu.memref_slice %arg7[%gather3A_731] : memref<32768xf32, #tpu.memory_space<vmem>> -> memref<4096xf32, #tpu.memory_space<vmem>>
        %gather3A_733 = tpu.vector_load_idx %gather3A_732[%add3A_311] : memref<4096xf32, #tpu.memory_space<vmem>>[vector<16xi32>], vector<16xf32>,
        %mul3A_734 = arith.mulf %get3A_220, %gather3A_733 : vector<16xf32>
        %add3A_735 = arith.addf %add3A_730, %mul3A_734 : vector<16xf32>
        %gather3A_736 = arith.constant 16384 : i32
        %gather3A_737 = tpu.memref_slice %arg7[%gather3A_736] : memref<32768xf32, #tpu.memory_space<vmem>> -> memref<4096xf32, #tpu.memory_space<vmem>>
        %gather3A_738 = tpu.vector_load_idx %gather3A_737[%add3A_239] : memref<4096xf32, #tpu.memory_space<vmem>>[vector<16xi32>], vector<16xf32>,
        %mul3A_739 = arith.mulf %get3A_208, %gather3A_738 : vector<16xf32>
        %gather3A_740 = arith.constant 16384 : i32
        %gather3A_741 = tpu.memref_slice %arg7[%gather3A_740] : memref<32768xf32, #tpu.memory_space<vmem>> -> memref<4096xf32, #tpu.memory_space<vmem>>
        %gather3A_742 = tpu.vector_load_idx %gather3A_741[%add3A_264] : memref<4096xf32, #tpu.memory_space<vmem>>[vector<16xi32>], vector<16xf32>,
        %mul3A_743 = arith.mulf %get3A_212, %gather3A_742 : vector<16xf32>
        %add3A_744 = arith.addf %mul3A_739, %mul3A_743 : vector<16xf32>
        %gather3A_745 = arith.constant 16384 : i32
        %gather3A_746 = tpu.memref_slice %arg7[%gather3A_745] : memref<32768xf32, #tpu.memory_space<vmem>> -> memref<4096xf32, #tpu.memory_space<vmem>>
        %gather3A_747 = tpu.vector_load_idx %gather3A_746[%add3A_289] : memref<4096xf32, #tpu.memory_space<vmem>>[vector<16xi32>], vector<16xf32>,
        %mul3A_748 = arith.mulf %get3A_216, %gather3A_747 : vector<16xf32>
        %add3A_749 = arith.addf %add3A_744, %mul3A_748 : vector<16xf32>
        %gather3A_750 = arith.constant 16384 : i32
        %gather3A_751 = tpu.memref_slice %arg7[%gather3A_750] : memref<32768xf32, #tpu.memory_space<vmem>> -> memref<4096xf32, #tpu.memory_space<vmem>>
        %gather3A_752 = tpu.vector_load_idx %gather3A_751[%add3A_314] : memref<4096xf32, #tpu.memory_space<vmem>>[vector<16xi32>], vector<16xf32>,
        %mul3A_753 = arith.mulf %get3A_220, %gather3A_752 : vector<16xf32>
        %add3A_754 = arith.addf %add3A_749, %mul3A_753 : vector<16xf32>
        %gather3A_755 = arith.constant 16384 : i32
        %gather3A_756 = tpu.memref_slice %arg7[%gather3A_755] : memref<32768xf32, #tpu.memory_space<vmem>> -> memref<4096xf32, #tpu.memory_space<vmem>>
        %gather3A_757 = tpu.vector_load_idx %gather3A_756[%add3A_242] : memref<4096xf32, #tpu.memory_space<vmem>>[vector<16xi32>], vector<16xf32>,
        %mul3A_758 = arith.mulf %get3A_208, %gather3A_757 : vector<16xf32>
        %gather3A_759 = arith.constant 16384 : i32
        %gather3A_760 = tpu.memref_slice %arg7[%gather3A_759] : memref<32768xf32, #tpu.memory_space<vmem>> -> memref<4096xf32, #tpu.memory_space<vmem>>
        %gather3A_761 = tpu.vector_load_idx %gather3A_760[%add3A_267] : memref<4096xf32, #tpu.memory_space<vmem>>[vector<16xi32>], vector<16xf32>,
        %mul3A_762 = arith.mulf %get3A_212, %gather3A_761 : vector<16xf32>
        %add3A_763 = arith.addf %mul3A_758, %mul3A_762 : vector<16xf32>
        %gather3A_764 = arith.constant 16384 : i32
        %gather3A_765 = tpu.memref_slice %arg7[%gather3A_764] : memref<32768xf32, #tpu.memory_space<vmem>> -> memref<4096xf32, #tpu.memory_space<vmem>>
        %gather3A_766 = tpu.vector_load_idx %gather3A_765[%add3A_292] : memref<4096xf32, #tpu.memory_space<vmem>>[vector<16xi32>], vector<16xf32>,
        %mul3A_767 = arith.mulf %get3A_216, %gather3A_766 : vector<16xf32>
        %add3A_768 = arith.addf %add3A_763, %mul3A_767 : vector<16xf32>
        %gather3A_769 = arith.constant 16384 : i32
        %gather3A_770 = tpu.memref_slice %arg7[%gather3A_769] : memref<32768xf32, #tpu.memory_space<vmem>> -> memref<4096xf32, #tpu.memory_space<vmem>>
        %gather3A_771 = tpu.vector_load_idx %gather3A_770[%add3A_317] : memref<4096xf32, #tpu.memory_space<vmem>>[vector<16xi32>], vector<16xf32>,
        %mul3A_772 = arith.mulf %get3A_220, %gather3A_771 : vector<16xf32>
        %add3A_773 = arith.addf %add3A_768, %mul3A_772 : vector<16xf32>
        %div3A_774 = arith.constant 1.000000e+00 : f32
        %div3A_775 = vector.broadcast %div3A_774 : f32 to vector<16xf32>
        %div3A_776 = arith.divf %div3A_775, %add3A_773 : vector<16xf32>
        %mul3A_777 = arith.mulf %add3A_716, %div3A_776 : vector<16xf32>
        %add3A_778 = arith.constant 512 : i32
        %add3A_779 = arith.addi %add3A_324, %add3A_778 : i32
        %swap3A_780 = arith.index_cast %add3A_779 : i32 to index
        %swap3A_781 = tpu.vector_load %arg9[%swap3A_780] {strides = array<i32>} : memref<12288xf32, #tpu.memory_space<vmem>>, vector<16xf32>,
        tpu.vector_store %arg9[%swap3A_780], %mul3A_777 {strides = array<i32>} : memref<12288xf32, #tpu.memory_space<vmem>>, vector<16xf32>,
        %mul3A_782 = arith.mulf %add3A_735, %div3A_776 : vector<16xf32>
        %add3A_783 = arith.constant 4608 : i32
        %add3A_784 = arith.addi %add3A_324, %add3A_783 : i32
        %swap3A_785 = arith.index_cast %add3A_784 : i32 to index
        %swap3A_786 = tpu.vector_load %arg9[%swap3A_785] {strides = array<i32>} : memref<12288xf32, #tpu.memory_space<vmem>>, vector<16xf32>,
        tpu.vector_store %arg9[%swap3A_785], %mul3A_782 {strides = array<i32>} : memref<12288xf32, #tpu.memory_space<vmem>>, vector<16xf32>,
        %mul3A_787 = arith.mulf %add3A_754, %div3A_776 : vector<16xf32>
        %add3A_788 = arith.constant 8704 : i32
        %add3A_789 = arith.addi %add3A_324, %add3A_788 : i32
        %swap3A_790 = arith.index_cast %add3A_789 : i32 to index
        %swap3A_791 = tpu.vector_load %arg9[%swap3A_790] {strides = array<i32>} : memref<12288xf32, #tpu.memory_space<vmem>>, vector<16xf32>,
        tpu.vector_store %arg9[%swap3A_790], %mul3A_787 {strides = array<i32>} : memref<12288xf32, #tpu.memory_space<vmem>>, vector<16xf32>,
        %gather3A_792 = arith.constant 20480 : i32
        %gather3A_793 = tpu.memref_slice %arg7[%gather3A_792] : memref<32768xf32, #tpu.memory_space<vmem>> -> memref<4096xf32, #tpu.memory_space<vmem>>
        %gather3A_794 = tpu.vector_load_idx %gather3A_793[%add3A_233] : memref<4096xf32, #tpu.memory_space<vmem>>[vector<16xi32>], vector<16xf32>,
        %mul3A_795 = arith.mulf %get3A_208, %gather3A_794 : vector<16xf32>
        %gather3A_796 = arith.constant 20480 : i32
        %gather3A_797 = tpu.memref_slice %arg7[%gather3A_796] : memref<32768xf32, #tpu.memory_space<vmem>> -> memref<4096xf32, #tpu.memory_space<vmem>>
        %gather3A_798 = tpu.vector_load_idx %gather3A_797[%add3A_258] : memref<4096xf32, #tpu.memory_space<vmem>>[vector<16xi32>], vector<16xf32>,
        %mul3A_799 = arith.mulf %get3A_212, %gather3A_798 : vector<16xf32>
        %add3A_800 = arith.addf %mul3A_795, %mul3A_799 : vector<16xf32>
        %gather3A_801 = arith.constant 20480 : i32
        %gather3A_802 = tpu.memref_slice %arg7[%gather3A_801] : memref<32768xf32, #tpu.memory_space<vmem>> -> memref<4096xf32, #tpu.memory_space<vmem>>
        %gather3A_803 = tpu.vector_load_idx %gather3A_802[%add3A_283] : memref<4096xf32, #tpu.memory_space<vmem>>[vector<16xi32>], vector<16xf32>,
        %mul3A_804 = arith.mulf %get3A_216, %gather3A_803 : vector<16xf32>
        %add3A_805 = arith.addf %add3A_800, %mul3A_804 : vector<16xf32>
        %gather3A_806 = arith.constant 20480 : i32
        %gather3A_807 = tpu.memref_slice %arg7[%gather3A_806] : memref<32768xf32, #tpu.memory_space<vmem>> -> memref<4096xf32, #tpu.memory_space<vmem>>
        %gather3A_808 = tpu.vector_load_idx %gather3A_807[%add3A_308] : memref<4096xf32, #tpu.memory_space<vmem>>[vector<16xi32>], vector<16xf32>,
        %mul3A_809 = arith.mulf %get3A_220, %gather3A_808 : vector<16xf32>
        %add3A_810 = arith.addf %add3A_805, %mul3A_809 : vector<16xf32>
        %gather3A_811 = arith.constant 20480 : i32
        %gather3A_812 = tpu.memref_slice %arg7[%gather3A_811] : memref<32768xf32, #tpu.memory_space<vmem>> -> memref<4096xf32, #tpu.memory_space<vmem>>
        %gather3A_813 = tpu.vector_load_idx %gather3A_812[%add3A_236] : memref<4096xf32, #tpu.memory_space<vmem>>[vector<16xi32>], vector<16xf32>,
        %mul3A_814 = arith.mulf %get3A_208, %gather3A_813 : vector<16xf32>
        %gather3A_815 = arith.constant 20480 : i32
        %gather3A_816 = tpu.memref_slice %arg7[%gather3A_815] : memref<32768xf32, #tpu.memory_space<vmem>> -> memref<4096xf32, #tpu.memory_space<vmem>>
        %gather3A_817 = tpu.vector_load_idx %gather3A_816[%add3A_261] : memref<4096xf32, #tpu.memory_space<vmem>>[vector<16xi32>], vector<16xf32>,
        %mul3A_818 = arith.mulf %get3A_212, %gather3A_817 : vector<16xf32>
        %add3A_819 = arith.addf %mul3A_814, %mul3A_818 : vector<16xf32>
        %gather3A_820 = arith.constant 20480 : i32
        %gather3A_821 = tpu.memref_slice %arg7[%gather3A_820] : memref<32768xf32, #tpu.memory_space<vmem>> -> memref<4096xf32, #tpu.memory_space<vmem>>
        %gather3A_822 = tpu.vector_load_idx %gather3A_821[%add3A_286] : memref<4096xf32, #tpu.memory_space<vmem>>[vector<16xi32>], vector<16xf32>,
        %mul3A_823 = arith.mulf %get3A_216, %gather3A_822 : vector<16xf32>
        %add3A_824 = arith.addf %add3A_819, %mul3A_823 : vector<16xf32>
        %gather3A_825 = arith.constant 20480 : i32
        %gather3A_826 = tpu.memref_slice %arg7[%gather3A_825] : memref<32768xf32, #tpu.memory_space<vmem>> -> memref<4096xf32, #tpu.memory_space<vmem>>
        %gather3A_827 = tpu.vector_load_idx %gather3A_826[%add3A_311] : memref<4096xf32, #tpu.memory_space<vmem>>[vector<16xi32>], vector<16xf32>,
        %mul3A_828 = arith.mulf %get3A_220, %gather3A_827 : vector<16xf32>
        %add3A_829 = arith.addf %add3A_824, %mul3A_828 : vector<16xf32>
        %gather3A_830 = arith.constant 20480 : i32
        %gather3A_831 = tpu.memref_slice %arg7[%gather3A_830] : memref<32768xf32, #tpu.memory_space<vmem>> -> memref<4096xf32, #tpu.memory_space<vmem>>
        %gather3A_832 = tpu.vector_load_idx %gather3A_831[%add3A_239] : memref<4096xf32, #tpu.memory_space<vmem>>[vector<16xi32>], vector<16xf32>,
        %mul3A_833 = arith.mulf %get3A_208, %gather3A_832 : vector<16xf32>
        %gather3A_834 = arith.constant 20480 : i32
        %gather3A_835 = tpu.memref_slice %arg7[%gather3A_834] : memref<32768xf32, #tpu.memory_space<vmem>> -> memref<4096xf32, #tpu.memory_space<vmem>>
        %gather3A_836 = tpu.vector_load_idx %gather3A_835[%add3A_264] : memref<4096xf32, #tpu.memory_space<vmem>>[vector<16xi32>], vector<16xf32>,
        %mul3A_837 = arith.mulf %get3A_212, %gather3A_836 : vector<16xf32>
        %add3A_838 = arith.addf %mul3A_833, %mul3A_837 : vector<16xf32>
        %gather3A_839 = arith.constant 20480 : i32
        %gather3A_840 = tpu.memref_slice %arg7[%gather3A_839] : memref<32768xf32, #tpu.memory_space<vmem>> -> memref<4096xf32, #tpu.memory_space<vmem>>
        %gather3A_841 = tpu.vector_load_idx %gather3A_840[%add3A_289] : memref<4096xf32, #tpu.memory_space<vmem>>[vector<16xi32>], vector<16xf32>,
        %mul3A_842 = arith.mulf %get3A_216, %gather3A_841 : vector<16xf32>
        %add3A_843 = arith.addf %add3A_838, %mul3A_842 : vector<16xf32>
        %gather3A_844 = arith.constant 20480 : i32
        %gather3A_845 = tpu.memref_slice %arg7[%gather3A_844] : memref<32768xf32, #tpu.memory_space<vmem>> -> memref<4096xf32, #tpu.memory_space<vmem>>
        %gather3A_846 = tpu.vector_load_idx %gather3A_845[%add3A_314] : memref<4096xf32, #tpu.memory_space<vmem>>[vector<16xi32>], vector<16xf32>,
        %mul3A_847 = arith.mulf %get3A_220, %gather3A_846 : vector<16xf32>
        %add3A_848 = arith.addf %add3A_843, %mul3A_847 : vector<16xf32>
        %gather3A_849 = arith.constant 20480 : i32
        %gather3A_850 = tpu.memref_slice %arg7[%gather3A_849] : memref<32768xf32, #tpu.memory_space<vmem>> -> memref<4096xf32, #tpu.memory_space<vmem>>
        %gather3A_851 = tpu.vector_load_idx %gather3A_850[%add3A_242] : memref<4096xf32, #tpu.memory_space<vmem>>[vector<16xi32>], vector<16xf32>,
        %mul3A_852 = arith.mulf %get3A_208, %gather3A_851 : vector<16xf32>
        %gather3A_853 = arith.constant 20480 : i32
        %gather3A_854 = tpu.memref_slice %arg7[%gather3A_853] : memref<32768xf32, #tpu.memory_space<vmem>> -> memref<4096xf32, #tpu.memory_space<vmem>>
        %gather3A_855 = tpu.vector_load_idx %gather3A_854[%add3A_267] : memref<4096xf32, #tpu.memory_space<vmem>>[vector<16xi32>], vector<16xf32>,
        %mul3A_856 = arith.mulf %get3A_212, %gather3A_855 : vector<16xf32>
        %add3A_857 = arith.addf %mul3A_852, %mul3A_856 : vector<16xf32>
        %gather3A_858 = arith.constant 20480 : i32
        %gather3A_859 = tpu.memref_slice %arg7[%gather3A_858] : memref<32768xf32, #tpu.memory_space<vmem>> -> memref<4096xf32, #tpu.memory_space<vmem>>
        %gather3A_860 = tpu.vector_load_idx %gather3A_859[%add3A_292] : memref<4096xf32, #tpu.memory_space<vmem>>[vector<16xi32>], vector<16xf32>,
        %mul3A_861 = arith.mulf %get3A_216, %gather3A_860 : vector<16xf32>
        %add3A_862 = arith.addf %add3A_857, %mul3A_861 : vector<16xf32>
        %gather3A_863 = arith.constant 20480 : i32
        %gather3A_864 = tpu.memref_slice %arg7[%gather3A_863] : memref<32768xf32, #tpu.memory_space<vmem>> -> memref<4096xf32, #tpu.memory_space<vmem>>
        %gather3A_865 = tpu.vector_load_idx %gather3A_864[%add3A_317] : memref<4096xf32, #tpu.memory_space<vmem>>[vector<16xi32>], vector<16xf32>,
        %mul3A_866 = arith.mulf %get3A_220, %gather3A_865 : vector<16xf32>
        %add3A_867 = arith.addf %add3A_862, %mul3A_866 : vector<16xf32>
        %div3A_868 = arith.constant 1.000000e+00 : f32
        %div3A_869 = vector.broadcast %div3A_868 : f32 to vector<16xf32>
        %div3A_870 = arith.divf %div3A_869, %add3A_867 : vector<16xf32>
        %mul3A_871 = arith.mulf %add3A_810, %div3A_870 : vector<16xf32>
        %add3A_872 = arith.constant 640 : i32
        %add3A_873 = arith.addi %add3A_324, %add3A_872 : i32
        %swap3A_874 = arith.index_cast %add3A_873 : i32 to index
        %swap3A_875 = tpu.vector_load %arg9[%swap3A_874] {strides = array<i32>} : memref<12288xf32, #tpu.memory_space<vmem>>, vector<16xf32>,
        tpu.vector_store %arg9[%swap3A_874], %mul3A_871 {strides = array<i32>} : memref<12288xf32, #tpu.memory_space<vmem>>, vector<16xf32>,
        %mul3A_876 = arith.mulf %add3A_829, %div3A_870 : vector<16xf32>
        %add3A_877 = arith.constant 4736 : i32
        %add3A_878 = arith.addi %add3A_324, %add3A_877 : i32
        %swap3A_879 = arith.index_cast %add3A_878 : i32 to index
        %swap3A_880 = tpu.vector_load %arg9[%swap3A_879] {strides = array<i32>} : memref<12288xf32, #tpu.memory_space<vmem>>, vector<16xf32>,
        tpu.vector_store %arg9[%swap3A_879], %mul3A_876 {strides = array<i32>} : memref<12288xf32, #tpu.memory_space<vmem>>, vector<16xf32>,
        %mul3A_881 = arith.mulf %add3A_848, %div3A_870 : vector<16xf32>
        %add3A_882 = arith.constant 8832 : i32
        %add3A_883 = arith.addi %add3A_324, %add3A_882 : i32
        %swap3A_884 = arith.index_cast %add3A_883 : i32 to index
        %swap3A_885 = tpu.vector_load %arg9[%swap3A_884] {strides = array<i32>} : memref<12288xf32, #tpu.memory_space<vmem>>, vector<16xf32>,
        tpu.vector_store %arg9[%swap3A_884], %mul3A_881 {strides = array<i32>} : memref<12288xf32, #tpu.memory_space<vmem>>, vector<16xf32>,
        %gather3A_886 = arith.constant 24576 : i32
        %gather3A_887 = tpu.memref_slice %arg7[%gather3A_886] : memref<32768xf32, #tpu.memory_space<vmem>> -> memref<4096xf32, #tpu.memory_space<vmem>>
        %gather3A_888 = tpu.vector_load_idx %gather3A_887[%add3A_233] : memref<4096xf32, #tpu.memory_space<vmem>>[vector<16xi32>], vector<16xf32>,
        %mul3A_889 = arith.mulf %get3A_208, %gather3A_888 : vector<16xf32>
        %gather3A_890 = arith.constant 24576 : i32
        %gather3A_891 = tpu.memref_slice %arg7[%gather3A_890] : memref<32768xf32, #tpu.memory_space<vmem>> -> memref<4096xf32, #tpu.memory_space<vmem>>
        %gather3A_892 = tpu.vector_load_idx %gather3A_891[%add3A_258] : memref<4096xf32, #tpu.memory_space<vmem>>[vector<16xi32>], vector<16xf32>,
        %mul3A_893 = arith.mulf %get3A_212, %gather3A_892 : vector<16xf32>
        %add3A_894 = arith.addf %mul3A_889, %mul3A_893 : vector<16xf32>
        %gather3A_895 = arith.constant 24576 : i32
        %gather3A_896 = tpu.memref_slice %arg7[%gather3A_895] : memref<32768xf32, #tpu.memory_space<vmem>> -> memref<4096xf32, #tpu.memory_space<vmem>>
        %gather3A_897 = tpu.vector_load_idx %gather3A_896[%add3A_283] : memref<4096xf32, #tpu.memory_space<vmem>>[vector<16xi32>], vector<16xf32>,
        %mul3A_898 = arith.mulf %get3A_216, %gather3A_897 : vector<16xf32>
        %add3A_899 = arith.addf %add3A_894, %mul3A_898 : vector<16xf32>
        %gather3A_900 = arith.constant 24576 : i32
        %gather3A_901 = tpu.memref_slice %arg7[%gather3A_900] : memref<32768xf32, #tpu.memory_space<vmem>> -> memref<4096xf32, #tpu.memory_space<vmem>>
        %gather3A_902 = tpu.vector_load_idx %gather3A_901[%add3A_308] : memref<4096xf32, #tpu.memory_space<vmem>>[vector<16xi32>], vector<16xf32>,
        %mul3A_903 = arith.mulf %get3A_220, %gather3A_902 : vector<16xf32>
        %add3A_904 = arith.addf %add3A_899, %mul3A_903 : vector<16xf32>
        %gather3A_905 = arith.constant 24576 : i32
        %gather3A_906 = tpu.memref_slice %arg7[%gather3A_905] : memref<32768xf32, #tpu.memory_space<vmem>> -> memref<4096xf32, #tpu.memory_space<vmem>>
        %gather3A_907 = tpu.vector_load_idx %gather3A_906[%add3A_236] : memref<4096xf32, #tpu.memory_space<vmem>>[vector<16xi32>], vector<16xf32>,
        %mul3A_908 = arith.mulf %get3A_208, %gather3A_907 : vector<16xf32>
        %gather3A_909 = arith.constant 24576 : i32
        %gather3A_910 = tpu.memref_slice %arg7[%gather3A_909] : memref<32768xf32, #tpu.memory_space<vmem>> -> memref<4096xf32, #tpu.memory_space<vmem>>
        %gather3A_911 = tpu.vector_load_idx %gather3A_910[%add3A_261] : memref<4096xf32, #tpu.memory_space<vmem>>[vector<16xi32>], vector<16xf32>,
        %mul3A_912 = arith.mulf %get3A_212, %gather3A_911 : vector<16xf32>
        %add3A_913 = arith.addf %mul3A_908, %mul3A_912 : vector<16xf32>
        %gather3A_914 = arith.constant 24576 : i32
        %gather3A_915 = tpu.memref_slice %arg7[%gather3A_914] : memref<32768xf32, #tpu.memory_space<vmem>> -> memref<4096xf32, #tpu.memory_space<vmem>>
        %gather3A_916 = tpu.vector_load_idx %gather3A_915[%add3A_286] : memref<4096xf32, #tpu.memory_space<vmem>>[vector<16xi32>], vector<16xf32>,
        %mul3A_917 = arith.mulf %get3A_216, %gather3A_916 : vector<16xf32>
        %add3A_918 = arith.addf %add3A_913, %mul3A_917 : vector<16xf32>
        %gather3A_919 = arith.constant 24576 : i32
        %gather3A_920 = tpu.memref_slice %arg7[%gather3A_919] : memref<32768xf32, #tpu.memory_space<vmem>> -> memref<4096xf32, #tpu.memory_space<vmem>>
        %gather3A_921 = tpu.vector_load_idx %gather3A_920[%add3A_311] : memref<4096xf32, #tpu.memory_space<vmem>>[vector<16xi32>], vector<16xf32>,
        %mul3A_922 = arith.mulf %get3A_220, %gather3A_921 : vector<16xf32>
        %add3A_923 = arith.addf %add3A_918, %mul3A_922 : vector<16xf32>
        %gather3A_924 = arith.constant 24576 : i32
        %gather3A_925 = tpu.memref_slice %arg7[%gather3A_924] : memref<32768xf32, #tpu.memory_space<vmem>> -> memref<4096xf32, #tpu.memory_space<vmem>>
        %gather3A_926 = tpu.vector_load_idx %gather3A_925[%add3A_239] : memref<4096xf32, #tpu.memory_space<vmem>>[vector<16xi32>], vector<16xf32>,
        %mul3A_927 = arith.mulf %get3A_208, %gather3A_926 : vector<16xf32>
        %gather3A_928 = arith.constant 24576 : i32
        %gather3A_929 = tpu.memref_slice %arg7[%gather3A_928] : memref<32768xf32, #tpu.memory_space<vmem>> -> memref<4096xf32, #tpu.memory_space<vmem>>
        %gather3A_930 = tpu.vector_load_idx %gather3A_929[%add3A_264] : memref<4096xf32, #tpu.memory_space<vmem>>[vector<16xi32>], vector<16xf32>,
        %mul3A_931 = arith.mulf %get3A_212, %gather3A_930 : vector<16xf32>
        %add3A_932 = arith.addf %mul3A_927, %mul3A_931 : vector<16xf32>
        %gather3A_933 = arith.constant 24576 : i32
        %gather3A_934 = tpu.memref_slice %arg7[%gather3A_933] : memref<32768xf32, #tpu.memory_space<vmem>> -> memref<4096xf32, #tpu.memory_space<vmem>>
        %gather3A_935 = tpu.vector_load_idx %gather3A_934[%add3A_289] : memref<4096xf32, #tpu.memory_space<vmem>>[vector<16xi32>], vector<16xf32>,
        %mul3A_936 = arith.mulf %get3A_216, %gather3A_935 : vector<16xf32>
        %add3A_937 = arith.addf %add3A_932, %mul3A_936 : vector<16xf32>
        %gather3A_938 = arith.constant 24576 : i32
        %gather3A_939 = tpu.memref_slice %arg7[%gather3A_938] : memref<32768xf32, #tpu.memory_space<vmem>> -> memref<4096xf32, #tpu.memory_space<vmem>>
        %gather3A_940 = tpu.vector_load_idx %gather3A_939[%add3A_314] : memref<4096xf32, #tpu.memory_space<vmem>>[vector<16xi32>], vector<16xf32>,
        %mul3A_941 = arith.mulf %get3A_220, %gather3A_940 : vector<16xf32>
        %add3A_942 = arith.addf %add3A_937, %mul3A_941 : vector<16xf32>
        %gather3A_943 = arith.constant 24576 : i32
        %gather3A_944 = tpu.memref_slice %arg7[%gather3A_943] : memref<32768xf32, #tpu.memory_space<vmem>> -> memref<4096xf32, #tpu.memory_space<vmem>>
        %gather3A_945 = tpu.vector_load_idx %gather3A_944[%add3A_242] : memref<4096xf32, #tpu.memory_space<vmem>>[vector<16xi32>], vector<16xf32>,
        %mul3A_946 = arith.mulf %get3A_208, %gather3A_945 : vector<16xf32>
        %gather3A_947 = arith.constant 24576 : i32
        %gather3A_948 = tpu.memref_slice %arg7[%gather3A_947] : memref<32768xf32, #tpu.memory_space<vmem>> -> memref<4096xf32, #tpu.memory_space<vmem>>
        %gather3A_949 = tpu.vector_load_idx %gather3A_948[%add3A_267] : memref<4096xf32, #tpu.memory_space<vmem>>[vector<16xi32>], vector<16xf32>,
        %mul3A_950 = arith.mulf %get3A_212, %gather3A_949 : vector<16xf32>
        %add3A_951 = arith.addf %mul3A_946, %mul3A_950 : vector<16xf32>
        %gather3A_952 = arith.constant 24576 : i32
        %gather3A_953 = tpu.memref_slice %arg7[%gather3A_952] : memref<32768xf32, #tpu.memory_space<vmem>> -> memref<4096xf32, #tpu.memory_space<vmem>>
        %gather3A_954 = tpu.vector_load_idx %gather3A_953[%add3A_292] : memref<4096xf32, #tpu.memory_space<vmem>>[vector<16xi32>], vector<16xf32>,
        %mul3A_955 = arith.mulf %get3A_216, %gather3A_954 : vector<16xf32>
        %add3A_956 = arith.addf %add3A_951, %mul3A_955 : vector<16xf32>
        %gather3A_957 = arith.constant 24576 : i32
        %gather3A_958 = tpu.memref_slice %arg7[%gather3A_957] : memref<32768xf32, #tpu.memory_space<vmem>> -> memref<4096xf32, #tpu.memory_space<vmem>>
        %gather3A_959 = tpu.vector_load_idx %gather3A_958[%add3A_317] : memref<4096xf32, #tpu.memory_space<vmem>>[vector<16xi32>], vector<16xf32>,
        %mul3A_960 = arith.mulf %get3A_220, %gather3A_959 : vector<16xf32>
        %add3A_961 = arith.addf %add3A_956, %mul3A_960 : vector<16xf32>
        %div3A_962 = arith.constant 1.000000e+00 : f32
        %div3A_963 = vector.broadcast %div3A_962 : f32 to vector<16xf32>
        %div3A_964 = arith.divf %div3A_963, %add3A_961 : vector<16xf32>
        %mul3A_965 = arith.mulf %add3A_904, %div3A_964 : vector<16xf32>
        %add3A_966 = arith.constant 768 : i32
        %add3A_967 = arith.addi %add3A_324, %add3A_966 : i32
        %swap3A_968 = arith.index_cast %add3A_967 : i32 to index
        %swap3A_969 = tpu.vector_load %arg9[%swap3A_968] {strides = array<i32>} : memref<12288xf32, #tpu.memory_space<vmem>>, vector<16xf32>,
        tpu.vector_store %arg9[%swap3A_968], %mul3A_965 {strides = array<i32>} : memref<12288xf32, #tpu.memory_space<vmem>>, vector<16xf32>,
        %mul3A_970 = arith.mulf %add3A_923, %div3A_964 : vector<16xf32>
        %add3A_971 = arith.constant 4864 : i32
        %add3A_972 = arith.addi %add3A_324, %add3A_971 : i32
        %swap3A_973 = arith.index_cast %add3A_972 : i32 to index
        %swap3A_974 = tpu.vector_load %arg9[%swap3A_973] {strides = array<i32>} : memref<12288xf32, #tpu.memory_space<vmem>>, vector<16xf32>,
        tpu.vector_store %arg9[%swap3A_973], %mul3A_970 {strides = array<i32>} : memref<12288xf32, #tpu.memory_space<vmem>>, vector<16xf32>,
        %mul3A_975 = arith.mulf %add3A_942, %div3A_964 : vector<16xf32>
        %add3A_976 = arith.constant 8960 : i32
        %add3A_977 = arith.addi %add3A_324, %add3A_976 : i32
        %swap3A_978 = arith.index_cast %add3A_977 : i32 to index
        %swap3A_979 = tpu.vector_load %arg9[%swap3A_978] {strides = array<i32>} : memref<12288xf32, #tpu.memory_space<vmem>>, vector<16xf32>,
        tpu.vector_store %arg9[%swap3A_978], %mul3A_975 {strides = array<i32>} : memref<12288xf32, #tpu.memory_space<vmem>>, vector<16xf32>,
        %gather3A_980 = arith.constant 28672 : i32
        %gather3A_981 = tpu.memref_slice %arg7[%gather3A_980] : memref<32768xf32, #tpu.memory_space<vmem>> -> memref<4096xf32, #tpu.memory_space<vmem>>
        %gather3A_982 = tpu.vector_load_idx %gather3A_981[%add3A_233] : memref<4096xf32, #tpu.memory_space<vmem>>[vector<16xi32>], vector<16xf32>,
        %mul3A_983 = arith.mulf %get3A_208, %gather3A_982 : vector<16xf32>
        %gather3A_984 = arith.constant 28672 : i32
        %gather3A_985 = tpu.memref_slice %arg7[%gather3A_984] : memref<32768xf32, #tpu.memory_space<vmem>> -> memref<4096xf32, #tpu.memory_space<vmem>>
        %gather3A_986 = tpu.vector_load_idx %gather3A_985[%add3A_258] : memref<4096xf32, #tpu.memory_space<vmem>>[vector<16xi32>], vector<16xf32>,
        %mul3A_987 = arith.mulf %get3A_212, %gather3A_986 : vector<16xf32>
        %add3A_988 = arith.addf %mul3A_983, %mul3A_987 : vector<16xf32>
        %gather3A_989 = arith.constant 28672 : i32
        %gather3A_990 = tpu.memref_slice %arg7[%gather3A_989] : memref<32768xf32, #tpu.memory_space<vmem>> -> memref<4096xf32, #tpu.memory_space<vmem>>
        %gather3A_991 = tpu.vector_load_idx %gather3A_990[%add3A_283] : memref<4096xf32, #tpu.memory_space<vmem>>[vector<16xi32>], vector<16xf32>,
        %mul3A_992 = arith.mulf %get3A_216, %gather3A_991 : vector<16xf32>
        %add3A_993 = arith.addf %add3A_988, %mul3A_992 : vector<16xf32>
        %gather3A_994 = arith.constant 28672 : i32
        %gather3A_995 = tpu.memref_slice %arg7[%gather3A_994] : memref<32768xf32, #tpu.memory_space<vmem>> -> memref<4096xf32, #tpu.memory_space<vmem>>
        %gather3A_996 = tpu.vector_load_idx %gather3A_995[%add3A_308] : memref<4096xf32, #tpu.memory_space<vmem>>[vector<16xi32>], vector<16xf32>,
        %mul3A_997 = arith.mulf %get3A_220, %gather3A_996 : vector<16xf32>
        %add3A_998 = arith.addf %add3A_993, %mul3A_997 : vector<16xf32>
        %gather3A_999 = arith.constant 28672 : i32
        %gather3A_1000 = tpu.memref_slice %arg7[%gather3A_999] : memref<32768xf32, #tpu.memory_space<vmem>> -> memref<4096xf32, #tpu.memory_space<vmem>>
        %gather3A_1001 = tpu.vector_load_idx %gather3A_1000[%add3A_236] : memref<4096xf32, #tpu.memory_space<vmem>>[vector<16xi32>], vector<16xf32>,
        %mul3A_1002 = arith.mulf %get3A_208, %gather3A_1001 : vector<16xf32>
        %gather3A_1003 = arith.constant 28672 : i32
        %gather3A_1004 = tpu.memref_slice %arg7[%gather3A_1003] : memref<32768xf32, #tpu.memory_space<vmem>> -> memref<4096xf32, #tpu.memory_space<vmem>>
        %gather3A_1005 = tpu.vector_load_idx %gather3A_1004[%add3A_261] : memref<4096xf32, #tpu.memory_space<vmem>>[vector<16xi32>], vector<16xf32>,
        %mul3A_1006 = arith.mulf %get3A_212, %gather3A_1005 : vector<16xf32>
        %add3A_1007 = arith.addf %mul3A_1002, %mul3A_1006 : vector<16xf32>
        %gather3A_1008 = arith.constant 28672 : i32
        %gather3A_1009 = tpu.memref_slice %arg7[%gather3A_1008] : memref<32768xf32, #tpu.memory_space<vmem>> -> memref<4096xf32, #tpu.memory_space<vmem>>
        %gather3A_1010 = tpu.vector_load_idx %gather3A_1009[%add3A_286] : memref<4096xf32, #tpu.memory_space<vmem>>[vector<16xi32>], vector<16xf32>,
        %mul3A_1011 = arith.mulf %get3A_216, %gather3A_1010 : vector<16xf32>
        %add3A_1012 = arith.addf %add3A_1007, %mul3A_1011 : vector<16xf32>
        %gather3A_1013 = arith.constant 28672 : i32
        %gather3A_1014 = tpu.memref_slice %arg7[%gather3A_1013] : memref<32768xf32, #tpu.memory_space<vmem>> -> memref<4096xf32, #tpu.memory_space<vmem>>
        %gather3A_1015 = tpu.vector_load_idx %gather3A_1014[%add3A_311] : memref<4096xf32, #tpu.memory_space<vmem>>[vector<16xi32>], vector<16xf32>,
        %mul3A_1016 = arith.mulf %get3A_220, %gather3A_1015 : vector<16xf32>
        %add3A_1017 = arith.addf %add3A_1012, %mul3A_1016 : vector<16xf32>
        %gather3A_1018 = arith.constant 28672 : i32
        %gather3A_1019 = tpu.memref_slice %arg7[%gather3A_1018] : memref<32768xf32, #tpu.memory_space<vmem>> -> memref<4096xf32, #tpu.memory_space<vmem>>
        %gather3A_1020 = tpu.vector_load_idx %gather3A_1019[%add3A_239] : memref<4096xf32, #tpu.memory_space<vmem>>[vector<16xi32>], vector<16xf32>,
        %mul3A_1021 = arith.mulf %get3A_208, %gather3A_1020 : vector<16xf32>
        %gather3A_1022 = arith.constant 28672 : i32
        %gather3A_1023 = tpu.memref_slice %arg7[%gather3A_1022] : memref<32768xf32, #tpu.memory_space<vmem>> -> memref<4096xf32, #tpu.memory_space<vmem>>
        %gather3A_1024 = tpu.vector_load_idx %gather3A_1023[%add3A_264] : memref<4096xf32, #tpu.memory_space<vmem>>[vector<16xi32>], vector<16xf32>,
        %mul3A_1025 = arith.mulf %get3A_212, %gather3A_1024 : vector<16xf32>
        %add3A_1026 = arith.addf %mul3A_1021, %mul3A_1025 : vector<16xf32>
        %gather3A_1027 = arith.constant 28672 : i32
        %gather3A_1028 = tpu.memref_slice %arg7[%gather3A_1027] : memref<32768xf32, #tpu.memory_space<vmem>> -> memref<4096xf32, #tpu.memory_space<vmem>>
        %gather3A_1029 = tpu.vector_load_idx %gather3A_1028[%add3A_289] : memref<4096xf32, #tpu.memory_space<vmem>>[vector<16xi32>], vector<16xf32>,
        %mul3A_1030 = arith.mulf %get3A_216, %gather3A_1029 : vector<16xf32>
        %add3A_1031 = arith.addf %add3A_1026, %mul3A_1030 : vector<16xf32>
        %gather3A_1032 = arith.constant 28672 : i32
        %gather3A_1033 = tpu.memref_slice %arg7[%gather3A_1032] : memref<32768xf32, #tpu.memory_space<vmem>> -> memref<4096xf32, #tpu.memory_space<vmem>>
        %gather3A_1034 = tpu.vector_load_idx %gather3A_1033[%add3A_314] : memref<4096xf32, #tpu.memory_space<vmem>>[vector<16xi32>], vector<16xf32>,
        %mul3A_1035 = arith.mulf %get3A_220, %gather3A_1034 : vector<16xf32>
        %add3A_1036 = arith.addf %add3A_1031, %mul3A_1035 : vector<16xf32>
        %gather3A_1037 = arith.constant 28672 : i32
        %gather3A_1038 = tpu.memref_slice %arg7[%gather3A_1037] : memref<32768xf32, #tpu.memory_space<vmem>> -> memref<4096xf32, #tpu.memory_space<vmem>>
        %gather3A_1039 = tpu.vector_load_idx %gather3A_1038[%add3A_242] : memref<4096xf32, #tpu.memory_space<vmem>>[vector<16xi32>], vector<16xf32>,
        %mul3A_1040 = arith.mulf %get3A_208, %gather3A_1039 : vector<16xf32>
        %gather3A_1041 = arith.constant 28672 : i32
        %gather3A_1042 = tpu.memref_slice %arg7[%gather3A_1041] : memref<32768xf32, #tpu.memory_space<vmem>> -> memref<4096xf32, #tpu.memory_space<vmem>>
        %gather3A_1043 = tpu.vector_load_idx %gather3A_1042[%add3A_267] : memref<4096xf32, #tpu.memory_space<vmem>>[vector<16xi32>], vector<16xf32>,
        %mul3A_1044 = arith.mulf %get3A_212, %gather3A_1043 : vector<16xf32>
        %add3A_1045 = arith.addf %mul3A_1040, %mul3A_1044 : vector<16xf32>
        %gather3A_1046 = arith.constant 28672 : i32
        %gather3A_1047 = tpu.memref_slice %arg7[%gather3A_1046] : memref<32768xf32, #tpu.memory_space<vmem>> -> memref<4096xf32, #tpu.memory_space<vmem>>
        %gather3A_1048 = tpu.vector_load_idx %gather3A_1047[%add3A_292] : memref<4096xf32, #tpu.memory_space<vmem>>[vector<16xi32>], vector<16xf32>,
        %mul3A_1049 = arith.mulf %get3A_216, %gather3A_1048 : vector<16xf32>
        %add3A_1050 = arith.addf %add3A_1045, %mul3A_1049 : vector<16xf32>
        %gather3A_1051 = arith.constant 28672 : i32
        %gather3A_1052 = tpu.memref_slice %arg7[%gather3A_1051] : memref<32768xf32, #tpu.memory_space<vmem>> -> memref<4096xf32, #tpu.memory_space<vmem>>
        %gather3A_1053 = tpu.vector_load_idx %gather3A_1052[%add3A_317] : memref<4096xf32, #tpu.memory_space<vmem>>[vector<16xi32>], vector<16xf32>,
        %mul3A_1054 = arith.mulf %get3A_220, %gather3A_1053 : vector<16xf32>
        %add3A_1055 = arith.addf %add3A_1050, %mul3A_1054 : vector<16xf32>
        %div3A_1056 = arith.constant 1.000000e+00 : f32
        %div3A_1057 = vector.broadcast %div3A_1056 : f32 to vector<16xf32>
        %div3A_1058 = arith.divf %div3A_1057, %add3A_1055 : vector<16xf32>
        %mul3A_1059 = arith.mulf %add3A_998, %div3A_1058 : vector<16xf32>
        %add3A_1060 = arith.constant 896 : i32
        %add3A_1061 = arith.addi %add3A_324, %add3A_1060 : i32
        %swap3A_1062 = arith.index_cast %add3A_1061 : i32 to index
        %swap3A_1063 = tpu.vector_load %arg9[%swap3A_1062] {strides = array<i32>} : memref<12288xf32, #tpu.memory_space<vmem>>, vector<16xf32>,
        tpu.vector_store %arg9[%swap3A_1062], %mul3A_1059 {strides = array<i32>} : memref<12288xf32, #tpu.memory_space<vmem>>, vector<16xf32>,
        %mul3A_1064 = arith.mulf %add3A_1017, %div3A_1058 : vector<16xf32>
        %add3A_1065 = arith.constant 4992 : i32
        %add3A_1066 = arith.addi %add3A_324, %add3A_1065 : i32
        %swap3A_1067 = arith.index_cast %add3A_1066 : i32 to index
        %swap3A_1068 = tpu.vector_load %arg9[%swap3A_1067] {strides = array<i32>} : memref<12288xf32, #tpu.memory_space<vmem>>, vector<16xf32>,
        tpu.vector_store %arg9[%swap3A_1067], %mul3A_1064 {strides = array<i32>} : memref<12288xf32, #tpu.memory_space<vmem>>, vector<16xf32>,
        %mul3A_1069 = arith.mulf %add3A_1036, %div3A_1058 : vector<16xf32>
        %add3A_1070 = arith.constant 9088 : i32
        %add3A_1071 = arith.addi %add3A_324, %add3A_1070 : i32
        %swap3A_1072 = arith.index_cast %add3A_1071 : i32 to index
        %swap3A_1073 = tpu.vector_load %arg9[%swap3A_1072] {strides = array<i32>} : memref<12288xf32, #tpu.memory_space<vmem>>, vector<16xf32>,
        tpu.vector_store %arg9[%swap3A_1072], %mul3A_1069 {strides = array<i32>} : memref<12288xf32, #tpu.memory_space<vmem>>, vector<16xf32>,
      }
      %scan3A_162 = arith.constant 32 : i32
      %mul3A_163 = arith.constant 16 : i32
      %mul3A_164 = arith.muli %add3A, %mul3A_163 : i32
      %add3A_165 = arith.addi %mul3A_164, %add3A_92 : i32
      %mul3A_166 = arith.constant 4096 : i32
      %mul3A_167 = arith.muli %add3A_165, %mul3A_166 : i32
      %add3A_168 = arith.constant 0 : i32
      %add3A_169 = arith.addi %add3A_168, %mul3A_167 : i32
      %mul3A_170 = arith.constant 4096 : i32
      %mul3A_171 = arith.muli %add3A_165, %mul3A_170 : i32
      %add3A_172 = arith.constant 2097152 : i32
      %add3A_173 = arith.addi %add3A_172, %mul3A_171 : i32
      %mul3A_174 = arith.constant 4096 : i32
      %mul3A_175 = arith.muli %add3A_165, %mul3A_174 : i32
      %add3A_176 = arith.constant 4194304 : i32
      %add3A_177 = arith.addi %add3A_176, %mul3A_175 : i32
      %dma_start3A_178 = arith.constant 0 : i32
      %dma_start3A_179 = tpu.memref_slice %arg9[%dma_start3A_178] : memref<12288xf32, #tpu.memory_space<vmem>> -> memref<4096xf32, #tpu.memory_space<vmem>>
      %dma_start3A_180 = tpu.memref_slice %arg5[%add3A_169] : memref<6291456xf32, #tpu.memory_space<hbm>> -> memref<4096xf32, #tpu.memory_space<hbm>>
      %dma_start3A_181 = tpu.memref_slice %arg5[%add3A_169] : memref<6291456xf32, #tpu.memory_space<hbm>> -> memref<4096xf32, #tpu.memory_space<hbm>>
      %dma_start3A_182 = arith.constant 0 : i32
      %dma_start3A_183 = tpu.memref_slice %arg9[%dma_start3A_182] : memref<12288xf32, #tpu.memory_space<vmem>> -> memref<4096xf32, #tpu.memory_space<vmem>>
      tpu.enqueue_dma source(%dma_start3A_183 : memref<4096xf32, #tpu.memory_space<vmem>>) target(%dma_start3A_181 : memref<4096xf32, #tpu.memory_space<hbm>>) target_semaphore(%arg15 : memref<!tpu.dma_semaphore, #tpu.memory_space<semaphore_mem>>)
      %dma_start3A_184 = arith.constant 4096 : i32
      %dma_start3A_185 = tpu.memref_slice %arg9[%dma_start3A_184] : memref<12288xf32, #tpu.memory_space<vmem>> -> memref<4096xf32, #tpu.memory_space<vmem>>
      %dma_start3A_186 = tpu.memref_slice %arg5[%add3A_173] : memref<6291456xf32, #tpu.memory_space<hbm>> -> memref<4096xf32, #tpu.memory_space<hbm>>
      %dma_start3A_187 = tpu.memref_slice %arg5[%add3A_173] : memref<6291456xf32, #tpu.memory_space<hbm>> -> memref<4096xf32, #tpu.memory_space<hbm>>
      %dma_start3A_188 = arith.constant 4096 : i32
      %dma_start3A_189 = tpu.memref_slice %arg9[%dma_start3A_188] : memref<12288xf32, #tpu.memory_space<vmem>> -> memref<4096xf32, #tpu.memory_space<vmem>>
      tpu.enqueue_dma source(%dma_start3A_189 : memref<4096xf32, #tpu.memory_space<vmem>>) target(%dma_start3A_187 : memref<4096xf32, #tpu.memory_space<hbm>>) target_semaphore(%arg15 : memref<!tpu.dma_semaphore, #tpu.memory_space<semaphore_mem>>)
      %dma_start3A_190 = arith.constant 8192 : i32
      %dma_start3A_191 = tpu.memref_slice %arg9[%dma_start3A_190] : memref<12288xf32, #tpu.memory_space<vmem>> -> memref<4096xf32, #tpu.memory_space<vmem>>
      %dma_start3A_192 = tpu.memref_slice %arg5[%add3A_177] : memref<6291456xf32, #tpu.memory_space<hbm>> -> memref<4096xf32, #tpu.memory_space<hbm>>
      %dma_start3A_193 = tpu.memref_slice %arg5[%add3A_177] : memref<6291456xf32, #tpu.memory_space<hbm>> -> memref<4096xf32, #tpu.memory_space<hbm>>
      %dma_start3A_194 = arith.constant 8192 : i32
      %dma_start3A_195 = tpu.memref_slice %arg9[%dma_start3A_194] : memref<12288xf32, #tpu.memory_space<vmem>> -> memref<4096xf32, #tpu.memory_space<vmem>>
      tpu.enqueue_dma source(%dma_start3A_195 : memref<4096xf32, #tpu.memory_space<vmem>>) target(%dma_start3A_193 : memref<4096xf32, #tpu.memory_space<hbm>>) target_semaphore(%arg15 : memref<!tpu.dma_semaphore, #tpu.memory_space<semaphore_mem>>)
      %lt3A_196 = arith.constant 7 : i32
      %lt3A_197 = arith.cmpi slt, %scan3A_86, %lt3A_196 : i32
      %convert_element_type3A_198 = arith.extui %lt3A_197 : i1 to i32
      %cond3A_199 = arith.constant 0 : i32
      %cond3A_200 = arith.cmpi ne, %convert_element_type3A_198, %cond3A_199 : i32
      scf.if %cond3A_200 {
        %add3A_201 = arith.constant 2 : i32
        %add3A_202 = arith.addi %add3A_92, %add3A_201 : i32
        %mul3A_203 = arith.constant 8 : i32
        %mul3A_204 = arith.muli %add3A_202, %mul3A_203 : i32
        %add3A_205 = arith.addi %mul3A_2, %mul3A_204 : i32
        %mul3A_206 = arith.constant 4096 : i32
        %mul3A_207 = arith.muli %add3A_205, %mul3A_206 : i32
        %dma_start3A_208 = tpu.memref_slice %arg2[%mul3A_207] : memref<16777216xf32, #tpu.memory_space<hbm>> -> memref<32768xf32, #tpu.memory_space<hbm>>
        %dma_start3A_209 = tpu.memref_slice %arg2[%mul3A_207] : memref<16777216xf32, #tpu.memory_space<hbm>> -> memref<32768xf32, #tpu.memory_space<hbm>>
        tpu.enqueue_dma source(%dma_start3A_209 : memref<32768xf32, #tpu.memory_space<hbm>>) target(%arg7 : memref<32768xf32, #tpu.memory_space<vmem>>) target_semaphore(%arg13 : memref<!tpu.dma_semaphore, #tpu.memory_space<semaphore_mem>>)
      } else {
      }
    }
    %scan3A_18 = arith.constant 8 : i32
    %mul3A_19 = arith.constant 16 : i32
    %mul3A_20 = arith.muli %add3A, %mul3A_19 : i32
    %add3A_21 = arith.constant 14 : i32
    %add3A_22 = arith.addi %mul3A_20, %add3A_21 : i32
    %mul3A_23 = arith.constant 4096 : i32
    %mul3A_24 = arith.muli %add3A_22, %mul3A_23 : i32
    %add3A_25 = arith.constant 0 : i32
    %add3A_26 = arith.addi %add3A_25, %mul3A_24 : i32
    %mul3A_27 = arith.constant 4096 : i32
    %mul3A_28 = arith.muli %add3A_22, %mul3A_27 : i32
    %add3A_29 = arith.constant 2097152 : i32
    %add3A_30 = arith.addi %add3A_29, %mul3A_28 : i32
    %mul3A_31 = arith.constant 4096 : i32
    %mul3A_32 = arith.muli %add3A_22, %mul3A_31 : i32
    %add3A_33 = arith.constant 4194304 : i32
    %add3A_34 = arith.addi %add3A_33, %mul3A_32 : i32
    %dma_wait3A = arith.constant 0 : i32
    %dma_wait3A_35 = tpu.memref_slice %arg8[%dma_wait3A] : memref<12288xf32, #tpu.memory_space<vmem>> -> memref<4096xf32, #tpu.memory_space<vmem>>
    %dma_wait3A_36 = tpu.memref_slice %arg5[%add3A_26] : memref<6291456xf32, #tpu.memory_space<hbm>> -> memref<4096xf32, #tpu.memory_space<hbm>>
    %dma_wait3A_37 = tpu.memref_slice %arg5[%add3A_26] : memref<6291456xf32, #tpu.memory_space<hbm>> -> memref<4096xf32, #tpu.memory_space<hbm>>
    %dma_wait3A_38 = arith.constant 0 : i32
    %dma_wait3A_39 = tpu.memref_slice %arg8[%dma_wait3A_38] : memref<12288xf32, #tpu.memory_space<vmem>> -> memref<4096xf32, #tpu.memory_space<vmem>>
    tpu.wait_dma2 semaphore(%arg14 : memref<!tpu.dma_semaphore, #tpu.memory_space<semaphore_mem>>) src(%dma_wait3A_39 : memref<4096xf32, #tpu.memory_space<vmem>>) dst(%dma_wait3A_37 : memref<4096xf32, #tpu.memory_space<hbm>>)
    %dma_wait3A_40 = arith.constant 4096 : i32
    %dma_wait3A_41 = tpu.memref_slice %arg8[%dma_wait3A_40] : memref<12288xf32, #tpu.memory_space<vmem>> -> memref<4096xf32, #tpu.memory_space<vmem>>
    %dma_wait3A_42 = tpu.memref_slice %arg5[%add3A_30] : memref<6291456xf32, #tpu.memory_space<hbm>> -> memref<4096xf32, #tpu.memory_space<hbm>>
    %dma_wait3A_43 = tpu.memref_slice %arg5[%add3A_30] : memref<6291456xf32, #tpu.memory_space<hbm>> -> memref<4096xf32, #tpu.memory_space<hbm>>
    %dma_wait3A_44 = arith.constant 4096 : i32
    %dma_wait3A_45 = tpu.memref_slice %arg8[%dma_wait3A_44] : memref<12288xf32, #tpu.memory_space<vmem>> -> memref<4096xf32, #tpu.memory_space<vmem>>
    tpu.wait_dma2 semaphore(%arg14 : memref<!tpu.dma_semaphore, #tpu.memory_space<semaphore_mem>>) src(%dma_wait3A_45 : memref<4096xf32, #tpu.memory_space<vmem>>) dst(%dma_wait3A_43 : memref<4096xf32, #tpu.memory_space<hbm>>)
    %dma_wait3A_46 = arith.constant 8192 : i32
    %dma_wait3A_47 = tpu.memref_slice %arg8[%dma_wait3A_46] : memref<12288xf32, #tpu.memory_space<vmem>> -> memref<4096xf32, #tpu.memory_space<vmem>>
    %dma_wait3A_48 = tpu.memref_slice %arg5[%add3A_34] : memref<6291456xf32, #tpu.memory_space<hbm>> -> memref<4096xf32, #tpu.memory_space<hbm>>
    %dma_wait3A_49 = tpu.memref_slice %arg5[%add3A_34] : memref<6291456xf32, #tpu.memory_space<hbm>> -> memref<4096xf32, #tpu.memory_space<hbm>>
    %dma_wait3A_50 = arith.constant 8192 : i32
    %dma_wait3A_51 = tpu.memref_slice %arg8[%dma_wait3A_50] : memref<12288xf32, #tpu.memory_space<vmem>> -> memref<4096xf32, #tpu.memory_space<vmem>>
    tpu.wait_dma2 semaphore(%arg14 : memref<!tpu.dma_semaphore, #tpu.memory_space<semaphore_mem>>) src(%dma_wait3A_51 : memref<4096xf32, #tpu.memory_space<vmem>>) dst(%dma_wait3A_49 : memref<4096xf32, #tpu.memory_space<hbm>>)
    %mul3A_52 = arith.constant 16 : i32
    %mul3A_53 = arith.muli %add3A, %mul3A_52 : i32
    %add3A_54 = arith.constant 15 : i32
    %add3A_55 = arith.addi %mul3A_53, %add3A_54 : i32
    %mul3A_56 = arith.constant 4096 : i32
    %mul3A_57 = arith.muli %add3A_55, %mul3A_56 : i32
    %add3A_58 = arith.constant 0 : i32
    %add3A_59 = arith.addi %add3A_58, %mul3A_57 : i32
    %mul3A_60 = arith.constant 4096 : i32
    %mul3A_61 = arith.muli %add3A_55, %mul3A_60 : i32
    %add3A_62 = arith.constant 2097152 : i32
    %add3A_63 = arith.addi %add3A_62, %mul3A_61 : i32
    %mul3A_64 = arith.constant 4096 : i32
    %mul3A_65 = arith.muli %add3A_55, %mul3A_64 : i32
    %add3A_66 = arith.constant 4194304 : i32
    %add3A_67 = arith.addi %add3A_66, %mul3A_65 : i32
    %dma_wait3A_68 = arith.constant 0 : i32
    %dma_wait3A_69 = tpu.memref_slice %arg9[%dma_wait3A_68] : memref<12288xf32, #tpu.memory_space<vmem>> -> memref<4096xf32, #tpu.memory_space<vmem>>
    %dma_wait3A_70 = tpu.memref_slice %arg5[%add3A_59] : memref<6291456xf32, #tpu.memory_space<hbm>> -> memref<4096xf32, #tpu.memory_space<hbm>>
    %dma_wait3A_71 = tpu.memref_slice %arg5[%add3A_59] : memref<6291456xf32, #tpu.memory_space<hbm>> -> memref<4096xf32, #tpu.memory_space<hbm>>
    %dma_wait3A_72 = arith.constant 0 : i32
    %dma_wait3A_73 = tpu.memref_slice %arg9[%dma_wait3A_72] : memref<12288xf32, #tpu.memory_space<vmem>> -> memref<4096xf32, #tpu.memory_space<vmem>>
    tpu.wait_dma2 semaphore(%arg15 : memref<!tpu.dma_semaphore, #tpu.memory_space<semaphore_mem>>) src(%dma_wait3A_73 : memref<4096xf32, #tpu.memory_space<vmem>>) dst(%dma_wait3A_71 : memref<4096xf32, #tpu.memory_space<hbm>>)
    %dma_wait3A_74 = arith.constant 4096 : i32
    %dma_wait3A_75 = tpu.memref_slice %arg9[%dma_wait3A_74] : memref<12288xf32, #tpu.memory_space<vmem>> -> memref<4096xf32, #tpu.memory_space<vmem>>
    %dma_wait3A_76 = tpu.memref_slice %arg5[%add3A_63] : memref<6291456xf32, #tpu.memory_space<hbm>> -> memref<4096xf32, #tpu.memory_space<hbm>>
    %dma_wait3A_77 = tpu.memref_slice %arg5[%add3A_63] : memref<6291456xf32, #tpu.memory_space<hbm>> -> memref<4096xf32, #tpu.memory_space<hbm>>
    %dma_wait3A_78 = arith.constant 4096 : i32
    %dma_wait3A_79 = tpu.memref_slice %arg9[%dma_wait3A_78] : memref<12288xf32, #tpu.memory_space<vmem>> -> memref<4096xf32, #tpu.memory_space<vmem>>
    tpu.wait_dma2 semaphore(%arg15 : memref<!tpu.dma_semaphore, #tpu.memory_space<semaphore_mem>>) src(%dma_wait3A_79 : memref<4096xf32, #tpu.memory_space<vmem>>) dst(%dma_wait3A_77 : memref<4096xf32, #tpu.memory_space<hbm>>)
    %dma_wait3A_80 = arith.constant 8192 : i32
    %dma_wait3A_81 = tpu.memref_slice %arg9[%dma_wait3A_80] : memref<12288xf32, #tpu.memory_space<vmem>> -> memref<4096xf32, #tpu.memory_space<vmem>>
    %dma_wait3A_82 = tpu.memref_slice %arg5[%add3A_67] : memref<6291456xf32, #tpu.memory_space<hbm>> -> memref<4096xf32, #tpu.memory_space<hbm>>
    %dma_wait3A_83 = tpu.memref_slice %arg5[%add3A_67] : memref<6291456xf32, #tpu.memory_space<hbm>> -> memref<4096xf32, #tpu.memory_space<hbm>>
    %dma_wait3A_84 = arith.constant 8192 : i32
    %dma_wait3A_85 = tpu.memref_slice %arg9[%dma_wait3A_84] : memref<12288xf32, #tpu.memory_space<vmem>> -> memref<4096xf32, #tpu.memory_space<vmem>>
    tpu.wait_dma2 semaphore(%arg15 : memref<!tpu.dma_semaphore, #tpu.memory_space<semaphore_mem>>) src(%dma_wait3A_85 : memref<4096xf32, #tpu.memory_space<vmem>>) dst(%dma_wait3A_83 : memref<4096xf32, #tpu.memory_space<hbm>>)
    return
  }
}

</mosaic_0001>

<sc_bundles>
// kernel: kernel.3.cloned.1.call-start
scs
__scs_entry_jumppad:
0x0: {  	(pc) =	sbr.rel $0x88, $3  }
0x1: {  	(tag) =	ssettag $0x0;
	lr =	simm.s32 $0x1  }
0x2: {  	[smem:$0x3F9E] =	sst lr;
	_ =	strace $0xD0000000  }
0x3: {  	_ = 	snop  }
0x4: {  	_ = 	snop  }
0x5: {  	_ = 	snop  }
0x6: {  	_ = 	snop  }
0x7: {  	_ = 	snop  }
__scs_overlays_trampoline_lowered:
0x8: {  	[smem:$0x3FAD] =	sst s0  }
0x9: {  	[smem:$0x3FAE] =	sst s1  }
0xa: {  	[smem:$0x3FAF] =	sst s2  }
0xb: {  	[smem:$0x3FB0] =	sst s3  }
0xc: {  	[smem:$0x3FB1] =	sst s4  }
0xd: {  	[smem:$0x3FB2] =	sst s5  }
0xe: {  	[smem:$0x3FB3] =	sst s6  }
0xf: {  	[smem:$0x3FB4] =	sst s7  }
0x10: {  	[smem:$0x3FB5] =	sst s8  }
0x11: {  	[smem:$0x3FB6] =	sst s9;
	s0 =	simm.s32 @!p0 $0x0  }
0x12: {  	s1 =	sld [smem:$0x3F9C];
	s0 =	simm.s32 @p0 $0x1  }
0x13: {  	[smem:$0x3FB7] =	sst s0;
	s0 =	simm.s32 @!p1 $0x0  }
0x14: {  	s2 =	sld [smem:$0x3F9B];
	s0 =	simm.s32 @p1 $0x1  }
0x15: {  	[smem:$0x3FB8] =	sst s0;
	s0 =	simm.s32 @!p2 $0x0  }
0x16: {  	s3 =	sld [smem:$0x3FDB];
	s0 =	simm.s32 @p2 $0x1  }
0x17: {  	s4 =	simm.s32 $0x1BF5;
	[smem:$0x3FBA] =	sst s0  }
0x18: {  	s0 =	sld [smem:$0x3F9D];
	_ =	swait.ge [sflag:s4], $0x0  }
0x19: {  	s7 =	sld [smem:$0x3F9E]  }
0x1a: {  	s8 =	sadd.s32 $0xFFFFE003, lr  }
0x1b: {  	s9 =	sadd.s32 $0xFFFFFEF7, lr;
	s5 =	simm.s32 $0xFFFFFFFF;
	p2 =	slt.u32 s8, $0xFFFFF086  }
0x1c: {  	p1 =	slt.u32 s9, $0xF7A;
	s5 =	simm.s32 @!p2 $0x0  }
0x1d: {  	s5 =	simm.s32 @p1 $0x1;
	p0 =	seq.s32 s7, s2  }
0x1e: {  	s7 =	smul.u32 @!p0 $0xF7A, s2;
	p2 =	seq.s32 @!p0 s5, $0x0  }
0x1f: {  	s9 =	smul.u32 $0xF7A, s1;
	s8 =	simm.s32 @!p0 $0x1BF5;
	p2 =	por !p2, p0  }
0x20: {  	[sflag:s8] =	ssyncset.s32 @!p0 $0xFFFFF086;
	s6 =	sadd.s32 @!p0 s3, s7;
	s7 =	simm.s32 @!p0 $0x108  }
0x21: {  	s3 =	sadd.s32 s3, s9;
	s6 =	sadd.s32 @!p0 $0x88, s6;
	s7 =	simm.s32 @p2 $0x1082  }
0x22: {  	[simem:s7], [sflag:s8] =	dma.local @!p0 [hbm:s6], $0xF7A  }
0x23: {  	s9 =	sor.u32 $0xD0000000, s2;
	s6 =	simm.s32 $0x108;
	_ =	swait.ge @!p0 [sflag:s8], $0x0  }
0x24: {  	s3 =	sadd.s32 $0x88, s3;
	s6 =	simm.s32 @!p1 $0x1082;
	[sflag:s4] =	ssyncset.s32 $0xFFFFF086  }
0x25: {  	[simem:s6], [sflag:s4] =	dma.local [hbm:s3], $0xF7A  }
0x26: {  	[smem:$0x3F9E] =	sst s1;
	(tag) =	ssettag s2;
	_ =	strace s9  }
0x27: {  	s1 =	sld [smem:$0x3FAE]  }
0x28: {  	s2 =	sld [smem:$0x3FAF]  }
0x29: {  	s4 =	sld [smem:$0x3FB1]  }
0x2a: {  	p0 =	seq.s32 s5, $0x0;
	s5 =	sld [smem:$0x3FB2]  }
0x2b: {  	s6 =	sld [smem:$0x3FB3]  }
0x2c: {  	s7 =	sld [smem:$0x3FB4]  }
0x2d: {  	s3 =	simm.s32 $0x108;
	s8 =	sld [smem:$0x3FB5]  }
0x2e: {  	s3 =	simm.s32 @!p0 $0x1082;
	s9 =	sld [smem:$0x3FB6]  }
0x2f: {  	lr =	sadd.s32 s0, s3;
	s0 =	sld [smem:$0x3FAD]  }
0x30: {  	s3 =	sld [smem:$0x3FB0]  }
0x31: {  	[smem:$0x3FB9] =	sst s10  }
0x32: {  	s10 =	sld [smem:$0x3FB7];
	_ =	sdelay $0x3  }
0x33: {  	p0 =	seq.s32 s10, $0x1;
	s10 =	sld [smem:$0x3FB9];
	_ =	sdelay $0x3  }
0x34: {  	[smem:$0x3FB9] =	sst s10  }
0x35: {  	s10 =	sld [smem:$0x3FB8];
	_ =	sdelay $0x3  }
0x36: {  	p1 =	seq.s32 s10, $0x1;
	s10 =	sld [smem:$0x3FB9];
	_ =	sdelay $0x3  }
0x37: {  	[smem:$0x3FB9] =	sst s10  }
0x38: {  	s10 =	sld [smem:$0x3FBA]  }
0x39: {  	_ = 	snop;
	(pc) =	sbr.ind lr, $3  }
0x3a: {  	_ = 	snop  }
0x3b: {  	_ = 	snop  }
0x3c: {  	p2 =	seq.s32 s10, $0x1;
	s10 =	sld [smem:$0x3FB9]  }
0x3d: {  	_ =	shalt  }
0x3e: {  	_ =	shalt  }
0x3f: {  	_ =	shalt  }
0x40: {  	_ =	shalt  }
0x41: {  	_ =	shalt  }
0x42: {  	_ =	shalt  }
0x43: {  	_ =	shalt  }
0x44: {  	_ =	shalt  }
0x45: {  	_ =	shalt  }
0x46: {  	_ =	shalt  }
0x47: {  	_ =	shalt  }
0x48: {  	_ =	shalt  }
0x49: {  	_ =	shalt  }
0x4a: {  	_ =	shalt  }
0x4b: {  	_ =	shalt  }
0x4c: {  	_ =	shalt  }
0x4d: {  	_ =	shalt  }
0x4e: {  	_ =	shalt  }
0x4f: {  	_ =	shalt  }
0x50: {  	_ =	shalt  }
0x51: {  	_ =	shalt  }
0x52: {  	_ =	shalt  }
0x53: {  	_ =	shalt  }
0x54: {  	_ =	shalt  }
0x55: {  	_ =	shalt  }
0x56: {  	_ =	shalt  }
0x57: {  	_ =	shalt  }
0x58: {  	_ =	shalt  }
0x59: {  	_ =	shalt  }
0x5a: {  	_ =	shalt  }
0x5b: {  	_ =	shalt  }
0x5c: {  	_ =	shalt  }
0x5d: {  	_ =	shalt  }
0x5e: {  	_ =	shalt  }
0x5f: {  	_ =	shalt  }
0x60: {  	_ =	shalt  }
0x61: {  	_ =	shalt  }
0x62: {  	_ =	shalt  }
0x63: {  	_ =	shalt  }
0x64: {  	_ =	shalt  }
0x65: {  	_ =	shalt  }
0x66: {  	_ =	shalt  }
0x67: {  	_ =	shalt  }
0x68: {  	_ =	shalt  }
0x69: {  	_ =	shalt  }
0x6a: {  	_ =	shalt  }
0x6b: {  	_ =	shalt  }
0x6c: {  	_ =	shalt  }
0x6d: {  	_ =	shalt  }
0x6e: {  	_ =	shalt  }
0x6f: {  	_ =	shalt  }
0x70: {  	_ =	shalt  }
0x71: {  	_ =	shalt  }
0x72: {  	_ =	shalt  }
0x73: {  	_ =	shalt  }
0x74: {  	_ =	shalt  }
0x75: {  	_ =	shalt  }
0x76: {  	_ =	shalt  }
0x77: {  	_ =	shalt  }
0x78: {  	_ =	shalt  }
0x79: {  	_ =	shalt  }
0x7a: {  	_ =	shalt  }
0x7b: {  	_ =	shalt  }
0x7c: {  	_ =	shalt  }
0x7d: {  	_ =	shalt  }
0x7e: {  	_ =	shalt  }
0x7f: {  	_ =	shalt  }
0x80: {  	_ =	shalt  }
0x81: {  	_ =	shalt  }
0x82: {  	_ =	shalt  }
0x83: {  	_ =	shalt  }
0x84: {  	_ =	shalt  }
0x85: {  	_ =	shalt  }
0x86: {  	_ =	shalt  }
0x87: {  	_ =	shalt  }
.Lfunc_end0:
.L_simem_size_0:
called_computation_lowered:
.L_overlay_start_0:
0x88: {  	s2 =	sld [smem:$0x3FD9]  }
0x89: {  	s3 =	sld [smem:$0x3FFE];
	_ =	sdelay $0x1  }
0x8a: {  	s1 =	srdreg.scid  }
0x8b: {  	s0 =	sand.u32 $0x1, s1  }
0x8c: {  	s17 =	sshll.u32 s0, $0xA;
	s2 =	sadd.s32 s3, s2  }
0x8d: {  	s2 =	sadd.s32 s2, s17  }
0x8e: {  	[smem:$0x3FC5] =	sst s2  }
0x8f: {  	_ = 	snop  }
0x90: {  	s2 =	sld [smem:$0x3FC9]  }
0x91: {  	s18 =	sld [smem:$0x3FC7]  }
0x92: {  	s4 =	sld [smem:$0x3FD0];
	(tm) =	ssettm $0x1  }
0x93: {  	s5 =	sld [smem:$0x3FFB];
	_ =	sdelay $0x3  }
0x94: {  	_ =	strace s5  }
0x95: {  	s5 =	sld [smem:$0x3FFC];
	_ =	sdelay $0x3  }
0x96: {  	_ =	strace s5  }
0x97: {  	s5 =	sld [smem:$0x3FFD];
	_ =	sdelay $0x3  }
0x98: {  	_ =	strace s5  }
0x99: {  	_ =	strace $0x8FFFFFFF  }
0x9a: {  	s19 =	sld [smem:$0x3FDB];
	_ =	sdelay $0x1  }
0x9b: {  	s6 =	simm.s32 $_scs_section_size  }
0x9c: {  	s7 =	simm.s32 $_size__tile_overlayer_lowered;
	s8 =	simm.s32 $_tile_overlayer_lowered  }
0x9d: {  	s22 =	simm.s32 $0x1BFF;
	s21 =	sshll.u32 s8, $0x1;
	s5 =	sadd.s32 s6, s19  }
0x9e: {  	s9 =	simm.s32 $0x0;
	s20 =	sshll.u32 s7, $0x1;
	s7 =	sadd.s32 s21, s5  }
0x9f: {  	[timem:s9], [sflag:s22] =	dma.local [hbm:s7], s20  }
0xa0: {  	_ =	swait.ge [sflag:s22], s20  }
0xa1: {  	s6 =	ssub.s32 $0x0, s20;
	[sflag:s22] =	ssyncset.done $0x0  }
0xa2: {  	[sflag:s22] =	ssyncadd.s32 s6;
	_ =	sdelay $0x1  }
0xa3: {  	s23 =	simm.s32 $0x1B8B  }
0xa4: {  	_ =	swait.ge [sflag:s23], $0x1  }
0xa5: {  	[sflag:s23] =	ssyncset.done $0x0  }
0xa6: {  	s25 =	simm.s32 $0x1B8E;
	s24 =	sld [smem:$0x3FFE];
	[sflag:s23] =	ssyncadd.s32 $0xFFFFFFFF  }
0xa7: {  	s26 =	simm.s32 $execute0_lowered;
	[smem:$0x3FD2] =	sst s25  }
0xa8: {  	s7 =	sshll.u32 s26, $0x1;
	_ =	strace $0x80000046;
	[dreg:$0x1] =	wrdreg $0xFFFFFFFF  }
0xa9: {  	s28 =	simm.s32 $_size_execute0_lowered;
	s5 =	sadd.s32 s5, s7;
	[dreg:$0x0] =	wrdreg $0x0  }
0xaa: {  	s7 =	sshll.u32 s28, $0x1;
	[dreg:$0x2] =	wrdreg s5  }
0xab: {  	[dreg:$0x3] =	wrdreg s7  }
0xac: {  	[dreg:$0x4] =	wrdreg $0xC0  }
0xad: {  	_ =	task [dreg:s9], $0x5FFFF  }
0xae: {  	[dreg:$0x1] =	wrdreg $0xFFFFFFFF  }
0xaf: {  	[dreg:$0x0] =	wrdreg $0x60  }
0xb0: {  	[dreg:$0x2] =	wrdreg s2  }
0xb1: {  	[dreg:$0x3] =	wrdreg s24  }
0xb2: {  	[dreg:$0x4] =	wrdreg s18  }
0xb3: {  	[dreg:$0x5] =	wrdreg s4  }
0xb4: {  	[dreg:$0x6] =	wrdreg $0x9  }
0xb5: {  	_ =	task.clear_ibuf [dreg:s9], $0x7FFFF;
	_ =	strace $0x90000046  }
0xb6: {  	s29 =	simm.s32 $0x9;
	_ =	strace $0x80000048  }
0xb7: {  	_ =	swait.ge [sflag:s29], $0x1  }
0xb8: {  	[sflag:s29] =	ssyncadd.s32 $0xFFFFFFFF  }
0xb9: {  	_ =	strace $0x90000048  }
0xba: {  	_ =	sfence  }
0xbb: {  	s30 =	sld [smem:$0x0];
	_ =	sdelay $0x2  }
0xbc: {  	s31 =	sshll.u32 s1, $0xD;
	s1 =	sshrl.u32 s1, $0x2  }
0xbd: {  	s3 =	sand.u32 $0x4000, s31;
	s1 =	sadd.s32 s1, s30  }
0xbe: {  	s0 =	sor.u32 s3, s0;
	s1 =	sshll.u32 s1, $0x11  }
0xbf: {  	s0 =	sor.u32 s1, s0  }
0xc0: {  	s0 =	sadd.s32 $0x8F2B, s0  }
0xc1: {  	[sflag:s0] =	ssyncadd.remote.s32 $0x1  }
0xc2: {  	_ =	sfence.sel $0xFFFF  }
0xc3: {  	[dreg:$0x0] =	wrdreg $0xFFFFFFFF;
	(pc) =	sbr.abs _section_cstart, $3  }
0xc4: {  	[dreg:$0x1] =	wrdreg $0xFFFFFFFF  }
0xc5: {  	_ =	task.clear_ibuf [dreg:s9], $0x2FFFF;
	_ =	strace $0x9FFFFFFF  }
0xc6: {  	(tm) =	ssettm $0x7FFFFFFF  }
0xc7: {  	_ =	shalt  }
tec
execute0_lowered:
.L_overlay_start_1:
0x0: {  	(tag) =	ssettag $0x1  }
0x1: {  	s0 =	rddreg [dreg:$0x0]  }
0x2: {  	s1 =	rddreg [dreg:$0x1]  }
0x3: {  	s3 =	rddreg [dreg:$0x3]  }
0x4: {  	s2 =	srdreg.scid;
	s5 =	stileid.u32;
	s4 =	simm.s32 $0x0  }
0x5: {  	s16 =	simm.s32 $0x8000;
	s17 =	simm.s32 $0x1;
	s18 =	simm.s32 $0x1000  }
0x6: {  	s19 =	simm.s32 $0x2000;
	s20 =	simm.s32 $0x3000;
	s21 =	simm.s32 $0x4000  }
0x7: {  	s22 =	simm.s32 $0x5000;
	s23 =	simm.s32 $0x6000;
	s29 =	simm.s32 $0x2  }
0x8: {  	s30 =	simm.s32 $0x4;
	s31 =	simm.s32 $0x9000;
	s13 =	simm.s32 $0xD000  }
0x9: {  	s15 =	simm.s32 $0xE000;
	s7 =	simm.s32 $0x0;
	s2 =	sand.u32 $0x1, s2  }
0xa: {  	s5 =	sshll.u32 s5, $0x1;
	[smem:$0x7FF] =	sst s4;
	s1 =	sadd.s32 $0x400, s1  }
0xb: {  	s9 =	sadd.s32 $0x80000, s3;
	s5 =	sor.u32 s2, s5;
	_ =	strace $0x80000047  }
0xc: {  	s2 =	ssub.s32 $0x2, s2;
	[dreg:$0x5] =	wrdreg s1;
	s1 =	simm.s32 $0xB000  }
0xd: {  	s6 =	sshll.u32 s5, $0x10;
	s24 =	sshrl.u32 s2, $0x1;
	s8 =	sshll.u32 s5, $0xD  }
.Ltmp0:
0xe: {  	s5 =	simm.s32 $0xF000;
	s6 =	sadd.s32 s0, s6;
	(pc) =	sbr.rel .LBB2_1-.Ltmp0, $4  }
0xf: {  	s25 =	ssub.s32 s2, s24;
	s26 =	sadd.s32 $0x1000, s6;
	[dreg:$0x6] =	wrdreg s6  }
0x10: {  	s24 =	simm.s32 $0x7000;
	s0 =	smax.u32 s25, $0x1;
	[dreg:$0x7] =	wrdreg s26  }
0x11: {  	s2 =	simm.s32 $0xC000;
	s28 =	sadd.s32 $0x2000, s6;
	[dreg:$0x8] =	wrdreg s0  }
0x12: {  	s12 =	sadd.s32 $0x3000, s6;
	[dreg:$0x9] =	wrdreg s28;
	s0 =	simm.s32 $0xA000  }
.LBB2_12:
0x13: {  	s6 =	simm.s32 $0x3  }
0x14: {  	_ =	swait.ge [sflag:s6], $0x1000  }
0x15: {  	[sflag:s6] =	ssyncset.done $0x0  }
0x16: {  	[sflag:s6] =	ssyncadd.s32 $0xFFFFF000  }
0x17: {  	_ =	swait.ge [sflag:s6], $0x1000  }
0x18: {  	[sflag:s6] =	ssyncset.done $0x0  }
0x19: {  	[sflag:s6] =	ssyncadd.s32 $0xFFFFF000  }
0x1a: {  	_ =	swait.ge [sflag:s6], $0x1000  }
0x1b: {  	[sflag:s6] =	ssyncset.done $0x0  }
0x1c: {  	[sflag:s6] =	ssyncadd.s32 $0xFFFFF000  }
0x1d: {  	_ =	swait.ge [sflag:s30], $0x1000  }
0x1e: {  	[sflag:s30] =	ssyncset.done $0x0  }
0x1f: {  	[sflag:s30] =	ssyncadd.s32 $0xFFFFF000  }
0x20: {  	_ =	swait.ge [sflag:s30], $0x1000  }
0x21: {  	[sflag:s30] =	ssyncset.done $0x0  }
0x22: {  	[sflag:s30] =	ssyncadd.s32 $0xFFFFF000  }
0x23: {  	_ =	swait.ge [sflag:s30], $0x1000  }
0x24: {  	s7 =	rddreg [dreg:$0xa]  }
0x25: {  	s28 =	rddreg [dreg:$0x8];
	s7 =	sadd.s32 $0x1, s7  }
0x26: {  	p0 =	sne.s32 s7, s28  }
.Ltmp1:
0x27: {  	_ = 	snop;
	(pc) =	sbr.rel @!p0 .LBB2_13-.Ltmp1, $3  }
0x28: {  	_ =	sdelay $0x1  }
0x29: {  	[sflag:s30] =	ssyncset.done $0x0  }
0x2a: {  	[sflag:s30] =	ssyncadd.s32 $0xFFFFF000  }
.LBB2_1:
0x2b: {  	[dreg:$0xa] =	wrdreg s7  }
0x2c: {  	s6 =	rddreg [dreg:$0x5];
	s11 =	simm.s32 $0x16000;
	s14 =	simm.s32 $0x5  }
0x2d: {  	[tilespmem:s11], [sflag:$0x5] =	stream.linear.gather [hbm4b:s6+s4], $0x800, $0x38;
	[tilespmem:$0x16A00] =	vst v63  }
0x2e: {  	_ =	swait.ge [sflag:s14], $0x800  }
0x2f: {  	[sflag:s14] =	ssyncset.done $0x0  }
0x30: {  	[sflag:s14] =	ssyncadd.s32 $0xFFFFF800  }
0x31: {  	s10 =	simm.s32 $0x16800;
	s25 =	rddreg [dreg:$0x2]  }
0x32: {  	[tilespmem:s10], [sflag:$0x5] =	stream.linear.gather [hbm4b:s25+s4], $0x200, $0x38;
	[tilespmem:$0x16A00] =	vst v63  }
0x33: {  	_ =	swait.ge [sflag:s14], $0x200  }
0x34: {  	[sflag:s14] =	ssyncset.done $0x0  }
0x35: {  	s26 =	rddreg [dreg:$0x6];
	[sflag:s14] =	ssyncadd.s32 $0xFFFFFE00  }
0x36: {  	[tilespmem:s4], [sflag:$0x1] =	stream.linear.gather [hbm4b:s26+s4], $0x8000, $0x38;
	[tilespmem:$0x16A00] =	vst v63  }
0x37: {  	s28 =	rddreg [dreg:$0x7];
	s14 =	simm.s32 $0x0  }
0x38: {  	[tilespmem:s16], [sflag:$0x2] =	stream.linear.gather [hbm4b:s28+s4], $0x8000, $0x38;
	[tilespmem:$0x16A00] =	vst v63  }
.LBB2_2:
0x39: {  	_ =	swait.ge [sflag:s17], $0x8000  }
0x3a: {  	p0 =	seq.s32 s14, $0x0;
	[sflag:s17] =	ssyncset.done $0x0  }
0x3b: {  	s7 =	simm.s32 @!p0 $0x3;
	[sflag:s17] =	ssyncadd.s32 $0xFFFF8000  }
0x3c: {  	_ =	swait.ge @!p0 [sflag:s7], $0x1000  }
0x3d: {  	[sflag:s7] =	ssyncset.done @!p0 $0x0  }
0x3e: {  	[sflag:s7] =	ssyncadd.s32 @!p0 $0xFFFFF000  }
0x3f: {  	_ =	swait.ge @!p0 [sflag:s7], $0x1000  }
0x40: {  	[sflag:s7] =	ssyncset.done @!p0 $0x0  }
0x41: {  	[sflag:s7] =	ssyncadd.s32 @!p0 $0xFFFFF000  }
0x42: {  	s11 =	sshll.u32 s14, $0xA;
	_ =	swait.ge @!p0 [sflag:s7], $0x1000  }
0x43: {  	s25 =	simm.s32 $0x0;
	s26 =	simm.s32 $0x16800;
	[sflag:s7] =	ssyncset.done @!p0 $0x0  }
0x44: {  	s28 =	simm.s32 $0x16000;
	[sflag:s7] =	ssyncadd.s32 @!p0 $0xFFFFF000;
	s7 =	simm.s32 $0x0  }
.LBB2_3:
0x45: {  	v1 =	vld [tilespmem:s26+$0x0];
	_ =	sdelay $0x4  }
0x46: {  	v0 =	vadd.s32 $0xFFFFFFFD, v1  }
0x47: {  	v2 =	vadd.s32 $0xFFFFFFFE, v1;
	v6 =	vadd.s32 $0xFFFFFFFF, v1;
	v3 =	vshll.u32 v0, $0x2  }
0x48: {  	v4 =	vshll.u32 v2, $0x2;
	v0 =	vand.u32 $0x7F, v0;
	v3 =	vand.u32 $0xFFFFFE00, v3  }
0x49: {  	v2 =	vand.u32 $0x7F, v2;
	v4 =	vand.u32 $0xFFFFFE00, v4;
	v5 =	vor.u32 v0, v3  }
0x4a: {  	v42 =	vshll.u32 v6, $0x2;
	v4 =	vor.u32 v2, v4;
	v7 =	vor.u32 $0x180, v5  }
0x4b: {  	v43 =	vand.u32 $0x7F, v6;
	v0 =	vand.u32 $0xFFFFFE00, v42;
	v9 =	vor.u32 $0x180, v4  }
0x4c: {  	s10 =	sand.u32 $0x1F0, s7;
	v44 =	vshll.u32 v1, $0x2;
	v6 =	vor.u32 v43, v0  }
0x4d: {  	v1 =	vand.u32 $0x7F, v1;
	v45 =	vand.u32 $0xFFFFFE00, v44;
	v3 =	vld [tilespmem:s10+$0x16200];
	v12 =	vor.u32 $0x180, v6  }
0x4e: {  	v8 =	vor.u32 v1, v45;
	v0 =	vld [tilespmem:s28+$0x0]  }
0x4f: {  	v17 =	vor.u32 $0x180, v8;
	v13 =	vld.idx.msk [tilespmem:v7+s4+$0x0], $0xffff  }
0x50: {  	v14 =	vld.idx.msk [tilespmem:v9+s4+$0x0], $0xffff  }
0x51: {  	v2 =	vld [tilespmem:s10+$0x16400]  }
0x52: {  	v15 =	vld.idx.msk [tilespmem:v12+s4+$0x0], $0xffff  }
0x53: {  	v1 =	vld [tilespmem:s10+$0x16600]  }
0x54: {  	v10 =	vor.u32 $0x80, v5;
	v16 =	vld.idx.msk [tilespmem:v17+s4+$0x0], $0xffff  }
0x55: {  	v11 =	vor.u32 $0x80, v4;
	v24 =	vld.idx.msk [tilespmem:v8+s4+$0x0], $0xffff;
	v18 =	vmul.f32 v13, v0;
	v19 =	vmul.f32 v14, v3  }
0x56: {  	v20 =	vld.idx.msk [tilespmem:v5+s4+$0x0], $0xffff;
	v13 =	vor.u32 $0x100, v5  }
0x57: {  	v21 =	vld.idx.msk [tilespmem:v4+s4+$0x0], $0xffff;
	v14 =	vor.u32 $0x100, v4;
	v23 =	vmul.f32 v15, v2;
	v19 =	vadd.f32 v19, v18  }
0x58: {  	v22 =	vld.idx.msk [tilespmem:v6+s4+$0x0], $0xffff;
	v18 =	vor.u32 $0x80, v6  }
0x59: {  	v25 =	vld.idx.msk [tilespmem:v10+s4+$0x0], $0xffff;
	v26 =	vmul.f32 v16, v1;
	v15 =	vor.u32 $0x100, v6;
	v23 =	vadd.f32 v23, v19  }
0x5a: {  	v27 =	vld.idx.msk [tilespmem:v11+s4+$0x0], $0xffff;
	v19 =	vor.u32 $0x80, v8  }
0x5b: {  	v16 =	vor.u32 $0x100, v8;
	v28 =	vld.idx.msk [tilespmem:v13+s4+$0x0], $0xffff;
	v23 =	vadd.f32 v26, v23  }
0x5c: {  	v46 =	vld.idx.msk [tilespmem:v14+s4+$0x0], $0xffff  }
0x5d: {  	v29 =	vld.idx.msk [tilespmem:v18+s4+$0x0], $0xffff;
	(erf) = vrcp.f32 v23  }
0x5e: {  	v20 =	vmul.f32 v20, v0;
	v47 =	vld.idx.msk [tilespmem:v15+s4+$0x0], $0xffff  }
0x5f: {  	v21 =	vmul.f32 v21, v3;
	v22 =	vmul.f32 v22, v2;
	v30 =	vld.idx.msk [tilespmem:v19+s4+$0x0], $0xffff  }
0x60: {  	v48 =	vmul.f32 v25, v0;
	v49 =	vmul.f32 v27, v3;
	v50 =	vld.idx.msk [tilespmem:v16+s4+$0x0], $0xffff  }
0x61: {  	v20 =	vadd.f32 v21, v20;
	v28 =	vmul.f32 v28, v0;
	v26 =	vmul.f32 v46, v3  }
0x62: {  	v24 =	vmul.f32 v24, v1;
	v21 =	vadd.f32 v49, v48;
	v51 =	vmul.f32 v29, v2  }
0x63: {  	v20 =	vadd.f32 v22, v20;
	v23 =	vmul.f32 v47, v2;
	v52 =	vadd.f32 v26, v28  }
0x64: {  	v21 =	vadd.f32 v51, v21;
	v53 =	vmul.f32 v30, v1  }
0x65: {  	v20 =	vadd.f32 v24, v20;
	v54 =	vmul.f32 v50, v1;
	v23 =	vadd.f32 v23, v52  }
0x66: {  	v21 =	vadd.f32 v53, v21;
	v55 =	vpop (erf)  }
0x67: {  	s6 =	sand.u32 $0xC00, s25;
	s10 =	sand.u32 $0x70, s7;
	v23 =	vadd.f32 v54, v23;
	v20 =	vmul.f32 v55, v20  }
0x68: {  	s10 =	sor.u32 s10, s6;
	v21 =	vmul.f32 v55, v21  }
0x69: {  	v56 =	vmul.f32 v55, v23;
	[tilespmem:s10+$0x10000] =	vst v20  }
0x6a: {  	[tilespmem:s10+$0x11000] =	vst v21  }
0x6b: {  	[tilespmem:s10+$0x12000] =	vst v56  }
0x6c: {  	v20 =	vld.idx.msk [tilespmem:v7+s18+$0x0], $0xffff  }
0x6d: {  	v21 =	vld.idx.msk [tilespmem:v9+s18+$0x0], $0xffff;
	_ =	sdelay $0x1  }
0x6e: {  	v57 =	vld.idx.msk [tilespmem:v12+s18+$0x0], $0xffff;
	_ =	sdelay $0x1  }
0x6f: {  	v58 =	vld.idx.msk [tilespmem:v17+s18+$0x0], $0xffff  }
0x70: {  	v59 =	vld.idx.msk [tilespmem:v5+s18+$0x0], $0xffff;
	v20 =	vmul.f32 v20, v0;
	v21 =	vmul.f32 v21, v3  }
0x71: {  	v60 =	vld.idx.msk [tilespmem:v4+s18+$0x0], $0xffff  }
0x72: {  	v61 =	vld.idx.msk [tilespmem:v6+s18+$0x0], $0xffff;
	v62 =	vmul.f32 v57, v2;
	v20 =	vadd.f32 v21, v20  }
0x73: {  	v63 =	vld.idx.msk [tilespmem:v8+s18+$0x0], $0xffff  }
0x74: {  	v33 =	vld.idx.msk [tilespmem:v10+s18+$0x0], $0xffff;
	v34 =	vmul.f32 v58, v1;
	v20 =	vadd.f32 v62, v20  }
0x75: {  	v35 =	vld.idx.msk [tilespmem:v11+s18+$0x0], $0xffff  }
0x76: {  	v36 =	vld.idx.msk [tilespmem:v13+s18+$0x0], $0xffff;
	v20 =	vadd.f32 v34, v20  }
0x77: {  	v37 =	vld.idx.msk [tilespmem:v14+s18+$0x0], $0xffff  }
0x78: {  	v38 =	vld.idx.msk [tilespmem:v18+s18+$0x0], $0xffff;
	(erf) = vrcp.f32 v20  }
0x79: {  	v41 =	vld.idx.msk [tilespmem:v15+s18+$0x0], $0xffff;
	v39 =	vmul.f32 v59, v0  }
0x7a: {  	v42 =	vld.idx.msk [tilespmem:v19+s18+$0x0], $0xffff;
	v40 =	vmul.f32 v60, v3;
	v26 =	vmul.f32 v61, v2  }
0x7b: {  	v44 =	vld.idx.msk [tilespmem:v16+s18+$0x0], $0xffff;
	v43 =	vmul.f32 v33, v0;
	v23 =	vmul.f32 v35, v3  }
0x7c: {  	v28 =	vmul.f32 v36, v0;
	v21 =	vmul.f32 v37, v3;
	v20 =	vadd.f32 v40, v39  }
0x7d: {  	v45 =	vmul.f32 v38, v2;
	v22 =	vmul.f32 v63, v1;
	v23 =	vadd.f32 v23, v43  }
0x7e: {  	v25 =	vmul.f32 v41, v2;
	v21 =	vadd.f32 v21, v28;
	v20 =	vadd.f32 v26, v20  }
0x7f: {  	v46 =	vmul.f32 v42, v1;
	v23 =	vadd.f32 v45, v23  }
0x80: {  	v47 =	vmul.f32 v44, v1;
	v21 =	vadd.f32 v25, v21;
	v20 =	vadd.f32 v22, v20  }
0x81: {  	v23 =	vadd.f32 v46, v23;
	v48 =	vpop (erf)  }
0x82: {  	v21 =	vadd.f32 v47, v21;
	v20 =	vmul.f32 v48, v20  }
0x83: {  	v49 =	vmul.f32 v48, v23  }
0x84: {  	v50 =	vmul.f32 v48, v21;
	[tilespmem:s10+$0x10080] =	vst v20  }
0x85: {  	[tilespmem:s10+$0x11080] =	vst v49  }
0x86: {  	[tilespmem:s10+$0x12080] =	vst v50  }
0x87: {  	v20 =	vld.idx.msk [tilespmem:v7+s19+$0x0], $0xffff  }
0x88: {  	v51 =	vld.idx.msk [tilespmem:v9+s19+$0x0], $0xffff;
	_ =	sdelay $0x1  }
0x89: {  	v22 =	vld.idx.msk [tilespmem:v12+s19+$0x0], $0xffff;
	_ =	sdelay $0x1  }
0x8a: {  	v52 =	vld.idx.msk [tilespmem:v17+s19+$0x0], $0xffff  }
0x8b: {  	v53 =	vld.idx.msk [tilespmem:v5+s19+$0x0], $0xffff;
	v20 =	vmul.f32 v20, v0;
	v21 =	vmul.f32 v51, v3  }
0x8c: {  	v54 =	vld.idx.msk [tilespmem:v4+s19+$0x0], $0xffff  }
0x8d: {  	v55 =	vld.idx.msk [tilespmem:v6+s19+$0x0], $0xffff;
	v56 =	vmul.f32 v22, v2;
	v20 =	vadd.f32 v21, v20  }
0x8e: {  	v57 =	vld.idx.msk [tilespmem:v8+s19+$0x0], $0xffff  }
0x8f: {  	v58 =	vld.idx.msk [tilespmem:v10+s19+$0x0], $0xffff;
	v59 =	vmul.f32 v52, v1;
	v20 =	vadd.f32 v56, v20  }
0x90: {  	v60 =	vld.idx.msk [tilespmem:v11+s19+$0x0], $0xffff  }
0x91: {  	v61 =	vld.idx.msk [tilespmem:v13+s19+$0x0], $0xffff;
	v20 =	vadd.f32 v59, v20  }
0x92: {  	v62 =	vld.idx.msk [tilespmem:v14+s19+$0x0], $0xffff  }
0x93: {  	v63 =	vld.idx.msk [tilespmem:v18+s19+$0x0], $0xffff;
	(erf) = vrcp.f32 v20  }
0x94: {  	v35 =	vld.idx.msk [tilespmem:v15+s19+$0x0], $0xffff;
	v33 =	vmul.f32 v53, v0  }
0x95: {  	v36 =	vld.idx.msk [tilespmem:v19+s19+$0x0], $0xffff;
	v34 =	vmul.f32 v54, v3;
	v26 =	vmul.f32 v55, v2  }
0x96: {  	v38 =	vld.idx.msk [tilespmem:v16+s19+$0x0], $0xffff;
	v37 =	vmul.f32 v58, v0;
	v23 =	vmul.f32 v60, v3  }
0x97: {  	v28 =	vmul.f32 v61, v0;
	v21 =	vmul.f32 v62, v3;
	v20 =	vadd.f32 v34, v33  }
0x98: {  	v39 =	vmul.f32 v63, v2;
	v22 =	vmul.f32 v57, v1;
	v23 =	vadd.f32 v23, v37  }
0x99: {  	v25 =	vmul.f32 v35, v2;
	v21 =	vadd.f32 v21, v28;
	v20 =	vadd.f32 v26, v20  }
0x9a: {  	v40 =	vmul.f32 v36, v1;
	v23 =	vadd.f32 v39, v23  }
0x9b: {  	v41 =	vmul.f32 v38, v1;
	v21 =	vadd.f32 v25, v21;
	v20 =	vadd.f32 v22, v20  }
0x9c: {  	v23 =	vadd.f32 v40, v23;
	v42 =	vpop (erf)  }
0x9d: {  	v21 =	vadd.f32 v41, v21;
	v20 =	vmul.f32 v42, v20  }
0x9e: {  	v43 =	vmul.f32 v42, v23  }
0x9f: {  	v44 =	vmul.f32 v42, v21;
	[tilespmem:s10+$0x10100] =	vst v20  }
0xa0: {  	[tilespmem:s10+$0x11100] =	vst v43  }
0xa1: {  	[tilespmem:s10+$0x12100] =	vst v44  }
0xa2: {  	v20 =	vld.idx.msk [tilespmem:v7+s20+$0x0], $0xffff  }
0xa3: {  	v45 =	vld.idx.msk [tilespmem:v9+s20+$0x0], $0xffff;
	_ =	sdelay $0x1  }
0xa4: {  	v22 =	vld.idx.msk [tilespmem:v12+s20+$0x0], $0xffff;
	_ =	sdelay $0x1  }
0xa5: {  	v46 =	vld.idx.msk [tilespmem:v17+s20+$0x0], $0xffff  }
0xa6: {  	v47 =	vld.idx.msk [tilespmem:v5+s20+$0x0], $0xffff;
	v20 =	vmul.f32 v20, v0;
	v21 =	vmul.f32 v45, v3  }
0xa7: {  	v48 =	vld.idx.msk [tilespmem:v4+s20+$0x0], $0xffff  }
0xa8: {  	v49 =	vld.idx.msk [tilespmem:v6+s20+$0x0], $0xffff;
	v50 =	vmul.f32 v22, v2;
	v20 =	vadd.f32 v21, v20  }
0xa9: {  	v51 =	vld.idx.msk [tilespmem:v8+s20+$0x0], $0xffff  }
0xaa: {  	v52 =	vld.idx.msk [tilespmem:v10+s20+$0x0], $0xffff;
	v53 =	vmul.f32 v46, v1;
	v20 =	vadd.f32 v50, v20  }
0xab: {  	v54 =	vld.idx.msk [tilespmem:v11+s20+$0x0], $0xffff  }
0xac: {  	v55 =	vld.idx.msk [tilespmem:v13+s20+$0x0], $0xffff;
	v20 =	vadd.f32 v53, v20  }
0xad: {  	v56 =	vld.idx.msk [tilespmem:v14+s20+$0x0], $0xffff  }
0xae: {  	v57 =	vld.idx.msk [tilespmem:v18+s20+$0x0], $0xffff;
	(erf) = vrcp.f32 v20  }
0xaf: {  	v60 =	vld.idx.msk [tilespmem:v15+s20+$0x0], $0xffff;
	v58 =	vmul.f32 v47, v0  }
0xb0: {  	v61 =	vld.idx.msk [tilespmem:v19+s20+$0x0], $0xffff;
	v59 =	vmul.f32 v48, v3;
	v26 =	vmul.f32 v49, v2  }
0xb1: {  	v63 =	vld.idx.msk [tilespmem:v16+s20+$0x0], $0xffff;
	v62 =	vmul.f32 v52, v0;
	v23 =	vmul.f32 v54, v3  }
0xb2: {  	v28 =	vmul.f32 v55, v0;
	v21 =	vmul.f32 v56, v3;
	v20 =	vadd.f32 v59, v58  }
0xb3: {  	v29 =	vmul.f32 v57, v2;
	v22 =	vmul.f32 v51, v1;
	v23 =	vadd.f32 v23, v62  }
0xb4: {  	v25 =	vmul.f32 v60, v2;
	v21 =	vadd.f32 v21, v28;
	v20 =	vadd.f32 v26, v20  }
0xb5: {  	v31 =	vmul.f32 v61, v1;
	v23 =	vadd.f32 v29, v23  }
0xb6: {  	v32 =	vmul.f32 v63, v1;
	v21 =	vadd.f32 v25, v21;
	v20 =	vadd.f32 v22, v20  }
0xb7: {  	v23 =	vadd.f32 v31, v23;
	v33 =	vpop (erf)  }
0xb8: {  	v21 =	vadd.f32 v32, v21;
	v20 =	vmul.f32 v33, v20  }
0xb9: {  	v34 =	vmul.f32 v33, v23  }
0xba: {  	v35 =	vmul.f32 v33, v21;
	[tilespmem:s10+$0x10180] =	vst v20  }
0xbb: {  	[tilespmem:s10+$0x11180] =	vst v34  }
0xbc: {  	[tilespmem:s10+$0x12180] =	vst v35  }
0xbd: {  	v20 =	vld.idx.msk [tilespmem:v7+s21+$0x0], $0xffff  }
0xbe: {  	v36 =	vld.idx.msk [tilespmem:v9+s21+$0x0], $0xffff;
	_ =	sdelay $0x1  }
0xbf: {  	v22 =	vld.idx.msk [tilespmem:v12+s21+$0x0], $0xffff;
	_ =	sdelay $0x1  }
0xc0: {  	v37 =	vld.idx.msk [tilespmem:v17+s21+$0x0], $0xffff  }
0xc1: {  	v38 =	vld.idx.msk [tilespmem:v5+s21+$0x0], $0xffff;
	v20 =	vmul.f32 v20, v0;
	v21 =	vmul.f32 v36, v3  }
0xc2: {  	v39 =	vld.idx.msk [tilespmem:v4+s21+$0x0], $0xffff  }
0xc3: {  	v40 =	vld.idx.msk [tilespmem:v6+s21+$0x0], $0xffff;
	v41 =	vmul.f32 v22, v2;
	v20 =	vadd.f32 v21, v20  }
0xc4: {  	v42 =	vld.idx.msk [tilespmem:v8+s21+$0x0], $0xffff  }
0xc5: {  	v43 =	vld.idx.msk [tilespmem:v10+s21+$0x0], $0xffff;
	v44 =	vmul.f32 v37, v1;
	v20 =	vadd.f32 v41, v20  }
0xc6: {  	v45 =	vld.idx.msk [tilespmem:v11+s21+$0x0], $0xffff  }
0xc7: {  	v46 =	vld.idx.msk [tilespmem:v13+s21+$0x0], $0xffff;
	v20 =	vadd.f32 v44, v20  }
0xc8: {  	v47 =	vld.idx.msk [tilespmem:v14+s21+$0x0], $0xffff  }
0xc9: {  	v48 =	vld.idx.msk [tilespmem:v18+s21+$0x0], $0xffff;
	(erf) = vrcp.f32 v20  }
0xca: {  	v51 =	vld.idx.msk [tilespmem:v15+s21+$0x0], $0xffff;
	v49 =	vmul.f32 v38, v0  }
0xcb: {  	v52 =	vld.idx.msk [tilespmem:v19+s21+$0x0], $0xffff;
	v50 =	vmul.f32 v39, v3;
	v26 =	vmul.f32 v40, v2  }
0xcc: {  	v54 =	vld.idx.msk [tilespmem:v16+s21+$0x0], $0xffff;
	v53 =	vmul.f32 v43, v0;
	v23 =	vmul.f32 v45, v3  }
0xcd: {  	v28 =	vmul.f32 v46, v0;
	v21 =	vmul.f32 v47, v3;
	v20 =	vadd.f32 v50, v49  }
0xce: {  	v55 =	vmul.f32 v48, v2;
	v22 =	vmul.f32 v42, v1;
	v23 =	vadd.f32 v23, v53  }
0xcf: {  	v25 =	vmul.f32 v51, v2;
	v21 =	vadd.f32 v21, v28;
	v20 =	vadd.f32 v26, v20  }
0xd0: {  	v56 =	vmul.f32 v52, v1;
	v23 =	vadd.f32 v55, v23  }
0xd1: {  	v57 =	vmul.f32 v54, v1;
	v21 =	vadd.f32 v25, v21;
	v20 =	vadd.f32 v22, v20  }
0xd2: {  	v23 =	vadd.f32 v56, v23;
	v58 =	vpop (erf)  }
0xd3: {  	v21 =	vadd.f32 v57, v21;
	v20 =	vmul.f32 v58, v20  }
0xd4: {  	v59 =	vmul.f32 v58, v23  }
0xd5: {  	v60 =	vmul.f32 v58, v21;
	[tilespmem:s10+$0x10200] =	vst v20  }
0xd6: {  	[tilespmem:s10+$0x11200] =	vst v59  }
0xd7: {  	[tilespmem:s10+$0x12200] =	vst v60  }
0xd8: {  	v20 =	vld.idx.msk [tilespmem:v7+s22+$0x0], $0xffff  }
0xd9: {  	v61 =	vld.idx.msk [tilespmem:v9+s22+$0x0], $0xffff;
	_ =	sdelay $0x1  }
0xda: {  	v22 =	vld.idx.msk [tilespmem:v12+s22+$0x0], $0xffff;
	_ =	sdelay $0x1  }
0xdb: {  	v62 =	vld.idx.msk [tilespmem:v17+s22+$0x0], $0xffff  }
0xdc: {  	v63 =	vld.idx.msk [tilespmem:v5+s22+$0x0], $0xffff;
	v20 =	vmul.f32 v20, v0;
	v21 =	vmul.f32 v61, v3  }
0xdd: {  	v32 =	vld.idx.msk [tilespmem:v4+s22+$0x0], $0xffff  }
0xde: {  	v33 =	vld.idx.msk [tilespmem:v6+s22+$0x0], $0xffff;
	v34 =	vmul.f32 v22, v2;
	v20 =	vadd.f32 v21, v20  }
0xdf: {  	v35 =	vld.idx.msk [tilespmem:v8+s22+$0x0], $0xffff  }
0xe0: {  	v36 =	vld.idx.msk [tilespmem:v10+s22+$0x0], $0xffff;
	v37 =	vmul.f32 v62, v1;
	v20 =	vadd.f32 v34, v20  }
0xe1: {  	v38 =	vld.idx.msk [tilespmem:v11+s22+$0x0], $0xffff  }
0xe2: {  	v39 =	vld.idx.msk [tilespmem:v13+s22+$0x0], $0xffff;
	v20 =	vadd.f32 v37, v20  }
0xe3: {  	v40 =	vld.idx.msk [tilespmem:v14+s22+$0x0], $0xffff  }
0xe4: {  	v41 =	vld.idx.msk [tilespmem:v18+s22+$0x0], $0xffff;
	(erf) = vrcp.f32 v20  }
0xe5: {  	v44 =	vld.idx.msk [tilespmem:v15+s22+$0x0], $0xffff;
	v42 =	vmul.f32 v63, v0  }
0xe6: {  	v45 =	vld.idx.msk [tilespmem:v19+s22+$0x0], $0xffff;
	v43 =	vmul.f32 v32, v3;
	v26 =	vmul.f32 v33, v2  }
0xe7: {  	v47 =	vld.idx.msk [tilespmem:v16+s22+$0x0], $0xffff;
	v46 =	vmul.f32 v36, v0;
	v23 =	vmul.f32 v38, v3  }
0xe8: {  	v28 =	vmul.f32 v39, v0;
	v21 =	vmul.f32 v40, v3;
	v20 =	vadd.f32 v43, v42  }
0xe9: {  	v48 =	vmul.f32 v41, v2;
	v22 =	vmul.f32 v35, v1;
	v23 =	vadd.f32 v23, v46  }
0xea: {  	v25 =	vmul.f32 v44, v2;
	v21 =	vadd.f32 v21, v28;
	v20 =	vadd.f32 v26, v20  }
0xeb: {  	v49 =	vmul.f32 v45, v1;
	v23 =	vadd.f32 v48, v23  }
0xec: {  	v50 =	vmul.f32 v47, v1;
	v21 =	vadd.f32 v25, v21;
	v20 =	vadd.f32 v22, v20  }
0xed: {  	v23 =	vadd.f32 v49, v23;
	v51 =	vpop (erf)  }
0xee: {  	v21 =	vadd.f32 v50, v21;
	v20 =	vmul.f32 v51, v20  }
0xef: {  	v52 =	vmul.f32 v51, v23  }
0xf0: {  	v53 =	vmul.f32 v51, v21;
	[tilespmem:s10+$0x10280] =	vst v20  }
0xf1: {  	[tilespmem:s10+$0x11280] =	vst v52  }
0xf2: {  	[tilespmem:s10+$0x12280] =	vst v53  }
0xf3: {  	v20 =	vld.idx.msk [tilespmem:v7+s23+$0x0], $0xffff  }
0xf4: {  	v54 =	vld.idx.msk [tilespmem:v9+s23+$0x0], $0xffff;
	_ =	sdelay $0x1  }
0xf5: {  	v22 =	vld.idx.msk [tilespmem:v12+s23+$0x0], $0xffff;
	_ =	sdelay $0x1  }
0xf6: {  	v55 =	vld.idx.msk [tilespmem:v17+s23+$0x0], $0xffff  }
0xf7: {  	v56 =	vld.idx.msk [tilespmem:v5+s23+$0x0], $0xffff;
	v20 =	vmul.f32 v20, v0;
	v21 =	vmul.f32 v54, v3  }
0xf8: {  	v57 =	vld.idx.msk [tilespmem:v4+s23+$0x0], $0xffff  }
0xf9: {  	v58 =	vld.idx.msk [tilespmem:v6+s23+$0x0], $0xffff;
	v59 =	vmul.f32 v22, v2;
	v20 =	vadd.f32 v21, v20  }
0xfa: {  	v60 =	vld.idx.msk [tilespmem:v8+s23+$0x0], $0xffff  }
0xfb: {  	v61 =	vld.idx.msk [tilespmem:v10+s23+$0x0], $0xffff;
	v62 =	vmul.f32 v55, v1;
	v20 =	vadd.f32 v59, v20  }
0xfc: {  	v63 =	vld.idx.msk [tilespmem:v11+s23+$0x0], $0xffff  }
0xfd: {  	v33 =	vld.idx.msk [tilespmem:v13+s23+$0x0], $0xffff;
	v20 =	vadd.f32 v62, v20  }
0xfe: {  	v34 =	vld.idx.msk [tilespmem:v14+s23+$0x0], $0xffff  }
0xff: {  	v35 =	vld.idx.msk [tilespmem:v18+s23+$0x0], $0xffff;
	(erf) = vrcp.f32 v20  }
0x100: {  	v38 =	vld.idx.msk [tilespmem:v15+s23+$0x0], $0xffff;
	v36 =	vmul.f32 v56, v0  }
0x101: {  	v39 =	vld.idx.msk [tilespmem:v19+s23+$0x0], $0xffff;
	v37 =	vmul.f32 v57, v3;
	v26 =	vmul.f32 v58, v2  }
0x102: {  	v41 =	vld.idx.msk [tilespmem:v16+s23+$0x0], $0xffff;
	v40 =	vmul.f32 v61, v0;
	v23 =	vmul.f32 v63, v3  }
0x103: {  	v28 =	vmul.f32 v33, v0;
	v21 =	vmul.f32 v34, v3;
	v20 =	vadd.f32 v37, v36  }
0x104: {  	v42 =	vmul.f32 v35, v2;
	v22 =	vmul.f32 v60, v1;
	v23 =	vadd.f32 v23, v40  }
0x105: {  	v25 =	vmul.f32 v38, v2;
	v21 =	vadd.f32 v21, v28;
	v20 =	vadd.f32 v26, v20  }
0x106: {  	v43 =	vmul.f32 v39, v1;
	v23 =	vadd.f32 v42, v23  }
0x107: {  	v44 =	vmul.f32 v41, v1;
	v21 =	vadd.f32 v25, v21;
	v20 =	vadd.f32 v22, v20  }
0x108: {  	v23 =	vadd.f32 v43, v23;
	v45 =	vpop (erf)  }
0x109: {  	v21 =	vadd.f32 v44, v21;
	v20 =	vmul.f32 v45, v20  }
0x10a: {  	v46 =	vmul.f32 v45, v23  }
0x10b: {  	v47 =	vmul.f32 v45, v21;
	[tilespmem:s10+$0x10300] =	vst v20  }
0x10c: {  	[tilespmem:s10+$0x11300] =	vst v46  }
0x10d: {  	[tilespmem:s10+$0x12300] =	vst v47  }
0x10e: {  	v7 =	vld.idx.msk [tilespmem:v7+s24+$0x0], $0xffff  }
0x10f: {  	v9 =	vld.idx.msk [tilespmem:v9+s24+$0x0], $0xffff;
	_ =	sdelay $0x1  }
0x110: {  	v12 =	vld.idx.msk [tilespmem:v12+s24+$0x0], $0xffff;
	_ =	sdelay $0x1  }
0x111: {  	v17 =	vld.idx.msk [tilespmem:v17+s24+$0x0], $0xffff  }
0x112: {  	v5 =	vld.idx.msk [tilespmem:v5+s24+$0x0], $0xffff;
	v7 =	vmul.f32 v7, v0;
	v9 =	vmul.f32 v9, v3  }
0x113: {  	v4 =	vld.idx.msk [tilespmem:v4+s24+$0x0], $0xffff  }
0x114: {  	v6 =	vld.idx.msk [tilespmem:v6+s24+$0x0], $0xffff;
	v48 =	vmul.f32 v12, v2;
	v7 =	vadd.f32 v9, v7  }
0x115: {  	v8 =	vld.idx.msk [tilespmem:v8+s24+$0x0], $0xffff  }
0x116: {  	v10 =	vld.idx.msk [tilespmem:v10+s24+$0x0], $0xffff;
	v49 =	vmul.f32 v17, v1;
	v7 =	vadd.f32 v48, v7  }
0x117: {  	v11 =	vld.idx.msk [tilespmem:v11+s24+$0x0], $0xffff  }
0x118: {  	v50 =	vld.idx.msk [tilespmem:v13+s24+$0x0], $0xffff;
	v7 =	vadd.f32 v49, v7  }
0x119: {  	v51 =	vld.idx.msk [tilespmem:v14+s24+$0x0], $0xffff  }
0x11a: {  	v52 =	vld.idx.msk [tilespmem:v18+s24+$0x0], $0xffff;
	(erf) = vrcp.f32 v7  }
0x11b: {  	v53 =	vld.idx.msk [tilespmem:v15+s24+$0x0], $0xffff;
	v5 =	vmul.f32 v5, v0  }
0x11c: {  	v54 =	vld.idx.msk [tilespmem:v19+s24+$0x0], $0xffff;
	v4 =	vmul.f32 v4, v3;
	v6 =	vmul.f32 v6, v2  }
0x11d: {  	v57 =	vld.idx.msk [tilespmem:v16+s24+$0x0], $0xffff;
	v55 =	vmul.f32 v10, v0;
	v56 =	vmul.f32 v11, v3  }
0x11e: {  	v0 =	vmul.f32 v50, v0;
	v3 =	vmul.f32 v51, v3;
	v4 =	vadd.f32 v4, v5  }
0x11f: {  	v58 =	vmul.f32 v52, v2;
	v8 =	vmul.f32 v8, v1;
	v5 =	vadd.f32 v56, v55  }
0x120: {  	v2 =	vmul.f32 v53, v2;
	v0 =	vadd.f32 v3, v0;
	v4 =	vadd.f32 v6, v4  }
0x121: {  	v60 =	vmul.f32 v54, v1;
	v59 =	vadd.f32 v58, v5  }
0x122: {  	v1 =	vmul.f32 v57, v1;
	v0 =	vadd.f32 v2, v0;
	v4 =	vadd.f32 v8, v4  }
0x123: {  	p1 =	sne.s32 s7, $0x1F0;
	v61 =	vadd.f32 v60, v59;
	v62 =	vpop (erf)  }
.Ltmp2:
0x124: {  	s6 =	sor.u32 s25, s7;
	v0 =	vadd.f32 v1, v0;
	v63 =	vmul.f32 v62, v4;
	(pc) =	sbr.rel @p1 .LBB2_3-.Ltmp2, $4  }
0x125: {  	s6 =	sor.u32 $0x380, s6;
	v2 =	vmul.f32 v62, v61  }
0x126: {  	v0 =	vmul.f32 v62, v0;
	[tilespmem:s6+$0x10000] =	vst v63  }
0x127: {  	s26 =	sadd.s32 $0x10, s26;
	[tilespmem:s10+$0x11380] =	vst v2  }
0x128: {  	s25 =	sadd.s32 $0x80, s25;
	s28 =	sadd.s32 $0x10, s28;
	s7 =	sadd.s32 $0x10, s7;
	[tilespmem:s10+$0x12380] =	vst v0  }
0x129: {  	s11 =	sor.u32 s8, s11  }
0x12a: {  	s7 =	simm.s32 $0x10000;
	p1 =	sne.s32 s14, $0x7;
	s6 =	sadd.s32 s3, s11  }
0x12b: {  	[hbm4b:s6+s4] =	stream.linear.scatter [tilespmem:s7], [sflag:$0x3], $0x1000, $0x38;
	[tilespmem:$0x16A00] =	vst v63  }
.Ltmp3:
0x12c: {  	s10 =	sor.u32 $0x40000, s11;
	(pc) =	sbr.rel @p1 .LBB2_6-.Ltmp3, $4  }
0x12d: {  	s25 =	simm.s32 $0x11000;
	s6 =	sadd.s32 s3, s10  }
0x12e: {  	[hbm4b:s6+s4] =	stream.linear.scatter [tilespmem:s25], [sflag:$0x3], $0x1000, $0x38;
	[tilespmem:$0x16A00] =	vst v63  }
0x12f: {  	s28 =	simm.s32 $0x12000;
	s26 =	sadd.s32 s11, s9  }
0x130: {  	[hbm4b:s26+s4] =	stream.linear.scatter [tilespmem:s28], [sflag:$0x3], $0x1000, $0x38;
	[tilespmem:$0x16A00] =	vst v63  }
.Ltmp4:
0x131: {  	(pc) =	sbr.rel .LBB2_7-.Ltmp4, $4  }
0x132: {  	_ = 	snop  }
0x133: {  	_ =	swait.ge [sflag:s29], $0x8000  }
0x134: {  	[sflag:s29] =	ssyncset.done $0x0  }
0x135: {  	[sflag:s29] =	ssyncadd.s32 $0xFFFF8000  }
.LBB2_6:
0x136: {  	s6 =	sshll.u32 s14, $0xD;
	s7 =	rddreg [dreg:$0x9]  }
.Ltmp5:
0x137: {  	s6 =	sadd.s32 s7, s6;
	(pc) =	sbr.rel @p0 .LBB2_8-.Ltmp5, $4  }
0x138: {  	[tilespmem:s4], [sflag:$0x1] =	stream.linear.gather [hbm4b:s6+s4], $0x8000, $0x38;
	[tilespmem:$0x16A00] =	vst v63  }
0x139: {  	_ =	swait.ge [sflag:s29], $0x8000  }
0x13a: {  	[sflag:s29] =	ssyncset.done $0x0  }
0x13b: {  	[sflag:s29] =	ssyncadd.s32 $0xFFFF8000  }
.LBB2_7:
0x13c: {  	_ =	swait.ge [sflag:s30], $0x1000  }
0x13d: {  	[sflag:s30] =	ssyncset.done $0x0  }
0x13e: {  	[sflag:s30] =	ssyncadd.s32 $0xFFFFF000  }
0x13f: {  	_ =	swait.ge [sflag:s30], $0x1000  }
0x140: {  	[sflag:s30] =	ssyncset.done $0x0  }
0x141: {  	[sflag:s30] =	ssyncadd.s32 $0xFFFFF000  }
0x142: {  	_ =	swait.ge [sflag:s30], $0x1000  }
0x143: {  	[sflag:s30] =	ssyncset.done $0x0  }
0x144: {  	[sflag:s30] =	ssyncadd.s32 $0xFFFFF000  }
.LBB2_8:
0x145: {  	s25 =	simm.s32 $0x0  }
0x146: {  	s26 =	simm.s32 $0x16800;
	s28 =	simm.s32 $0x16000;
	s7 =	simm.s32 $0x0  }
.LBB2_9:
0x147: {  	v1 =	vld [tilespmem:s26+$0x0];
	_ =	sdelay $0x4  }
0x148: {  	v0 =	vadd.s32 $0xFFFFFFFD, v1  }
0x149: {  	v2 =	vadd.s32 $0xFFFFFFFE, v1;
	v6 =	vadd.s32 $0xFFFFFFFF, v1;
	v3 =	vshll.u32 v0, $0x2  }
0x14a: {  	v4 =	vshll.u32 v2, $0x2;
	v0 =	vand.u32 $0x7F, v0;
	v3 =	vand.u32 $0xFFFFFE00, v3  }
0x14b: {  	v2 =	vand.u32 $0x7F, v2;
	v4 =	vand.u32 $0xFFFFFE00, v4;
	v5 =	vor.u32 v0, v3  }
0x14c: {  	v42 =	vshll.u32 v6, $0x2;
	v4 =	vor.u32 v2, v4;
	v7 =	vor.u32 $0x180, v5  }
0x14d: {  	v43 =	vand.u32 $0x7F, v6;
	v0 =	vand.u32 $0xFFFFFE00, v42;
	v9 =	vor.u32 $0x180, v4  }
0x14e: {  	s6 =	sand.u32 $0x1F0, s7;
	v44 =	vshll.u32 v1, $0x2;
	v6 =	vor.u32 v43, v0  }
0x14f: {  	v1 =	vand.u32 $0x7F, v1;
	v45 =	vand.u32 $0xFFFFFE00, v44;
	v3 =	vld [tilespmem:s6+$0x16200];
	v12 =	vor.u32 $0x180, v6  }
0x150: {  	v8 =	vor.u32 v1, v45;
	v0 =	vld [tilespmem:s28+$0x0]  }
0x151: {  	v17 =	vor.u32 $0x180, v8;
	v13 =	vld.idx.msk [tilespmem:v7+s16+$0x0], $0xffff  }
0x152: {  	v14 =	vld.idx.msk [tilespmem:v9+s16+$0x0], $0xffff  }
0x153: {  	v2 =	vld [tilespmem:s6+$0x16400]  }
0x154: {  	v15 =	vld.idx.msk [tilespmem:v12+s16+$0x0], $0xffff  }
0x155: {  	v1 =	vld [tilespmem:s6+$0x16600]  }
0x156: {  	v10 =	vor.u32 $0x80, v5;
	v16 =	vld.idx.msk [tilespmem:v17+s16+$0x0], $0xffff  }
0x157: {  	v11 =	vor.u32 $0x80, v4;
	v24 =	vld.idx.msk [tilespmem:v8+s16+$0x0], $0xffff;
	v18 =	vmul.f32 v13, v0;
	v19 =	vmul.f32 v14, v3  }
0x158: {  	v20 =	vld.idx.msk [tilespmem:v5+s16+$0x0], $0xffff;
	v13 =	vor.u32 $0x100, v5  }
0x159: {  	v21 =	vld.idx.msk [tilespmem:v4+s16+$0x0], $0xffff;
	v14 =	vor.u32 $0x100, v4;
	v23 =	vmul.f32 v15, v2;
	v19 =	vadd.f32 v19, v18  }
0x15a: {  	v22 =	vld.idx.msk [tilespmem:v6+s16+$0x0], $0xffff;
	v18 =	vor.u32 $0x80, v6  }
0x15b: {  	v25 =	vld.idx.msk [tilespmem:v10+s16+$0x0], $0xffff;
	v26 =	vmul.f32 v16, v1;
	v15 =	vor.u32 $0x100, v6;
	v23 =	vadd.f32 v23, v19  }
0x15c: {  	v27 =	vld.idx.msk [tilespmem:v11+s16+$0x0], $0xffff;
	v19 =	vor.u32 $0x80, v8  }
0x15d: {  	v16 =	vor.u32 $0x100, v8;
	v28 =	vld.idx.msk [tilespmem:v13+s16+$0x0], $0xffff;
	v23 =	vadd.f32 v26, v23  }
0x15e: {  	v46 =	vld.idx.msk [tilespmem:v14+s16+$0x0], $0xffff  }
0x15f: {  	v29 =	vld.idx.msk [tilespmem:v18+s16+$0x0], $0xffff;
	(erf) = vrcp.f32 v23  }
0x160: {  	v20 =	vmul.f32 v20, v0;
	v47 =	vld.idx.msk [tilespmem:v15+s16+$0x0], $0xffff  }
0x161: {  	v21 =	vmul.f32 v21, v3;
	v22 =	vmul.f32 v22, v2;
	v30 =	vld.idx.msk [tilespmem:v19+s16+$0x0], $0xffff  }
0x162: {  	v48 =	vmul.f32 v25, v0;
	v49 =	vmul.f32 v27, v3;
	v50 =	vld.idx.msk [tilespmem:v16+s16+$0x0], $0xffff  }
0x163: {  	v20 =	vadd.f32 v21, v20;
	v28 =	vmul.f32 v28, v0;
	v26 =	vmul.f32 v46, v3  }
0x164: {  	v24 =	vmul.f32 v24, v1;
	v21 =	vadd.f32 v49, v48;
	v51 =	vmul.f32 v29, v2  }
0x165: {  	v20 =	vadd.f32 v22, v20;
	v23 =	vmul.f32 v47, v2;
	v52 =	vadd.f32 v26, v28  }
0x166: {  	v21 =	vadd.f32 v51, v21;
	v53 =	vmul.f32 v30, v1  }
0x167: {  	v20 =	vadd.f32 v24, v20;
	v54 =	vmul.f32 v50, v1;
	v23 =	vadd.f32 v23, v52  }
0x168: {  	v21 =	vadd.f32 v53, v21;
	v55 =	vpop (erf)  }
0x169: {  	s10 =	sand.u32 $0xC00, s25;
	s6 =	sand.u32 $0x70, s7;
	v23 =	vadd.f32 v54, v23;
	v20 =	vmul.f32 v55, v20  }
0x16a: {  	s10 =	sor.u32 s6, s10;
	v21 =	vmul.f32 v55, v21  }
0x16b: {  	v56 =	vmul.f32 v55, v23;
	[tilespmem:s10+$0x13000] =	vst v20  }
0x16c: {  	[tilespmem:s10+$0x14000] =	vst v21  }
0x16d: {  	[tilespmem:s10+$0x15000] =	vst v56  }
0x16e: {  	v20 =	vld.idx.msk [tilespmem:v7+s31+$0x0], $0xffff  }
0x16f: {  	v21 =	vld.idx.msk [tilespmem:v9+s31+$0x0], $0xffff;
	_ =	sdelay $0x1  }
0x170: {  	v57 =	vld.idx.msk [tilespmem:v12+s31+$0x0], $0xffff;
	_ =	sdelay $0x1  }
0x171: {  	v58 =	vld.idx.msk [tilespmem:v17+s31+$0x0], $0xffff  }
0x172: {  	v59 =	vld.idx.msk [tilespmem:v5+s31+$0x0], $0xffff;
	v20 =	vmul.f32 v20, v0;
	v21 =	vmul.f32 v21, v3  }
0x173: {  	v60 =	vld.idx.msk [tilespmem:v4+s31+$0x0], $0xffff  }
0x174: {  	v61 =	vld.idx.msk [tilespmem:v6+s31+$0x0], $0xffff;
	v62 =	vmul.f32 v57, v2;
	v20 =	vadd.f32 v21, v20  }
0x175: {  	v63 =	vld.idx.msk [tilespmem:v8+s31+$0x0], $0xffff  }
0x176: {  	v33 =	vld.idx.msk [tilespmem:v10+s31+$0x0], $0xffff;
	v34 =	vmul.f32 v58, v1;
	v20 =	vadd.f32 v62, v20  }
0x177: {  	v35 =	vld.idx.msk [tilespmem:v11+s31+$0x0], $0xffff  }
0x178: {  	v36 =	vld.idx.msk [tilespmem:v13+s31+$0x0], $0xffff;
	v20 =	vadd.f32 v34, v20  }
0x179: {  	v37 =	vld.idx.msk [tilespmem:v14+s31+$0x0], $0xffff  }
0x17a: {  	v38 =	vld.idx.msk [tilespmem:v18+s31+$0x0], $0xffff;
	(erf) = vrcp.f32 v20  }
0x17b: {  	v41 =	vld.idx.msk [tilespmem:v15+s31+$0x0], $0xffff;
	v39 =	vmul.f32 v59, v0  }
0x17c: {  	v42 =	vld.idx.msk [tilespmem:v19+s31+$0x0], $0xffff;
	v40 =	vmul.f32 v60, v3;
	v26 =	vmul.f32 v61, v2  }
0x17d: {  	v44 =	vld.idx.msk [tilespmem:v16+s31+$0x0], $0xffff;
	v43 =	vmul.f32 v33, v0;
	v23 =	vmul.f32 v35, v3  }
0x17e: {  	v28 =	vmul.f32 v36, v0;
	v21 =	vmul.f32 v37, v3;
	v20 =	vadd.f32 v40, v39  }
0x17f: {  	v45 =	vmul.f32 v38, v2;
	v22 =	vmul.f32 v63, v1;
	v23 =	vadd.f32 v23, v43  }
0x180: {  	v25 =	vmul.f32 v41, v2;
	v21 =	vadd.f32 v21, v28;
	v20 =	vadd.f32 v26, v20  }
0x181: {  	v46 =	vmul.f32 v42, v1;
	v23 =	vadd.f32 v45, v23  }
0x182: {  	v47 =	vmul.f32 v44, v1;
	v21 =	vadd.f32 v25, v21;
	v20 =	vadd.f32 v22, v20  }
0x183: {  	v23 =	vadd.f32 v46, v23;
	v48 =	vpop (erf)  }
0x184: {  	v21 =	vadd.f32 v47, v21;
	v20 =	vmul.f32 v48, v20  }
0x185: {  	v49 =	vmul.f32 v48, v23  }
0x186: {  	v50 =	vmul.f32 v48, v21;
	[tilespmem:s10+$0x13080] =	vst v20  }
0x187: {  	[tilespmem:s10+$0x14080] =	vst v49  }
0x188: {  	[tilespmem:s10+$0x15080] =	vst v50  }
0x189: {  	v20 =	vld.idx.msk [tilespmem:v7+s0+$0x0], $0xffff  }
0x18a: {  	v51 =	vld.idx.msk [tilespmem:v9+s0+$0x0], $0xffff;
	_ =	sdelay $0x1  }
0x18b: {  	v22 =	vld.idx.msk [tilespmem:v12+s0+$0x0], $0xffff;
	_ =	sdelay $0x1  }
0x18c: {  	v52 =	vld.idx.msk [tilespmem:v17+s0+$0x0], $0xffff  }
0x18d: {  	v53 =	vld.idx.msk [tilespmem:v5+s0+$0x0], $0xffff;
	v20 =	vmul.f32 v20, v0;
	v21 =	vmul.f32 v51, v3  }
0x18e: {  	v54 =	vld.idx.msk [tilespmem:v4+s0+$0x0], $0xffff  }
0x18f: {  	v55 =	vld.idx.msk [tilespmem:v6+s0+$0x0], $0xffff;
	v56 =	vmul.f32 v22, v2;
	v20 =	vadd.f32 v21, v20  }
0x190: {  	v57 =	vld.idx.msk [tilespmem:v8+s0+$0x0], $0xffff  }
0x191: {  	v58 =	vld.idx.msk [tilespmem:v10+s0+$0x0], $0xffff;
	v59 =	vmul.f32 v52, v1;
	v20 =	vadd.f32 v56, v20  }
0x192: {  	v60 =	vld.idx.msk [tilespmem:v11+s0+$0x0], $0xffff  }
0x193: {  	v61 =	vld.idx.msk [tilespmem:v13+s0+$0x0], $0xffff;
	v20 =	vadd.f32 v59, v20  }
0x194: {  	v62 =	vld.idx.msk [tilespmem:v14+s0+$0x0], $0xffff  }
0x195: {  	v63 =	vld.idx.msk [tilespmem:v18+s0+$0x0], $0xffff;
	(erf) = vrcp.f32 v20  }
0x196: {  	v35 =	vld.idx.msk [tilespmem:v15+s0+$0x0], $0xffff;
	v33 =	vmul.f32 v53, v0  }
0x197: {  	v36 =	vld.idx.msk [tilespmem:v19+s0+$0x0], $0xffff;
	v34 =	vmul.f32 v54, v3;
	v26 =	vmul.f32 v55, v2  }
0x198: {  	v38 =	vld.idx.msk [tilespmem:v16+s0+$0x0], $0xffff;
	v37 =	vmul.f32 v58, v0;
	v23 =	vmul.f32 v60, v3  }
0x199: {  	v28 =	vmul.f32 v61, v0;
	v21 =	vmul.f32 v62, v3;
	v20 =	vadd.f32 v34, v33  }
0x19a: {  	v39 =	vmul.f32 v63, v2;
	v22 =	vmul.f32 v57, v1;
	v23 =	vadd.f32 v23, v37  }
0x19b: {  	v25 =	vmul.f32 v35, v2;
	v21 =	vadd.f32 v21, v28;
	v20 =	vadd.f32 v26, v20  }
0x19c: {  	v40 =	vmul.f32 v36, v1;
	v23 =	vadd.f32 v39, v23  }
0x19d: {  	v41 =	vmul.f32 v38, v1;
	v21 =	vadd.f32 v25, v21;
	v20 =	vadd.f32 v22, v20  }
0x19e: {  	v23 =	vadd.f32 v40, v23;
	v42 =	vpop (erf)  }
0x19f: {  	v21 =	vadd.f32 v41, v21;
	v20 =	vmul.f32 v42, v20  }
0x1a0: {  	v43 =	vmul.f32 v42, v23  }
0x1a1: {  	v44 =	vmul.f32 v42, v21;
	[tilespmem:s10+$0x13100] =	vst v20  }
0x1a2: {  	[tilespmem:s10+$0x14100] =	vst v43  }
0x1a3: {  	[tilespmem:s10+$0x15100] =	vst v44  }
0x1a4: {  	v20 =	vld.idx.msk [tilespmem:v7+s1+$0x0], $0xffff  }
0x1a5: {  	v45 =	vld.idx.msk [tilespmem:v9+s1+$0x0], $0xffff;
	_ =	sdelay $0x1  }
0x1a6: {  	v22 =	vld.idx.msk [tilespmem:v12+s1+$0x0], $0xffff;
	_ =	sdelay $0x1  }
0x1a7: {  	v46 =	vld.idx.msk [tilespmem:v17+s1+$0x0], $0xffff  }
0x1a8: {  	v47 =	vld.idx.msk [tilespmem:v5+s1+$0x0], $0xffff;
	v20 =	vmul.f32 v20, v0;
	v21 =	vmul.f32 v45, v3  }
0x1a9: {  	v48 =	vld.idx.msk [tilespmem:v4+s1+$0x0], $0xffff  }
0x1aa: {  	v49 =	vld.idx.msk [tilespmem:v6+s1+$0x0], $0xffff;
	v50 =	vmul.f32 v22, v2;
	v20 =	vadd.f32 v21, v20  }
0x1ab: {  	v51 =	vld.idx.msk [tilespmem:v8+s1+$0x0], $0xffff  }
0x1ac: {  	v52 =	vld.idx.msk [tilespmem:v10+s1+$0x0], $0xffff;
	v53 =	vmul.f32 v46, v1;
	v20 =	vadd.f32 v50, v20  }
0x1ad: {  	v54 =	vld.idx.msk [tilespmem:v11+s1+$0x0], $0xffff  }
0x1ae: {  	v55 =	vld.idx.msk [tilespmem:v13+s1+$0x0], $0xffff;
	v20 =	vadd.f32 v53, v20  }
0x1af: {  	v56 =	vld.idx.msk [tilespmem:v14+s1+$0x0], $0xffff  }
0x1b0: {  	v57 =	vld.idx.msk [tilespmem:v18+s1+$0x0], $0xffff;
	(erf) = vrcp.f32 v20  }
0x1b1: {  	v60 =	vld.idx.msk [tilespmem:v15+s1+$0x0], $0xffff;
	v58 =	vmul.f32 v47, v0  }
0x1b2: {  	v61 =	vld.idx.msk [tilespmem:v19+s1+$0x0], $0xffff;
	v59 =	vmul.f32 v48, v3;
	v26 =	vmul.f32 v49, v2  }
0x1b3: {  	v63 =	vld.idx.msk [tilespmem:v16+s1+$0x0], $0xffff;
	v62 =	vmul.f32 v52, v0;
	v23 =	vmul.f32 v54, v3  }
0x1b4: {  	v28 =	vmul.f32 v55, v0;
	v21 =	vmul.f32 v56, v3;
	v20 =	vadd.f32 v59, v58  }
0x1b5: {  	v29 =	vmul.f32 v57, v2;
	v22 =	vmul.f32 v51, v1;
	v23 =	vadd.f32 v23, v62  }
0x1b6: {  	v25 =	vmul.f32 v60, v2;
	v21 =	vadd.f32 v21, v28;
	v20 =	vadd.f32 v26, v20  }
0x1b7: {  	v31 =	vmul.f32 v61, v1;
	v23 =	vadd.f32 v29, v23  }
0x1b8: {  	v32 =	vmul.f32 v63, v1;
	v21 =	vadd.f32 v25, v21;
	v20 =	vadd.f32 v22, v20  }
0x1b9: {  	v23 =	vadd.f32 v31, v23;
	v33 =	vpop (erf)  }
0x1ba: {  	v21 =	vadd.f32 v32, v21;
	v20 =	vmul.f32 v33, v20  }
0x1bb: {  	v34 =	vmul.f32 v33, v23  }
0x1bc: {  	v35 =	vmul.f32 v33, v21;
	[tilespmem:s10+$0x13180] =	vst v20  }
0x1bd: {  	[tilespmem:s10+$0x14180] =	vst v34  }
0x1be: {  	[tilespmem:s10+$0x15180] =	vst v35  }
0x1bf: {  	v20 =	vld.idx.msk [tilespmem:v7+s2+$0x0], $0xffff  }
0x1c0: {  	v36 =	vld.idx.msk [tilespmem:v9+s2+$0x0], $0xffff;
	_ =	sdelay $0x1  }
0x1c1: {  	v22 =	vld.idx.msk [tilespmem:v12+s2+$0x0], $0xffff;
	_ =	sdelay $0x1  }
0x1c2: {  	v37 =	vld.idx.msk [tilespmem:v17+s2+$0x0], $0xffff  }
0x1c3: {  	v38 =	vld.idx.msk [tilespmem:v5+s2+$0x0], $0xffff;
	v20 =	vmul.f32 v20, v0;
	v21 =	vmul.f32 v36, v3  }
0x1c4: {  	v39 =	vld.idx.msk [tilespmem:v4+s2+$0x0], $0xffff  }
0x1c5: {  	v40 =	vld.idx.msk [tilespmem:v6+s2+$0x0], $0xffff;
	v41 =	vmul.f32 v22, v2;
	v20 =	vadd.f32 v21, v20  }
0x1c6: {  	v42 =	vld.idx.msk [tilespmem:v8+s2+$0x0], $0xffff  }
0x1c7: {  	v43 =	vld.idx.msk [tilespmem:v10+s2+$0x0], $0xffff;
	v44 =	vmul.f32 v37, v1;
	v20 =	vadd.f32 v41, v20  }
0x1c8: {  	v45 =	vld.idx.msk [tilespmem:v11+s2+$0x0], $0xffff  }
0x1c9: {  	v46 =	vld.idx.msk [tilespmem:v13+s2+$0x0], $0xffff;
	v20 =	vadd.f32 v44, v20  }
0x1ca: {  	v47 =	vld.idx.msk [tilespmem:v14+s2+$0x0], $0xffff  }
0x1cb: {  	v48 =	vld.idx.msk [tilespmem:v18+s2+$0x0], $0xffff;
	(erf) = vrcp.f32 v20  }
0x1cc: {  	v51 =	vld.idx.msk [tilespmem:v15+s2+$0x0], $0xffff;
	v49 =	vmul.f32 v38, v0  }
0x1cd: {  	v52 =	vld.idx.msk [tilespmem:v19+s2+$0x0], $0xffff;
	v50 =	vmul.f32 v39, v3;
	v26 =	vmul.f32 v40, v2  }
0x1ce: {  	v54 =	vld.idx.msk [tilespmem:v16+s2+$0x0], $0xffff;
	v53 =	vmul.f32 v43, v0;
	v23 =	vmul.f32 v45, v3  }
0x1cf: {  	v28 =	vmul.f32 v46, v0;
	v21 =	vmul.f32 v47, v3;
	v20 =	vadd.f32 v50, v49  }
0x1d0: {  	v55 =	vmul.f32 v48, v2;
	v22 =	vmul.f32 v42, v1;
	v23 =	vadd.f32 v23, v53  }
0x1d1: {  	v25 =	vmul.f32 v51, v2;
	v21 =	vadd.f32 v21, v28;
	v20 =	vadd.f32 v26, v20  }
0x1d2: {  	v56 =	vmul.f32 v52, v1;
	v23 =	vadd.f32 v55, v23  }
0x1d3: {  	v57 =	vmul.f32 v54, v1;
	v21 =	vadd.f32 v25, v21;
	v20 =	vadd.f32 v22, v20  }
0x1d4: {  	v23 =	vadd.f32 v56, v23;
	v58 =	vpop (erf)  }
0x1d5: {  	v21 =	vadd.f32 v57, v21;
	v20 =	vmul.f32 v58, v20  }
0x1d6: {  	v59 =	vmul.f32 v58, v23  }
0x1d7: {  	v60 =	vmul.f32 v58, v21;
	[tilespmem:s10+$0x13200] =	vst v20  }
0x1d8: {  	[tilespmem:s10+$0x14200] =	vst v59  }
0x1d9: {  	[tilespmem:s10+$0x15200] =	vst v60  }
0x1da: {  	v20 =	vld.idx.msk [tilespmem:v7+s13+$0x0], $0xffff  }
0x1db: {  	v61 =	vld.idx.msk [tilespmem:v9+s13+$0x0], $0xffff;
	_ =	sdelay $0x1  }
0x1dc: {  	v22 =	vld.idx.msk [tilespmem:v12+s13+$0x0], $0xffff;
	_ =	sdelay $0x1  }
0x1dd: {  	v62 =	vld.idx.msk [tilespmem:v17+s13+$0x0], $0xffff  }
0x1de: {  	v63 =	vld.idx.msk [tilespmem:v5+s13+$0x0], $0xffff;
	v20 =	vmul.f32 v20, v0;
	v21 =	vmul.f32 v61, v3  }
0x1df: {  	v32 =	vld.idx.msk [tilespmem:v4+s13+$0x0], $0xffff  }
0x1e0: {  	v33 =	vld.idx.msk [tilespmem:v6+s13+$0x0], $0xffff;
	v34 =	vmul.f32 v22, v2;
	v20 =	vadd.f32 v21, v20  }
0x1e1: {  	v35 =	vld.idx.msk [tilespmem:v8+s13+$0x0], $0xffff  }
0x1e2: {  	v36 =	vld.idx.msk [tilespmem:v10+s13+$0x0], $0xffff;
	v37 =	vmul.f32 v62, v1;
	v20 =	vadd.f32 v34, v20  }
0x1e3: {  	v38 =	vld.idx.msk [tilespmem:v11+s13+$0x0], $0xffff  }
0x1e4: {  	v39 =	vld.idx.msk [tilespmem:v13+s13+$0x0], $0xffff;
	v20 =	vadd.f32 v37, v20  }
0x1e5: {  	v40 =	vld.idx.msk [tilespmem:v14+s13+$0x0], $0xffff  }
0x1e6: {  	v41 =	vld.idx.msk [tilespmem:v18+s13+$0x0], $0xffff;
	(erf) = vrcp.f32 v20  }
0x1e7: {  	v44 =	vld.idx.msk [tilespmem:v15+s13+$0x0], $0xffff;
	v42 =	vmul.f32 v63, v0  }
0x1e8: {  	v45 =	vld.idx.msk [tilespmem:v19+s13+$0x0], $0xffff;
	v43 =	vmul.f32 v32, v3;
	v26 =	vmul.f32 v33, v2  }
0x1e9: {  	v47 =	vld.idx.msk [tilespmem:v16+s13+$0x0], $0xffff;
	v46 =	vmul.f32 v36, v0;
	v23 =	vmul.f32 v38, v3  }
0x1ea: {  	v28 =	vmul.f32 v39, v0;
	v21 =	vmul.f32 v40, v3;
	v20 =	vadd.f32 v43, v42  }
0x1eb: {  	v48 =	vmul.f32 v41, v2;
	v22 =	vmul.f32 v35, v1;
	v23 =	vadd.f32 v23, v46  }
0x1ec: {  	v25 =	vmul.f32 v44, v2;
	v21 =	vadd.f32 v21, v28;
	v20 =	vadd.f32 v26, v20  }
0x1ed: {  	v49 =	vmul.f32 v45, v1;
	v23 =	vadd.f32 v48, v23  }
0x1ee: {  	v50 =	vmul.f32 v47, v1;
	v21 =	vadd.f32 v25, v21;
	v20 =	vadd.f32 v22, v20  }
0x1ef: {  	v23 =	vadd.f32 v49, v23;
	v51 =	vpop (erf)  }
0x1f0: {  	v21 =	vadd.f32 v50, v21;
	v20 =	vmul.f32 v51, v20  }
0x1f1: {  	v52 =	vmul.f32 v51, v23  }
0x1f2: {  	v53 =	vmul.f32 v51, v21;
	[tilespmem:s10+$0x13280] =	vst v20  }
0x1f3: {  	[tilespmem:s10+$0x14280] =	vst v52  }
0x1f4: {  	[tilespmem:s10+$0x15280] =	vst v53  }
0x1f5: {  	v20 =	vld.idx.msk [tilespmem:v7+s15+$0x0], $0xffff  }
0x1f6: {  	v54 =	vld.idx.msk [tilespmem:v9+s15+$0x0], $0xffff;
	_ =	sdelay $0x1  }
0x1f7: {  	v22 =	vld.idx.msk [tilespmem:v12+s15+$0x0], $0xffff;
	_ =	sdelay $0x1  }
0x1f8: {  	v55 =	vld.idx.msk [tilespmem:v17+s15+$0x0], $0xffff  }
0x1f9: {  	v56 =	vld.idx.msk [tilespmem:v5+s15+$0x0], $0xffff;
	v20 =	vmul.f32 v20, v0;
	v21 =	vmul.f32 v54, v3  }
0x1fa: {  	v57 =	vld.idx.msk [tilespmem:v4+s15+$0x0], $0xffff  }
0x1fb: {  	v58 =	vld.idx.msk [tilespmem:v6+s15+$0x0], $0xffff;
	v59 =	vmul.f32 v22, v2;
	v20 =	vadd.f32 v21, v20  }
0x1fc: {  	v60 =	vld.idx.msk [tilespmem:v8+s15+$0x0], $0xffff  }
0x1fd: {  	v61 =	vld.idx.msk [tilespmem:v10+s15+$0x0], $0xffff;
	v62 =	vmul.f32 v55, v1;
	v20 =	vadd.f32 v59, v20  }
0x1fe: {  	v63 =	vld.idx.msk [tilespmem:v11+s15+$0x0], $0xffff  }
0x1ff: {  	v33 =	vld.idx.msk [tilespmem:v13+s15+$0x0], $0xffff;
	v20 =	vadd.f32 v62, v20  }
0x200: {  	v34 =	vld.idx.msk [tilespmem:v14+s15+$0x0], $0xffff  }
0x201: {  	v35 =	vld.idx.msk [tilespmem:v18+s15+$0x0], $0xffff;
	(erf) = vrcp.f32 v20  }
0x202: {  	v38 =	vld.idx.msk [tilespmem:v15+s15+$0x0], $0xffff;
	v36 =	vmul.f32 v56, v0  }
0x203: {  	v39 =	vld.idx.msk [tilespmem:v19+s15+$0x0], $0xffff;
	v37 =	vmul.f32 v57, v3;
	v26 =	vmul.f32 v58, v2  }
0x204: {  	v41 =	vld.idx.msk [tilespmem:v16+s15+$0x0], $0xffff;
	v40 =	vmul.f32 v61, v0;
	v23 =	vmul.f32 v63, v3  }
0x205: {  	v28 =	vmul.f32 v33, v0;
	v21 =	vmul.f32 v34, v3;
	v20 =	vadd.f32 v37, v36  }
0x206: {  	v42 =	vmul.f32 v35, v2;
	v22 =	vmul.f32 v60, v1;
	v23 =	vadd.f32 v23, v40  }
0x207: {  	v25 =	vmul.f32 v38, v2;
	v21 =	vadd.f32 v21, v28;
	v20 =	vadd.f32 v26, v20  }
0x208: {  	v43 =	vmul.f32 v39, v1;
	v23 =	vadd.f32 v42, v23  }
0x209: {  	v44 =	vmul.f32 v41, v1;
	v21 =	vadd.f32 v25, v21;
	v20 =	vadd.f32 v22, v20  }
0x20a: {  	v23 =	vadd.f32 v43, v23;
	v45 =	vpop (erf)  }
0x20b: {  	v21 =	vadd.f32 v44, v21;
	v20 =	vmul.f32 v45, v20  }
0x20c: {  	v46 =	vmul.f32 v45, v23  }
0x20d: {  	v47 =	vmul.f32 v45, v21;
	[tilespmem:s10+$0x13300] =	vst v20  }
0x20e: {  	[tilespmem:s10+$0x14300] =	vst v46  }
0x20f: {  	[tilespmem:s10+$0x15300] =	vst v47  }
0x210: {  	v7 =	vld.idx.msk [tilespmem:v7+s5+$0x0], $0xffff  }
0x211: {  	v9 =	vld.idx.msk [tilespmem:v9+s5+$0x0], $0xffff;
	_ =	sdelay $0x1  }
0x212: {  	v12 =	vld.idx.msk [tilespmem:v12+s5+$0x0], $0xffff;
	_ =	sdelay $0x1  }
0x213: {  	v17 =	vld.idx.msk [tilespmem:v17+s5+$0x0], $0xffff  }
0x214: {  	v5 =	vld.idx.msk [tilespmem:v5+s5+$0x0], $0xffff;
	v7 =	vmul.f32 v7, v0;
	v9 =	vmul.f32 v9, v3  }
0x215: {  	v4 =	vld.idx.msk [tilespmem:v4+s5+$0x0], $0xffff  }
0x216: {  	v6 =	vld.idx.msk [tilespmem:v6+s5+$0x0], $0xffff;
	v48 =	vmul.f32 v12, v2;
	v7 =	vadd.f32 v9, v7  }
0x217: {  	v8 =	vld.idx.msk [tilespmem:v8+s5+$0x0], $0xffff  }
0x218: {  	v10 =	vld.idx.msk [tilespmem:v10+s5+$0x0], $0xffff;
	v49 =	vmul.f32 v17, v1;
	v7 =	vadd.f32 v48, v7  }
0x219: {  	v11 =	vld.idx.msk [tilespmem:v11+s5+$0x0], $0xffff  }
0x21a: {  	v50 =	vld.idx.msk [tilespmem:v13+s5+$0x0], $0xffff;
	v7 =	vadd.f32 v49, v7  }
0x21b: {  	v51 =	vld.idx.msk [tilespmem:v14+s5+$0x0], $0xffff  }
0x21c: {  	v52 =	vld.idx.msk [tilespmem:v18+s5+$0x0], $0xffff;
	(erf) = vrcp.f32 v7  }
0x21d: {  	v53 =	vld.idx.msk [tilespmem:v15+s5+$0x0], $0xffff;
	v5 =	vmul.f32 v5, v0  }
0x21e: {  	v54 =	vld.idx.msk [tilespmem:v19+s5+$0x0], $0xffff;
	v4 =	vmul.f32 v4, v3;
	v6 =	vmul.f32 v6, v2  }
0x21f: {  	v57 =	vld.idx.msk [tilespmem:v16+s5+$0x0], $0xffff;
	v55 =	vmul.f32 v10, v0;
	v56 =	vmul.f32 v11, v3  }
0x220: {  	v0 =	vmul.f32 v50, v0;
	v3 =	vmul.f32 v51, v3;
	v4 =	vadd.f32 v4, v5  }
0x221: {  	v58 =	vmul.f32 v52, v2;
	v8 =	vmul.f32 v8, v1;
	v5 =	vadd.f32 v56, v55  }
0x222: {  	v2 =	vmul.f32 v53, v2;
	v0 =	vadd.f32 v3, v0;
	v4 =	vadd.f32 v6, v4  }
0x223: {  	v60 =	vmul.f32 v54, v1;
	v59 =	vadd.f32 v58, v5  }
0x224: {  	v1 =	vmul.f32 v57, v1;
	v0 =	vadd.f32 v2, v0;
	v4 =	vadd.f32 v8, v4  }
0x225: {  	p0 =	sne.s32 s7, $0x1F0;
	v61 =	vadd.f32 v60, v59;
	v62 =	vpop (erf)  }
.Ltmp6:
0x226: {  	s6 =	sor.u32 s25, s7;
	v0 =	vadd.f32 v1, v0;
	v63 =	vmul.f32 v62, v4;
	(pc) =	sbr.rel @p0 .LBB2_9-.Ltmp6, $4  }
0x227: {  	s6 =	sor.u32 $0x380, s6;
	v2 =	vmul.f32 v62, v61  }
0x228: {  	v0 =	vmul.f32 v62, v0;
	[tilespmem:s6+$0x13000] =	vst v63  }
0x229: {  	s26 =	sadd.s32 $0x10, s26;
	[tilespmem:s10+$0x14380] =	vst v2  }
0x22a: {  	s25 =	sadd.s32 $0x80, s25;
	s28 =	sadd.s32 $0x10, s28;
	s7 =	sadd.s32 $0x10, s7;
	[tilespmem:s10+$0x15380] =	vst v0  }
0x22b: {  	s6 =	sor.u32 $0x200, s11  }
0x22c: {  	s10 =	simm.s32 $0x13000;
	p0 =	seq.s32 s14, $0x7;
	s7 =	sadd.s32 s3, s6  }
0x22d: {  	[hbm4b:s7+s4] =	stream.linear.scatter [tilespmem:s10], [sflag:$0x4], $0x1000, $0x38;
	[tilespmem:$0x16A00] =	vst v63  }
.Ltmp7:
0x22e: {  	s25 =	sor.u32 $0x40200, s11;
	(pc) =	sbr.rel @p0 .LBB2_12-.Ltmp7, $4  }
0x22f: {  	s26 =	simm.s32 $0x14000;
	s7 =	sadd.s32 s3, s25  }
0x230: {  	[hbm4b:s7+s4] =	stream.linear.scatter [tilespmem:s26], [sflag:$0x4], $0x1000, $0x38;
	[tilespmem:$0x16A00] =	vst v63  }
0x231: {  	s28 =	simm.s32 $0x15000;
	s6 =	sadd.s32 s6, s9  }
0x232: {  	[hbm4b:s6+s4] =	stream.linear.scatter [tilespmem:s28], [sflag:$0x4], $0x1000, $0x38;
	[tilespmem:$0x16A00] =	vst v63  }
.Ltmp8:
0x233: {  	(pc) =	sbr.rel .LBB2_2-.Ltmp8, $4  }
0x234: {  	_ = 	snop  }
0x235: {  	s6 =	sshll.u32 s14, $0xD  }
0x236: {  	s14 =	sadd.s32 $0x1, s14;
	s6 =	sadd.s32 s12, s6  }
0x237: {  	[tilespmem:s16], [sflag:$0x2] =	stream.linear.gather [hbm4b:s6+s4], $0x8000, $0x38;
	[tilespmem:$0x16A00] =	vst v63  }
.LBB2_13:
0x238: {  	_ =	sfence.sel $0x180000  }
0x239: {  	[bflag:$0x0] =	sbarrier.arrive $0xFFFF  }
0x23a: {  	_ =	strace $0x90000047  }
0x23b: {  	s0 =	stileid.u32;
	[bflag:$0x2] =	sbarrier.arrive $0xFFFF  }
0x23c: {  	p0 =	sne.s32 s0, $0x0;
	s0 =	rddreg [dreg:$0x4]  }
0x23d: {  	s0 =	sadd.s32 @!p0 $0x100000, s0  }
0x23e: {  	[sflag:s0] =	ssyncadd.tile.s32 @!p0 $0x1;
	_ =	shalt  }
.Lfunc_end2:
_tile_overlayer_lowered:
.L_overlay_start_2:
0x23f: {  	(tag) =	ssettag $0x2  }
0x240: {  	s0 =	rddreg [dreg:$0x0];
	s2 =	stileid.u32  }
0x241: {  	s1 =	rddreg [dreg:$0x1];
	p0 =	sne.s32 s2, $0x0  }
0x242: {  	s3 =	rddreg [dreg:$0x2];
	[bflag:$0x3] =	sbarrier.arrive $0xFFFF;
	s2 =	simm.s32 @!p0 $0x1C05  }
0x243: {  	[timem:s3], [sflag:s2] =	dma.local @!p0 [hbm:s0], s1  }
0x244: {  	s0 =	simm.s32 @!p0 $0x5  }
0x245: {  	_ =	swait.ge @!p0 [sflag:s0], s1  }
0x246: {  	s1 =	ssub.s32 @!p0 $0x0, s1;
	[sflag:s0] =	ssyncset.done @!p0 $0x0  }
0x247: {  	[sflag:s0] =	ssyncadd.s32 @!p0 s1  }
0x248: {  	[bflag:$0x3] =	sbarrier.arrive $0xFFFF  }
0x249: {  	_ =	shalt  }

</sc_bundles>
